<compile_context>
chip_gen: v7x
topology: tpu7x:2x2x1
jax: 0.10.2.dev20260603
libtpu: 0.0.44.dev20260713+nightly
codegen_flags: <defaults>
</compile_context>

<pallas_src>
import functools

import jax
import jax.numpy as jnp
from jax import lax
from jax.experimental import pallas as pl
from jax.experimental.pallas import tpu as pltpu
from jax.experimental.pallas import tpu_sc as plsc

POS_DIM = 16
H = 4
D = 32
HD2 = H * D // 2

NC = 2
NS = 16
CHUNK = 80


def _proj_body(feat_ref, wh_ref, wa_ref, hc_ref, attn_ref):
    x = feat_ref[...]
    hc = jnp.dot(x, wh_ref[...], preferred_element_type=jnp.float32)
    hc_ref[0] = hc[:, :HD2]
    hc_ref[1] = hc[:, HD2:]
    attn_ref[...] = jnp.dot(x, wa_ref[...], preferred_element_type=jnp.float32)


def _node_proj(feat, W_h, W_a, block_rows):
    n = feat.shape[0]
    grid = n // block_rows
    return pl.pallas_call(
        _proj_body,
        grid=(grid,),
        in_specs=[
            pl.BlockSpec((block_rows, feat.shape[1]), lambda i: (i, 0)),
            pl.BlockSpec(W_h.shape, lambda i: (0, 0)),
            pl.BlockSpec(W_a.shape, lambda i: (0, 0)),
        ],
        out_specs=[
            pl.BlockSpec((NC, block_rows, HD2), lambda i: (0, i, 0)),
            pl.BlockSpec((block_rows, W_a.shape[1]), lambda i: (i, 0)),
        ],
        out_shape=[
            jax.ShapeDtypeStruct((NC, n, HD2), jnp.float32),
            jax.ShapeDtypeStruct((n, W_a.shape[1]), jnp.float32),
        ],
    )(feat, W_h, W_a)


def _edge_kernel(n_nodes, n_edges):
    ept = n_edges // NS
    n_chunks = ept // CHUNK
    rpt = n_nodes // NS
    mesh = plsc.VectorSubcoreMesh(core_axis_name="c", subcore_axis_name="s")

    @functools.partial(
        pl.kernel,
        mesh=mesh,
        compiler_params=pltpu.CompilerParams(
            needs_layout_passes=False, use_tc_tiling_on_sc=False),
        out_type=[
            jax.ShapeDtypeStruct((NC, NS, rpt, HD2), jnp.float32),
            jax.ShapeDtypeStruct((NC, NS, rpt, 8), jnp.float32),
        ],
        scratch_types=[
            pltpu.VMEM((n_nodes * 4,), jnp.float32),
            pltpu.VMEM((CHUNK,), jnp.int32),
            pltpu.VMEM((CHUNK,), jnp.int32),
            pltpu.VMEM((CHUNK,), jnp.int32),
            pltpu.VMEM((CHUNK,), jnp.int32),
            pltpu.VMEM((CHUNK,), jnp.int32),
            pltpu.VMEM((CHUNK,), jnp.int32),
            pltpu.VMEM((CHUNK, HD2), jnp.float32),
            pltpu.VMEM((CHUNK, HD2), jnp.float32),
            pltpu.VMEM((CHUNK, 8), jnp.float32),
            pltpu.VMEM((CHUNK, 8), jnp.float32),
            pltpu.VMEM_SHARED((n_nodes, HD2), jnp.float32),
            pltpu.VMEM_SHARED((n_nodes, 8), jnp.float32),
            pltpu.SemaphoreType.DMA,
            pltpu.SemaphoreType.DMA,
        ],
    )
    def kern(att0_hbm, att1_hbm, src_hbm, dst_hbm, hc_hbm, zmsg_hbm, zden_hbm,
             out_msg, out_den,
             att_v, src_v0, src_v1, dst_v0, dst_v1, gid_v0, gid_v1,
             rows_v0, rows_v1, ex_v0, ex_v1, msg_sh, den_sh, sem0, sem1):
        cid = lax.axis_index("c")
        sid = lax.axis_index("s")
        bufs = ((src_v0, dst_v0, gid_v0, rows_v0, ex_v0, sem0),
                (src_v1, dst_v1, gid_v1, rows_v1, ex_v1, sem1))

        @pl.when(cid == 0)
        def _():
            pltpu.sync_copy(att0_hbm, att_v)

        @pl.when(cid == 1)
        def _():
            pltpu.sync_copy(att1_hbm, att_v)

        pltpu.sync_copy(zmsg_hbm, msg_sh.at[pl.ds(sid * rpt, rpt)])
        pltpu.sync_copy(zden_hbm, den_sh.at[pl.ds(sid * rpt, rpt)])
        pltpu.sync_copy(zden_hbm.at[pl.ds(0, CHUNK)], ex_v0)
        pltpu.sync_copy(zden_hbm.at[pl.ds(0, CHUNK)], ex_v1)
        plsc.subcore_barrier()

        lanes = lax.iota(jnp.int32, 16)
        row_off = cid * n_nodes

        def start_chunk(ci, b):
            src_v, dst_v, gid_v, rows_v, ex_v, sem = b
            base = pl.multiple_of(sid * ept + ci * CHUNK, 16)
            pltpu.sync_copy(src_hbm.at[pl.ds(base, CHUNK)], src_v)
            pltpu.sync_copy(dst_hbm.at[pl.ds(base, CHUNK)], dst_v)

            def logits(g, carry):
                off = g * 16
                src16 = src_v[pl.ds(off, 16)]
                dst16 = dst_v[pl.ds(off, 16)]
                gid_v[pl.ds(off, 16)] = src16 + row_off
                for hh in range(2):
                    s = plsc.load_gather(att_v, [src16 * 4 + hh])
                    d = plsc.load_gather(att_v, [dst16 * 4 + (2 + hh)])
                    x = s + d
                    ex = jnp.exp(jnp.maximum(x, x * 0.2))
                    plsc.store_scatter(
                        ex_v, [off + lanes, jnp.full((16,), hh, jnp.int32)],
                        ex)
                return carry

            lax.fori_loop(0, CHUNK // 16, logits, 0)
            pltpu.async_copy(hc_hbm.at[gid_v], rows_v, sem)

        def finish_chunk(b):
            src_v, dst_v, gid_v, rows_v, ex_v, sem = b
            pltpu.make_async_copy(hc_hbm.at[gid_v], rows_v, sem).wait()

            def scale(g, carry):
                off = g * 16
                ex0 = plsc.load_gather(
                    ex_v, [off + lanes, jnp.zeros((16,), jnp.int32)])
                ex1 = plsc.load_gather(
                    ex_v, [off + lanes, jnp.full((16,), 1, jnp.int32)])
                for e in range(16):
                    row = off + e
                    for hh, exv in ((0, ex0), (1, ex1)):
                        vsc = jnp.full((16,), exv[e])
                        for j in range(2):
                            col = hh * D + j * 16
                            rows_v[row, pl.ds(col, 16)] = (
                                rows_v[row, pl.ds(col, 16)] * vsc)
                return carry

            lax.fori_loop(0, CHUNK // 16, scale, 0)
            pltpu.sync_copy(rows_v, msg_sh.at[dst_v], add=True)
            pltpu.sync_copy(ex_v, den_sh.at[dst_v], add=True)

        n_steps = n_chunks // 2
        start_chunk(0, bufs[0])
        start_chunk(1, bufs[1])

        def step(i, carry):
            finish_chunk(bufs[0])

            @pl.when(i < n_steps - 1)
            def _():
                start_chunk(2 * i + 2, bufs[0])

            finish_chunk(bufs[1])

            @pl.when(i < n_steps - 1)
            def _():
                start_chunk(2 * i + 3, bufs[1])

            return carry

        lax.fori_loop(0, n_steps, step, 0)
        plsc.subcore_barrier()

        pltpu.sync_copy(msg_sh.at[pl.ds(sid * rpt, rpt)], out_msg.at[cid, sid])
        pltpu.sync_copy(den_sh.at[pl.ds(sid * rpt, rpt)], out_den.at[cid, sid])

    return kern


def _finish_body(msg_ref, den_ref, feat_ref, out_ref):
    parts = []
    for c in range(NC):
        for hh in range(2):
            m = msg_ref[c][:, hh * D:(hh + 1) * D]
            dn = den_ref[c][:, hh:hh + 1]
            parts.append(m / (dn + 1e-9))
    out_ref[...] = feat_ref[...] + jnp.concatenate(parts, axis=1)


def _finish(msg, den, feat, block_rows):
    n = feat.shape[0]
    grid = n // block_rows
    return pl.pallas_call(
        _finish_body,
        grid=(grid,),
        in_specs=[
            pl.BlockSpec((NC, block_rows, HD2), lambda i: (0, i, 0)),
            pl.BlockSpec((NC, block_rows, 8), lambda i: (0, i, 0)),
            pl.BlockSpec((block_rows, H * D), lambda i: (i, 0)),
        ],
        out_specs=pl.BlockSpec((block_rows, H * D), lambda i: (i, 0)),
        out_shape=jax.ShapeDtypeStruct((n, H * D), jnp.float32),
    )(msg, den, feat)


def kernel(feat, edge_index, W_content, W_pos, attn_src, attn_dst,
           pos_attn_src, pos_attn_dst, att_comb):
    n, in_dim = feat.shape
    e = edge_index.shape[1]
    content_dim = in_dim - POS_DIM

    c0 = att_comb[:, 0]
    c1 = att_comb[:, 1]
    wc3 = W_content.reshape(content_dim, H, D)
    wp3 = W_pos.reshape(POS_DIM, H, D // 4)
    a_src_c = jnp.einsum("chd,hd->ch", wc3, attn_src[0]) * c0
    a_dst_c = jnp.einsum("chd,hd->ch", wc3, attn_dst[0]) * c0
    a_src_p = jnp.einsum("phk,hk->ph", wp3, pos_attn_src[0]) * c1
    a_dst_p = jnp.einsum("phk,hk->ph", wp3, pos_attn_dst[0]) * c1
    W_a = jnp.concatenate(
        [jnp.concatenate([a_src_c, a_src_p], axis=0),
         jnp.concatenate([a_dst_c, a_dst_p], axis=0)], axis=1)
    W_h = jnp.concatenate(
        [W_content, jnp.zeros((POS_DIM, H * D), jnp.float32)], axis=0)

    hc2, attn8 = _node_proj(feat, W_h, W_a, block_rows=1000)

    att_tabs = []
    for c in range(NC):
        att_tabs.append(jnp.concatenate(
            [attn8[:, 2 * c:2 * c + 2], attn8[:, 4 + 2 * c:4 + 2 * c + 2]],
            axis=1).reshape(-1))

    zmsg = jnp.zeros((n // NS, HD2), jnp.float32)
    zden = jnp.zeros((n // NS, 8), jnp.float32)
    out_msg, out_den = _edge_kernel(n, e)(
        att_tabs[0], att_tabs[1], edge_index[0], edge_index[1],
        hc2.reshape(NC * n, HD2), zmsg, zden)

    return _finish(out_msg.reshape(NC, n, HD2),
                   out_den.reshape(NC, n, 8), feat, block_rows=1000)

# --- scband reference (transcript-rebuilt; emitter-appended) ---
"""Pipeline reference for scband-combined-gatlayer-16123307229581 (READ-ONLY COPY).

The authoritative reference and input builder live on the scoring server;
editing this copy changes nothing except your own understanding.
"""

import jax, jax.numpy as jnp
import numpy as np

N = 10000
E = 320000
IN_DIM = 128
POS_DIM = 16
H = 4
D = 32
CONTENT_DIM = IN_DIM - POS_DIM  # 112


def setup_inputs(seed: int = 0) -> dict:
    key = jax.random.key(seed)
    ks = jax.random.split(key, 10)
    feat = jax.random.normal(ks[0], (N, IN_DIM), dtype=jnp.float32)
    edge_index = jax.random.randint(ks[1], (2, E), 0, N, dtype=jnp.int32)
    # learned parameters (xavier-ish scale)
    W_content = jax.random.normal(ks[2], (CONTENT_DIM, H * D), dtype=jnp.float32) * (1.0 / np.sqrt(CONTENT_DIM))
    W_pos = jax.random.normal(ks[3], (POS_DIM, (D // 4) * H), dtype=jnp.float32) * (1.0 / np.sqrt(POS_DIM))
    attn_src = jax.random.normal(ks[4], (1, H, D), dtype=jnp.float32) * 0.1
    attn_dst = jax.random.normal(ks[5], (1, H, D), dtype=jnp.float32) * 0.1
    pos_attn_src = jax.random.normal(ks[6], (1, H, D // 4), dtype=jnp.float32) * 0.1
    pos_attn_dst = jax.random.normal(ks[7], (1, H, D // 4), dtype=jnp.float32) * 0.1
    att_comb = jnp.full((H, 2), 0.5, dtype=jnp.float32)
    return {
        "feat": feat,
        "edge_index": edge_index,
        "W_content": W_content,
        "W_pos": W_pos,
        "attn_src": attn_src,
        "attn_dst": attn_dst,
        "pos_attn_src": pos_attn_src,
        "pos_attn_dst": pos_attn_dst,
        "att_comb": att_comb,
    }


def reference(feat, edge_index, W_content, W_pos, attn_src, attn_dst, pos_attn_src, pos_attn_dst, att_comb):
    # Eval-mode forward of CombinedGATLayer (feat_drop=0, diversity_loss=0 in eval)
    src = edge_index[0]
    dst = edge_index[1]
    content = feat[:, :-POS_DIM]
    pos = feat[:, -POS_DIM:]
    h_content = (content @ W_content).reshape(-1, H, D)           # [N, H, D]
    h_pos = (pos @ W_pos).reshape(-1, H, D // 4)                   # [N, H, D//4]
    # per-edge attention logits (gather src/dst node projections)
    src_attn = (h_content[src] * attn_src).sum(-1)                 # [E, H]
    dst_attn = (h_content[dst] * attn_dst).sum(-1)                 # [E, H]
    content_e = src_attn + dst_attn
    src_pos_attn = (h_pos[src] * pos_attn_src).sum(-1)             # [E, H]
    dst_pos_attn = (h_pos[dst] * pos_attn_dst).sum(-1)             # [E, H]
    pos_e = src_pos_attn + dst_pos_attn
    combined_e = content_e * att_comb[:, 0][None, :] + pos_e * att_comb[:, 1][None, :]
    combined_e = jax.nn.leaky_relu(combined_e, negative_slope=0.2)
    # edge_softmax: normalize over incoming edges per destination node
    emax = jax.ops.segment_max(combined_e, dst, num_segments=N)
    emax = jnp.where(jnp.isfinite(emax), emax, 0.0)
    ex = jnp.exp(combined_e - jax.lax.stop_gradient(emax)[dst])
    denom = jax.ops.segment_sum(ex, dst, num_segments=N)
    a = ex / (denom[dst] + 1e-9)                                   # [E, H]
    # message passing: u_mul_e + sum
    msg = h_content[src] * a[:, :, None]                           # [E, H, D]
    ft = jax.ops.segment_sum(msg, dst, num_segments=N)             # [N, H, D]
    h = ft.reshape(-1, H * D)                                      # [N, H*D]
    # residual: in_dim == out_dim*num_heads -> identity residual
    h = h + feat
    return h

if __name__ == "__main__":
    import jax
    _d = setup_inputs()
    print(jax.jit(kernel)(*tuple(_d.values())))

</pallas_src>

<mosaic_0001>
#map = affine_map<(d0, d1) -> (0)>
#map1 = affine_map<(d0, d1) -> (0, 0)>
#map2 = affine_map<(d0, d1) -> (0, 0, 0, 0)>
module attributes {stable_mosaic.version = 14 : i64} {
  func.func @kern(%arg0: i32, %arg1: i32, %arg2: memref<40000xf32, #tpu.memory_space<hbm>>, %arg3: memref<40000xf32, #tpu.memory_space<hbm>>, %arg4: memref<320000xi32, #tpu.memory_space<hbm>>, %arg5: memref<320000xi32, #tpu.memory_space<hbm>>, %arg6: memref<20000x64xf32, #tpu.memory_space<hbm>>, %arg7: memref<625x64xf32, #tpu.memory_space<hbm>>, %arg8: memref<625x8xf32, #tpu.memory_space<hbm>>, %arg9: memref<2x16x625x64xf32, #tpu.memory_space<hbm>>, %arg10: memref<2x16x625x8xf32, #tpu.memory_space<hbm>>, %arg11: memref<40000xf32, #tpu.memory_space<vmem>>, %arg12: memref<80xi32, #tpu.memory_space<vmem>>, %arg13: memref<80xi32, #tpu.memory_space<vmem>>, %arg14: memref<80xi32, #tpu.memory_space<vmem>>, %arg15: memref<80xi32, #tpu.memory_space<vmem>>, %arg16: memref<80xi32, #tpu.memory_space<vmem>>, %arg17: memref<80xi32, #tpu.memory_space<vmem>>, %arg18: memref<80x64xf32, #tpu.memory_space<vmem>>, %arg19: memref<80x64xf32, #tpu.memory_space<vmem>>, %arg20: memref<80x8xf32, #tpu.memory_space<vmem>>, %arg21: memref<80x8xf32, #tpu.memory_space<vmem>>, %arg22: memref<10000x64xf32, #tpu.memory_space<vmem_shared>>, %arg23: memref<10000x8xf32, #tpu.memory_space<vmem_shared>>, %arg24: memref<!tpu.dma_semaphore, #tpu.memory_space<semaphore_mem>>, %arg25: memref<!tpu.dma_semaphore, #tpu.memory_space<semaphore_mem>>) attributes {dimension_semantics = [#tpu.dimension_semantics<core_parallel>, #tpu.dimension_semantics<subcore_parallel>], iteration_bounds = array<i64: 2, 16>, scalar_prefetch = 0 : i64, scratch_operands = 15 : i64, tpu.core_type = #tpu.core_type<sc_vector_subcore>, window_params = [{transform_indices = #map}, {transform_indices = #map}, {transform_indices = #map}, {transform_indices = #map}, {transform_indices = #map1}, {transform_indices = #map1}, {transform_indices = #map1}, {transform_indices = #map2}, {transform_indices = #map2}]} {
    %eq3A = arith.constant 0 : i32
    %eq3A_0 = arith.cmpi eq, %arg0, %eq3A : i32
    %convert_element_type3A = arith.extui %eq3A_0 : i1 to i32
    %cond3A = arith.constant 0 : i32
    %cond3A_1 = arith.cmpi ne, %convert_element_type3A, %cond3A : i32
    scf.if %cond3A_1 {
      "tpu.region"() ({
        %run_scoped3A = tpu.sem_alloc : memref<!tpu.dma_semaphore, #tpu.memory_space<semaphore_mem>>
        tpu.enqueue_dma source(%arg2 : memref<40000xf32, #tpu.memory_space<hbm>>) target(%arg11 : memref<40000xf32, #tpu.memory_space<vmem>>) target_semaphore(%run_scoped3A : memref<!tpu.dma_semaphore, #tpu.memory_space<semaphore_mem>>)
        tpu.wait_dma2 semaphore(%run_scoped3A : memref<!tpu.dma_semaphore, #tpu.memory_space<semaphore_mem>>) src(%arg2 : memref<40000xf32, #tpu.memory_space<hbm>>) dst(%arg11 : memref<40000xf32, #tpu.memory_space<vmem>>)
        tpu.yield
      }) : () -> ()
    } else {
    }
    %eq3A_2 = arith.constant 1 : i32
    %eq3A_3 = arith.cmpi eq, %arg0, %eq3A_2 : i32
    %convert_element_type3A_4 = arith.extui %eq3A_3 : i1 to i32
    %cond3A_5 = arith.constant 0 : i32
    %cond3A_6 = arith.cmpi ne, %convert_element_type3A_4, %cond3A_5 : i32
    scf.if %cond3A_6 {
      "tpu.region"() ({
        %run_scoped3A = tpu.sem_alloc : memref<!tpu.dma_semaphore, #tpu.memory_space<semaphore_mem>>
        tpu.enqueue_dma source(%arg3 : memref<40000xf32, #tpu.memory_space<hbm>>) target(%arg11 : memref<40000xf32, #tpu.memory_space<vmem>>) target_semaphore(%run_scoped3A : memref<!tpu.dma_semaphore, #tpu.memory_space<semaphore_mem>>)
        tpu.wait_dma2 semaphore(%run_scoped3A : memref<!tpu.dma_semaphore, #tpu.memory_space<semaphore_mem>>) src(%arg3 : memref<40000xf32, #tpu.memory_space<hbm>>) dst(%arg11 : memref<40000xf32, #tpu.memory_space<vmem>>)
        tpu.yield
      }) : () -> ()
    } else {
    }
    %mul3A = arith.constant 625 : i32
    %mul3A_7 = arith.muli %arg1, %mul3A : i32
    "tpu.region"() ({
      %run_scoped3A = tpu.sem_alloc : memref<!tpu.dma_semaphore, #tpu.memory_space<semaphore_mem>>
      %dma_start3A_47 = arith.constant 0 : i32
      %dma_start3A_48 = tpu.memref_slice %arg22[%mul3A_7, %dma_start3A_47] : memref<10000x64xf32, #tpu.memory_space<vmem_shared>> -> memref<625x64xf32, #tpu.memory_space<vmem_shared>>
      tpu.enqueue_dma source(%arg7 : memref<625x64xf32, #tpu.memory_space<hbm>>) target(%dma_start3A_48 : memref<625x64xf32, #tpu.memory_space<vmem_shared>>) target_semaphore(%run_scoped3A : memref<!tpu.dma_semaphore, #tpu.memory_space<semaphore_mem>>)
      %dma_wait3A = arith.constant 0 : i32
      %dma_wait3A_49 = tpu.memref_slice %arg22[%mul3A_7, %dma_wait3A] : memref<10000x64xf32, #tpu.memory_space<vmem_shared>> -> memref<625x64xf32, #tpu.memory_space<vmem_shared>>
      tpu.wait_dma2 semaphore(%run_scoped3A : memref<!tpu.dma_semaphore, #tpu.memory_space<semaphore_mem>>) src(%arg7 : memref<625x64xf32, #tpu.memory_space<hbm>>) dst(%dma_wait3A_49 : memref<625x64xf32, #tpu.memory_space<vmem_shared>>)
      tpu.yield
    }) : () -> ()
    %mul3A_8 = arith.constant 625 : i32
    %mul3A_9 = arith.muli %arg1, %mul3A_8 : i32
    "tpu.region"() ({
      %run_scoped3A = tpu.sem_alloc : memref<!tpu.dma_semaphore, #tpu.memory_space<semaphore_mem>>
      %dma_start3A_47 = arith.constant 0 : i32
      %dma_start3A_48 = tpu.memref_slice %arg23[%mul3A_9, %dma_start3A_47] : memref<10000x8xf32, #tpu.memory_space<vmem_shared>> -> memref<625x8xf32, #tpu.memory_space<vmem_shared>>
      tpu.enqueue_dma source(%arg8 : memref<625x8xf32, #tpu.memory_space<hbm>>) target(%dma_start3A_48 : memref<625x8xf32, #tpu.memory_space<vmem_shared>>) target_semaphore(%run_scoped3A : memref<!tpu.dma_semaphore, #tpu.memory_space<semaphore_mem>>)
      %dma_wait3A = arith.constant 0 : i32
      %dma_wait3A_49 = tpu.memref_slice %arg23[%mul3A_9, %dma_wait3A] : memref<10000x8xf32, #tpu.memory_space<vmem_shared>> -> memref<625x8xf32, #tpu.memory_space<vmem_shared>>
      tpu.wait_dma2 semaphore(%run_scoped3A : memref<!tpu.dma_semaphore, #tpu.memory_space<semaphore_mem>>) src(%arg8 : memref<625x8xf32, #tpu.memory_space<hbm>>) dst(%dma_wait3A_49 : memref<625x8xf32, #tpu.memory_space<vmem_shared>>)
      tpu.yield
    }) : () -> ()
    "tpu.region"() ({
      %run_scoped3A = tpu.sem_alloc : memref<!tpu.dma_semaphore, #tpu.memory_space<semaphore_mem>>
      %dma_start3A_47 = arith.constant 0 : i32
      %dma_start3A_48 = arith.constant 0 : i32
      %dma_start3A_49 = tpu.memref_slice %arg8[%dma_start3A_47, %dma_start3A_48] : memref<625x8xf32, #tpu.memory_space<hbm>> -> memref<80x8xf32, #tpu.memory_space<hbm>>
      %dma_start3A_50 = arith.constant 0 : i32
      %dma_start3A_51 = arith.constant 0 : i32
      %dma_start3A_52 = tpu.memref_slice %arg8[%dma_start3A_50, %dma_start3A_51] : memref<625x8xf32, #tpu.memory_space<hbm>> -> memref<80x8xf32, #tpu.memory_space<hbm>>
      tpu.enqueue_dma source(%dma_start3A_52 : memref<80x8xf32, #tpu.memory_space<hbm>>) target(%arg20 : memref<80x8xf32, #tpu.memory_space<vmem>>) target_semaphore(%run_scoped3A : memref<!tpu.dma_semaphore, #tpu.memory_space<semaphore_mem>>)
      %dma_wait3A = arith.constant 0 : i32
      %dma_wait3A_53 = arith.constant 0 : i32
      %dma_wait3A_54 = tpu.memref_slice %arg8[%dma_wait3A, %dma_wait3A_53] : memref<625x8xf32, #tpu.memory_space<hbm>> -> memref<80x8xf32, #tpu.memory_space<hbm>>
      %dma_wait3A_55 = arith.constant 0 : i32
      %dma_wait3A_56 = arith.constant 0 : i32
      %dma_wait3A_57 = tpu.memref_slice %arg8[%dma_wait3A_55, %dma_wait3A_56] : memref<625x8xf32, #tpu.memory_space<hbm>> -> memref<80x8xf32, #tpu.memory_space<hbm>>
      tpu.wait_dma2 semaphore(%run_scoped3A : memref<!tpu.dma_semaphore, #tpu.memory_space<semaphore_mem>>) src(%dma_wait3A_57 : memref<80x8xf32, #tpu.memory_space<hbm>>) dst(%arg20 : memref<80x8xf32, #tpu.memory_space<vmem>>)
      tpu.yield
    }) : () -> ()
    "tpu.region"() ({
      %run_scoped3A = tpu.sem_alloc : memref<!tpu.dma_semaphore, #tpu.memory_space<semaphore_mem>>
      %dma_start3A_47 = arith.constant 0 : i32
      %dma_start3A_48 = arith.constant 0 : i32
      %dma_start3A_49 = tpu.memref_slice %arg8[%dma_start3A_47, %dma_start3A_48] : memref<625x8xf32, #tpu.memory_space<hbm>> -> memref<80x8xf32, #tpu.memory_space<hbm>>
      %dma_start3A_50 = arith.constant 0 : i32
      %dma_start3A_51 = arith.constant 0 : i32
      %dma_start3A_52 = tpu.memref_slice %arg8[%dma_start3A_50, %dma_start3A_51] : memref<625x8xf32, #tpu.memory_space<hbm>> -> memref<80x8xf32, #tpu.memory_space<hbm>>
      tpu.enqueue_dma source(%dma_start3A_52 : memref<80x8xf32, #tpu.memory_space<hbm>>) target(%arg21 : memref<80x8xf32, #tpu.memory_space<vmem>>) target_semaphore(%run_scoped3A : memref<!tpu.dma_semaphore, #tpu.memory_space<semaphore_mem>>)
      %dma_wait3A = arith.constant 0 : i32
      %dma_wait3A_53 = arith.constant 0 : i32
      %dma_wait3A_54 = tpu.memref_slice %arg8[%dma_wait3A, %dma_wait3A_53] : memref<625x8xf32, #tpu.memory_space<hbm>> -> memref<80x8xf32, #tpu.memory_space<hbm>>
      %dma_wait3A_55 = arith.constant 0 : i32
      %dma_wait3A_56 = arith.constant 0 : i32
      %dma_wait3A_57 = tpu.memref_slice %arg8[%dma_wait3A_55, %dma_wait3A_56] : memref<625x8xf32, #tpu.memory_space<hbm>> -> memref<80x8xf32, #tpu.memory_space<hbm>>
      tpu.wait_dma2 semaphore(%run_scoped3A : memref<!tpu.dma_semaphore, #tpu.memory_space<semaphore_mem>>) src(%dma_wait3A_57 : memref<80x8xf32, #tpu.memory_space<hbm>>) dst(%arg21 : memref<80x8xf32, #tpu.memory_space<vmem>>)
      tpu.yield
    }) : () -> ()
    %barrier3A = arith.constant 0 : index
    tpu.barrier barrier_id(%barrier3A)
    %iota3A = tpu.iota {dimensions = array<i32: 0>} : vector<16xi32>
    %mul3A_10 = arith.constant 10000 : i32
    %mul3A_11 = arith.muli %arg0, %mul3A_10 : i32
    %mul3A_12 = arith.constant 20000 : i32
    %mul3A_13 = arith.muli %arg1, %mul3A_12 : i32
    %add3A = arith.constant 0 : i32
    %add3A_14 = arith.addi %mul3A_13, %add3A : i32
    %multiple_of3A = tpu.assume_multiple %add3A_14, 16 : i32
    "tpu.region"() ({
      %run_scoped3A = tpu.sem_alloc : memref<!tpu.dma_semaphore, #tpu.memory_space<semaphore_mem>>
      %dma_start3A_47 = tpu.memref_slice %arg4[%multiple_of3A] : memref<320000xi32, #tpu.memory_space<hbm>> -> memref<80xi32, #tpu.memory_space<hbm>>
      %dma_start3A_48 = tpu.memref_slice %arg4[%multiple_of3A] : memref<320000xi32, #tpu.memory_space<hbm>> -> memref<80xi32, #tpu.memory_space<hbm>>
      tpu.enqueue_dma source(%dma_start3A_48 : memref<80xi32, #tpu.memory_space<hbm>>) target(%arg12 : memref<80xi32, #tpu.memory_space<vmem>>) target_semaphore(%run_scoped3A : memref<!tpu.dma_semaphore, #tpu.memory_space<semaphore_mem>>)
      %dma_wait3A = tpu.memref_slice %arg4[%multiple_of3A] : memref<320000xi32, #tpu.memory_space<hbm>> -> memref<80xi32, #tpu.memory_space<hbm>>
      %dma_wait3A_49 = tpu.memref_slice %arg4[%multiple_of3A] : memref<320000xi32, #tpu.memory_space<hbm>> -> memref<80xi32, #tpu.memory_space<hbm>>
      tpu.wait_dma2 semaphore(%run_scoped3A : memref<!tpu.dma_semaphore, #tpu.memory_space<semaphore_mem>>) src(%dma_wait3A_49 : memref<80xi32, #tpu.memory_space<hbm>>) dst(%arg12 : memref<80xi32, #tpu.memory_space<vmem>>)
      tpu.yield
    }) : () -> ()
    "tpu.region"() ({
      %run_scoped3A = tpu.sem_alloc : memref<!tpu.dma_semaphore, #tpu.memory_space<semaphore_mem>>
      %dma_start3A_47 = tpu.memref_slice %arg5[%multiple_of3A] : memref<320000xi32, #tpu.memory_space<hbm>> -> memref<80xi32, #tpu.memory_space<hbm>>
      %dma_start3A_48 = tpu.memref_slice %arg5[%multiple_of3A] : memref<320000xi32, #tpu.memory_space<hbm>> -> memref<80xi32, #tpu.memory_space<hbm>>
      tpu.enqueue_dma source(%dma_start3A_48 : memref<80xi32, #tpu.memory_space<hbm>>) target(%arg14 : memref<80xi32, #tpu.memory_space<vmem>>) target_semaphore(%run_scoped3A : memref<!tpu.dma_semaphore, #tpu.memory_space<semaphore_mem>>)
      %dma_wait3A = tpu.memref_slice %arg5[%multiple_of3A] : memref<320000xi32, #tpu.memory_space<hbm>> -> memref<80xi32, #tpu.memory_space<hbm>>
      %dma_wait3A_49 = tpu.memref_slice %arg5[%multiple_of3A] : memref<320000xi32, #tpu.memory_space<hbm>> -> memref<80xi32, #tpu.memory_space<hbm>>
      tpu.wait_dma2 semaphore(%run_scoped3A : memref<!tpu.dma_semaphore, #tpu.memory_space<semaphore_mem>>) src(%dma_wait3A_49 : memref<80xi32, #tpu.memory_space<hbm>>) dst(%arg14 : memref<80xi32, #tpu.memory_space<vmem>>)
      tpu.yield
    }) : () -> ()
    %scan3A = arith.constant 0 : i32
    %scan3A_15 = arith.constant 0 : i32
    %scan3A_16 = arith.constant 5 : i32
    %scan3A_17 = arith.addi %scan3A_15, %scan3A_16 : i32
    %scan3A_18 = arith.constant 1 : i32
    scf.for %scan3A_47 = %scan3A_15 to %scan3A_17 step %scan3A_18  : i32 {
      %mul3A_48 = arith.constant 16 : i32
      %mul3A_49 = arith.muli %scan3A_47, %mul3A_48 : i32
      %get3A = arith.index_cast %mul3A_49 : i32 to index
      %get3A_50 = tpu.vector_load %arg12[%get3A] {strides = array<i32>} : memref<80xi32, #tpu.memory_space<vmem>>, vector<16xi32>,
      %get3A_51 = arith.index_cast %mul3A_49 : i32 to index
      %get3A_52 = tpu.vector_load %arg14[%get3A_51] {strides = array<i32>} : memref<80xi32, #tpu.memory_space<vmem>>, vector<16xi32>,
      %add3A_53 = vector.broadcast %mul3A_11 : i32 to vector<16xi32>
      %add3A_54 = arith.addi %get3A_50, %add3A_53 : vector<16xi32>
      %swap3A = arith.index_cast %mul3A_49 : i32 to index
      %swap3A_55 = tpu.vector_load %arg16[%swap3A] {strides = array<i32>} : memref<80xi32, #tpu.memory_space<vmem>>, vector<16xi32>,
      tpu.vector_store %arg16[%swap3A], %add3A_54 {strides = array<i32>} : memref<80xi32, #tpu.memory_space<vmem>>, vector<16xi32>,
      %mul3A_56 = arith.constant 4 : i32
      %mul3A_57 = vector.broadcast %mul3A_56 : i32 to vector<16xi32>
      %mul3A_58 = arith.muli %get3A_50, %mul3A_57 : vector<16xi32>
      %add3A_59 = arith.constant 0 : i32
      %add3A_60 = vector.broadcast %add3A_59 : i32 to vector<16xi32>
      %add3A_61 = arith.addi %mul3A_58, %add3A_60 : vector<16xi32>
      %gather3A = tpu.vector_load_idx %arg11[%add3A_61] : memref<40000xf32, #tpu.memory_space<vmem>>[vector<16xi32>], vector<16xf32>,
      %mul3A_62 = arith.constant 4 : i32
      %mul3A_63 = vector.broadcast %mul3A_62 : i32 to vector<16xi32>
      %mul3A_64 = arith.muli %get3A_52, %mul3A_63 : vector<16xi32>
      %add3A_65 = arith.constant 2 : i32
      %add3A_66 = vector.broadcast %add3A_65 : i32 to vector<16xi32>
      %add3A_67 = arith.addi %mul3A_64, %add3A_66 : vector<16xi32>
      %gather3A_68 = tpu.vector_load_idx %arg11[%add3A_67] : memref<40000xf32, #tpu.memory_space<vmem>>[vector<16xi32>], vector<16xf32>,
      %add3A_69 = arith.addf %gather3A, %gather3A_68 : vector<16xf32>
      %mul3A_70 = arith.constant 2.000000e-01 : f32
      %mul3A_71 = vector.broadcast %mul3A_70 : f32 to vector<16xf32>
      %mul3A_72 = arith.mulf %add3A_69, %mul3A_71 : vector<16xf32>
      %max3A = arith.maximumf %add3A_69, %mul3A_72 : vector<16xf32>
      %exp3A = math.exp %max3A : vector<16xf32>
      %add3A_73 = vector.broadcast %mul3A_49 : i32 to vector<16xi32>
      %add3A_74 = arith.addi %add3A_73, %iota3A : vector<16xi32>
      %broadcast_in_dim3A = arith.constant 0 : i32
      %broadcast_in_dim3A_75 = vector.broadcast %broadcast_in_dim3A : i32 to vector<16xi32>
      tpu.vector_store_idx %arg20[%add3A_74, %broadcast_in_dim3A_75], %exp3A : memref<80x8xf32, #tpu.memory_space<vmem>>[vector<16xi32>, vector<16xi32>], vector<16xf32>,
      %mul3A_76 = arith.constant 4 : i32
      %mul3A_77 = vector.broadcast %mul3A_76 : i32 to vector<16xi32>
      %mul3A_78 = arith.muli %get3A_50, %mul3A_77 : vector<16xi32>
      %add3A_79 = arith.constant 1 : i32
      %add3A_80 = vector.broadcast %add3A_79 : i32 to vector<16xi32>
      %add3A_81 = arith.addi %mul3A_78, %add3A_80 : vector<16xi32>
      %gather3A_82 = tpu.vector_load_idx %arg11[%add3A_81] : memref<40000xf32, #tpu.memory_space<vmem>>[vector<16xi32>], vector<16xf32>,
      %mul3A_83 = arith.constant 4 : i32
      %mul3A_84 = vector.broadcast %mul3A_83 : i32 to vector<16xi32>
      %mul3A_85 = arith.muli %get3A_52, %mul3A_84 : vector<16xi32>
      %add3A_86 = arith.constant 3 : i32
      %add3A_87 = vector.broadcast %add3A_86 : i32 to vector<16xi32>
      %add3A_88 = arith.addi %mul3A_85, %add3A_87 : vector<16xi32>
      %gather3A_89 = tpu.vector_load_idx %arg11[%add3A_88] : memref<40000xf32, #tpu.memory_space<vmem>>[vector<16xi32>], vector<16xf32>,
      %add3A_90 = arith.addf %gather3A_82, %gather3A_89 : vector<16xf32>
      %mul3A_91 = arith.constant 2.000000e-01 : f32
      %mul3A_92 = vector.broadcast %mul3A_91 : f32 to vector<16xf32>
      %mul3A_93 = arith.mulf %add3A_90, %mul3A_92 : vector<16xf32>
      %max3A_94 = arith.maximumf %add3A_90, %mul3A_93 : vector<16xf32>
      %exp3A_95 = math.exp %max3A_94 : vector<16xf32>
      %add3A_96 = vector.broadcast %mul3A_49 : i32 to vector<16xi32>
      %add3A_97 = arith.addi %add3A_96, %iota3A : vector<16xi32>
      %broadcast_in_dim3A_98 = arith.constant 1 : i32
      %broadcast_in_dim3A_99 = vector.broadcast %broadcast_in_dim3A_98 : i32 to vector<16xi32>
      tpu.vector_store_idx %arg20[%add3A_97, %broadcast_in_dim3A_99], %exp3A_95 : memref<80x8xf32, #tpu.memory_space<vmem>>[vector<16xi32>, vector<16xi32>], vector<16xf32>,
    }
    %scan3A_19 = arith.constant 5 : i32
    %dma_start3A = arith.constant 0 : i32
    %dma_start3A_20 = arith.constant 0 : i32
    %dma_start3A_21 = tpu.memref_slice %arg6[%dma_start3A, %dma_start3A_20] : memref<20000x64xf32, #tpu.memory_space<hbm>> -> memref<20000x64xf32, #tpu.memory_space<hbm>>
    tpu.enqueue_indirect_dma source(%dma_start3A_21 : memref<20000x64xf32, #tpu.memory_space<hbm>>) target(%arg18 : memref<80x64xf32, #tpu.memory_space<vmem>>) offsets(%arg16 : memref<80xi32, #tpu.memory_space<vmem>>) semaphore(%arg24 : memref<!tpu.dma_semaphore, #tpu.memory_space<semaphore_mem>>)
    %mul3A_22 = arith.constant 20000 : i32
    %mul3A_23 = arith.muli %arg1, %mul3A_22 : i32
    %add3A_24 = arith.constant 80 : i32
    %add3A_25 = arith.addi %mul3A_23, %add3A_24 : i32
    %multiple_of3A_26 = tpu.assume_multiple %add3A_25, 16 : i32
    "tpu.region"() ({
      %run_scoped3A = tpu.sem_alloc : memref<!tpu.dma_semaphore, #tpu.memory_space<semaphore_mem>>
      %dma_start3A_47 = tpu.memref_slice %arg4[%multiple_of3A_26] : memref<320000xi32, #tpu.memory_space<hbm>> -> memref<80xi32, #tpu.memory_space<hbm>>
      %dma_start3A_48 = tpu.memref_slice %arg4[%multiple_of3A_26] : memref<320000xi32, #tpu.memory_space<hbm>> -> memref<80xi32, #tpu.memory_space<hbm>>
      tpu.enqueue_dma source(%dma_start3A_48 : memref<80xi32, #tpu.memory_space<hbm>>) target(%arg13 : memref<80xi32, #tpu.memory_space<vmem>>) target_semaphore(%run_scoped3A : memref<!tpu.dma_semaphore, #tpu.memory_space<semaphore_mem>>)
      %dma_wait3A = tpu.memref_slice %arg4[%multiple_of3A_26] : memref<320000xi32, #tpu.memory_space<hbm>> -> memref<80xi32, #tpu.memory_space<hbm>>
      %dma_wait3A_49 = tpu.memref_slice %arg4[%multiple_of3A_26] : memref<320000xi32, #tpu.memory_space<hbm>> -> memref<80xi32, #tpu.memory_space<hbm>>
      tpu.wait_dma2 semaphore(%run_scoped3A : memref<!tpu.dma_semaphore, #tpu.memory_space<semaphore_mem>>) src(%dma_wait3A_49 : memref<80xi32, #tpu.memory_space<hbm>>) dst(%arg13 : memref<80xi32, #tpu.memory_space<vmem>>)
      tpu.yield
    }) : () -> ()
    "tpu.region"() ({
      %run_scoped3A = tpu.sem_alloc : memref<!tpu.dma_semaphore, #tpu.memory_space<semaphore_mem>>
      %dma_start3A_47 = tpu.memref_slice %arg5[%multiple_of3A_26] : memref<320000xi32, #tpu.memory_space<hbm>> -> memref<80xi32, #tpu.memory_space<hbm>>
      %dma_start3A_48 = tpu.memref_slice %arg5[%multiple_of3A_26] : memref<320000xi32, #tpu.memory_space<hbm>> -> memref<80xi32, #tpu.memory_space<hbm>>
      tpu.enqueue_dma source(%dma_start3A_48 : memref<80xi32, #tpu.memory_space<hbm>>) target(%arg15 : memref<80xi32, #tpu.memory_space<vmem>>) target_semaphore(%run_scoped3A : memref<!tpu.dma_semaphore, #tpu.memory_space<semaphore_mem>>)
      %dma_wait3A = tpu.memref_slice %arg5[%multiple_of3A_26] : memref<320000xi32, #tpu.memory_space<hbm>> -> memref<80xi32, #tpu.memory_space<hbm>>
      %dma_wait3A_49 = tpu.memref_slice %arg5[%multiple_of3A_26] : memref<320000xi32, #tpu.memory_space<hbm>> -> memref<80xi32, #tpu.memory_space<hbm>>
      tpu.wait_dma2 semaphore(%run_scoped3A : memref<!tpu.dma_semaphore, #tpu.memory_space<semaphore_mem>>) src(%dma_wait3A_49 : memref<80xi32, #tpu.memory_space<hbm>>) dst(%arg15 : memref<80xi32, #tpu.memory_space<vmem>>)
      tpu.yield
    }) : () -> ()
    %scan3A_27 = arith.constant 0 : i32
    %scan3A_28 = arith.constant 0 : i32
    %scan3A_29 = arith.constant 5 : i32
    %scan3A_30 = arith.addi %scan3A_28, %scan3A_29 : i32
    %scan3A_31 = arith.constant 1 : i32
    scf.for %scan3A_47 = %scan3A_28 to %scan3A_30 step %scan3A_31  : i32 {
      %mul3A_48 = arith.constant 16 : i32
      %mul3A_49 = arith.muli %scan3A_47, %mul3A_48 : i32
      %get3A = arith.index_cast %mul3A_49 : i32 to index
      %get3A_50 = tpu.vector_load %arg13[%get3A] {strides = array<i32>} : memref<80xi32, #tpu.memory_space<vmem>>, vector<16xi32>,
      %get3A_51 = arith.index_cast %mul3A_49 : i32 to index
      %get3A_52 = tpu.vector_load %arg15[%get3A_51] {strides = array<i32>} : memref<80xi32, #tpu.memory_space<vmem>>, vector<16xi32>,
      %add3A_53 = vector.broadcast %mul3A_11 : i32 to vector<16xi32>
      %add3A_54 = arith.addi %get3A_50, %add3A_53 : vector<16xi32>
      %swap3A = arith.index_cast %mul3A_49 : i32 to index
      %swap3A_55 = tpu.vector_load %arg17[%swap3A] {strides = array<i32>} : memref<80xi32, #tpu.memory_space<vmem>>, vector<16xi32>,
      tpu.vector_store %arg17[%swap3A], %add3A_54 {strides = array<i32>} : memref<80xi32, #tpu.memory_space<vmem>>, vector<16xi32>,
      %mul3A_56 = arith.constant 4 : i32
      %mul3A_57 = vector.broadcast %mul3A_56 : i32 to vector<16xi32>
      %mul3A_58 = arith.muli %get3A_50, %mul3A_57 : vector<16xi32>
      %add3A_59 = arith.constant 0 : i32
      %add3A_60 = vector.broadcast %add3A_59 : i32 to vector<16xi32>
      %add3A_61 = arith.addi %mul3A_58, %add3A_60 : vector<16xi32>
      %gather3A = tpu.vector_load_idx %arg11[%add3A_61] : memref<40000xf32, #tpu.memory_space<vmem>>[vector<16xi32>], vector<16xf32>,
      %mul3A_62 = arith.constant 4 : i32
      %mul3A_63 = vector.broadcast %mul3A_62 : i32 to vector<16xi32>
      %mul3A_64 = arith.muli %get3A_52, %mul3A_63 : vector<16xi32>
      %add3A_65 = arith.constant 2 : i32
      %add3A_66 = vector.broadcast %add3A_65 : i32 to vector<16xi32>
      %add3A_67 = arith.addi %mul3A_64, %add3A_66 : vector<16xi32>
      %gather3A_68 = tpu.vector_load_idx %arg11[%add3A_67] : memref<40000xf32, #tpu.memory_space<vmem>>[vector<16xi32>], vector<16xf32>,
      %add3A_69 = arith.addf %gather3A, %gather3A_68 : vector<16xf32>
      %mul3A_70 = arith.constant 2.000000e-01 : f32
      %mul3A_71 = vector.broadcast %mul3A_70 : f32 to vector<16xf32>
      %mul3A_72 = arith.mulf %add3A_69, %mul3A_71 : vector<16xf32>
      %max3A = arith.maximumf %add3A_69, %mul3A_72 : vector<16xf32>
      %exp3A = math.exp %max3A : vector<16xf32>
      %add3A_73 = vector.broadcast %mul3A_49 : i32 to vector<16xi32>
      %add3A_74 = arith.addi %add3A_73, %iota3A : vector<16xi32>
      %broadcast_in_dim3A = arith.constant 0 : i32
      %broadcast_in_dim3A_75 = vector.broadcast %broadcast_in_dim3A : i32 to vector<16xi32>
      tpu.vector_store_idx %arg21[%add3A_74, %broadcast_in_dim3A_75], %exp3A : memref<80x8xf32, #tpu.memory_space<vmem>>[vector<16xi32>, vector<16xi32>], vector<16xf32>,
      %mul3A_76 = arith.constant 4 : i32
      %mul3A_77 = vector.broadcast %mul3A_76 : i32 to vector<16xi32>
      %mul3A_78 = arith.muli %get3A_50, %mul3A_77 : vector<16xi32>
      %add3A_79 = arith.constant 1 : i32
      %add3A_80 = vector.broadcast %add3A_79 : i32 to vector<16xi32>
      %add3A_81 = arith.addi %mul3A_78, %add3A_80 : vector<16xi32>
      %gather3A_82 = tpu.vector_load_idx %arg11[%add3A_81] : memref<40000xf32, #tpu.memory_space<vmem>>[vector<16xi32>], vector<16xf32>,
      %mul3A_83 = arith.constant 4 : i32
      %mul3A_84 = vector.broadcast %mul3A_83 : i32 to vector<16xi32>
      %mul3A_85 = arith.muli %get3A_52, %mul3A_84 : vector<16xi32>
      %add3A_86 = arith.constant 3 : i32
      %add3A_87 = vector.broadcast %add3A_86 : i32 to vector<16xi32>
      %add3A_88 = arith.addi %mul3A_85, %add3A_87 : vector<16xi32>
      %gather3A_89 = tpu.vector_load_idx %arg11[%add3A_88] : memref<40000xf32, #tpu.memory_space<vmem>>[vector<16xi32>], vector<16xf32>,
      %add3A_90 = arith.addf %gather3A_82, %gather3A_89 : vector<16xf32>
      %mul3A_91 = arith.constant 2.000000e-01 : f32
      %mul3A_92 = vector.broadcast %mul3A_91 : f32 to vector<16xf32>
      %mul3A_93 = arith.mulf %add3A_90, %mul3A_92 : vector<16xf32>
      %max3A_94 = arith.maximumf %add3A_90, %mul3A_93 : vector<16xf32>
      %exp3A_95 = math.exp %max3A_94 : vector<16xf32>
      %add3A_96 = vector.broadcast %mul3A_49 : i32 to vector<16xi32>
      %add3A_97 = arith.addi %add3A_96, %iota3A : vector<16xi32>
      %broadcast_in_dim3A_98 = arith.constant 1 : i32
      %broadcast_in_dim3A_99 = vector.broadcast %broadcast_in_dim3A_98 : i32 to vector<16xi32>
      tpu.vector_store_idx %arg21[%add3A_97, %broadcast_in_dim3A_99], %exp3A_95 : memref<80x8xf32, #tpu.memory_space<vmem>>[vector<16xi32>, vector<16xi32>], vector<16xf32>,
    }
    %scan3A_32 = arith.constant 5 : i32
    %dma_start3A_33 = arith.constant 0 : i32
    %dma_start3A_34 = arith.constant 0 : i32
    %dma_start3A_35 = tpu.memref_slice %arg6[%dma_start3A_33, %dma_start3A_34] : memref<20000x64xf32, #tpu.memory_space<hbm>> -> memref<20000x64xf32, #tpu.memory_space<hbm>>
    tpu.enqueue_indirect_dma source(%dma_start3A_35 : memref<20000x64xf32, #tpu.memory_space<hbm>>) target(%arg19 : memref<80x64xf32, #tpu.memory_space<vmem>>) offsets(%arg17 : memref<80xi32, #tpu.memory_space<vmem>>) semaphore(%arg25 : memref<!tpu.dma_semaphore, #tpu.memory_space<semaphore_mem>>)
    %scan3A_36 = arith.constant 0 : i32
    %scan3A_37 = arith.constant 0 : i32
    %scan3A_38 = arith.constant 125 : i32
    %scan3A_39 = arith.addi %scan3A_37, %scan3A_38 : i32
    %scan3A_40 = arith.constant 1 : i32
    scf.for %scan3A_47 = %scan3A_37 to %scan3A_39 step %scan3A_40  : i32 {
      %dma_wait3A = arith.constant 0 : i32
      %dma_wait3A_48 = arith.constant 0 : i32
      %dma_wait3A_49 = tpu.memref_slice %arg6[%dma_wait3A, %dma_wait3A_48] : memref<20000x64xf32, #tpu.memory_space<hbm>> -> memref<20000x64xf32, #tpu.memory_space<hbm>>
      tpu.wait_indirect_dma semaphore(%arg24 : memref<!tpu.dma_semaphore, #tpu.memory_space<semaphore_mem>>) src(%dma_wait3A_49 : memref<20000x64xf32, #tpu.memory_space<hbm>>) dst(%arg18 : memref<80x64xf32, #tpu.memory_space<vmem>>)
      %scan3A_50 = arith.constant 0 : i32
      %scan3A_51 = arith.constant 0 : i32
      %scan3A_52 = arith.constant 5 : i32
      %scan3A_53 = arith.addi %scan3A_51, %scan3A_52 : i32
      %scan3A_54 = arith.constant 1 : i32
      scf.for %scan3A_74 = %scan3A_51 to %scan3A_53 step %scan3A_54  : i32 {
        %mul3A_75 = arith.constant 16 : i32
        %mul3A_76 = arith.muli %scan3A_74, %mul3A_75 : i32
        %add3A_77 = vector.broadcast %mul3A_76 : i32 to vector<16xi32>
        %add3A_78 = arith.addi %add3A_77, %iota3A : vector<16xi32>
        %broadcast_in_dim3A = arith.constant 0 : i32
        %broadcast_in_dim3A_79 = vector.broadcast %broadcast_in_dim3A : i32 to vector<16xi32>
        %gather3A = tpu.vector_load_idx %arg20[%add3A_78, %broadcast_in_dim3A_79] : memref<80x8xf32, #tpu.memory_space<vmem>>[vector<16xi32>, vector<16xi32>], vector<16xf32>,
        %add3A_80 = vector.broadcast %mul3A_76 : i32 to vector<16xi32>
        %add3A_81 = arith.addi %add3A_80, %iota3A : vector<16xi32>
        %broadcast_in_dim3A_82 = arith.constant 1 : i32
        %broadcast_in_dim3A_83 = vector.broadcast %broadcast_in_dim3A_82 : i32 to vector<16xi32>
        %gather3A_84 = tpu.vector_load_idx %arg20[%add3A_81, %broadcast_in_dim3A_83] : memref<80x8xf32, #tpu.memory_space<vmem>>[vector<16xi32>, vector<16xi32>], vector<16xf32>,
        %add3A_85 = arith.constant 0 : i32
        %add3A_86 = arith.addi %mul3A_76, %add3A_85 : i32
        %slice3A = vector.extract_strided_slice %gather3A {offsets = [0], sizes = [1], strides = [1]} : vector<16xf32> to vector<1xf32>
        %squeeze3A = vector.extract %slice3A[0] : f32 from vector<1xf32>
        %broadcast_in_dim3A_87 = vector.broadcast %squeeze3A : f32 to vector<16xf32>
        %get3A = arith.index_cast %add3A_86 : i32 to index
        %get3A_88 = arith.constant 0 : index
        %get3A_89 = tpu.vector_load %arg18[%get3A, %get3A_88] {strides = array<i32>} : memref<80x64xf32, #tpu.memory_space<vmem>>, vector<16xf32>,
        %mul3A_90 = arith.mulf %get3A_89, %broadcast_in_dim3A_87 : vector<16xf32>
        %swap3A = arith.index_cast %add3A_86 : i32 to index
        %swap3A_91 = arith.constant 0 : index
        %swap3A_92 = tpu.vector_load %arg18[%swap3A, %swap3A_91] {strides = array<i32>} : memref<80x64xf32, #tpu.memory_space<vmem>>, vector<16xf32>,
        tpu.vector_store %arg18[%swap3A, %swap3A_91], %mul3A_90 {strides = array<i32>} : memref<80x64xf32, #tpu.memory_space<vmem>>, vector<16xf32>,
        %get3A_93 = arith.index_cast %add3A_86 : i32 to index
        %get3A_94 = arith.constant 16 : index
        %get3A_95 = tpu.vector_load %arg18[%get3A_93, %get3A_94] {strides = array<i32>} : memref<80x64xf32, #tpu.memory_space<vmem>>, vector<16xf32>,
        %mul3A_96 = arith.mulf %get3A_95, %broadcast_in_dim3A_87 : vector<16xf32>
        %swap3A_97 = arith.index_cast %add3A_86 : i32 to index
        %swap3A_98 = arith.constant 16 : index
        %swap3A_99 = tpu.vector_load %arg18[%swap3A_97, %swap3A_98] {strides = array<i32>} : memref<80x64xf32, #tpu.memory_space<vmem>>, vector<16xf32>,
        tpu.vector_store %arg18[%swap3A_97, %swap3A_98], %mul3A_96 {strides = array<i32>} : memref<80x64xf32, #tpu.memory_space<vmem>>, vector<16xf32>,
        %slice3A_100 = vector.extract_strided_slice %gather3A_84 {offsets = [0], sizes = [1], strides = [1]} : vector<16xf32> to vector<1xf32>
        %squeeze3A_101 = vector.extract %slice3A_100[0] : f32 from vector<1xf32>
        %broadcast_in_dim3A_102 = vector.broadcast %squeeze3A_101 : f32 to vector<16xf32>
        %get3A_103 = arith.index_cast %add3A_86 : i32 to index
        %get3A_104 = arith.constant 32 : index
        %get3A_105 = tpu.vector_load %arg18[%get3A_103, %get3A_104] {strides = array<i32>} : memref<80x64xf32, #tpu.memory_space<vmem>>, vector<16xf32>,
        %mul3A_106 = arith.mulf %get3A_105, %broadcast_in_dim3A_102 : vector<16xf32>
        %swap3A_107 = arith.index_cast %add3A_86 : i32 to index
        %swap3A_108 = arith.constant 32 : index
        %swap3A_109 = tpu.vector_load %arg18[%swap3A_107, %swap3A_108] {strides = array<i32>} : memref<80x64xf32, #tpu.memory_space<vmem>>, vector<16xf32>,
        tpu.vector_store %arg18[%swap3A_107, %swap3A_108], %mul3A_106 {strides = array<i32>} : memref<80x64xf32, #tpu.memory_space<vmem>>, vector<16xf32>,
        %get3A_110 = arith.index_cast %add3A_86 : i32 to index
        %get3A_111 = arith.constant 48 : index
        %get3A_112 = tpu.vector_load %arg18[%get3A_110, %get3A_111] {strides = array<i32>} : memref<80x64xf32, #tpu.memory_space<vmem>>, vector<16xf32>,
        %mul3A_113 = arith.mulf %get3A_112, %broadcast_in_dim3A_102 : vector<16xf32>
        %swap3A_114 = arith.index_cast %add3A_86 : i32 to index
        %swap3A_115 = arith.constant 48 : index
        %swap3A_116 = tpu.vector_load %arg18[%swap3A_114, %swap3A_115] {strides = array<i32>} : memref<80x64xf32, #tpu.memory_space<vmem>>, vector<16xf32>,
        tpu.vector_store %arg18[%swap3A_114, %swap3A_115], %mul3A_113 {strides = array<i32>} : memref<80x64xf32, #tpu.memory_space<vmem>>, vector<16xf32>,
        %add3A_117 = arith.constant 1 : i32
        %add3A_118 = arith.addi %mul3A_76, %add3A_117 : i32
        %slice3A_119 = vector.extract_strided_slice %gather3A {offsets = [1], sizes = [1], strides = [1]} : vector<16xf32> to vector<1xf32>
        %squeeze3A_120 = vector.extract %slice3A_119[0] : f32 from vector<1xf32>
        %broadcast_in_dim3A_121 = vector.broadcast %squeeze3A_120 : f32 to vector<16xf32>
        %get3A_122 = arith.index_cast %add3A_118 : i32 to index
        %get3A_123 = arith.constant 0 : index
        %get3A_124 = tpu.vector_load %arg18[%get3A_122, %get3A_123] {strides = array<i32>} : memref<80x64xf32, #tpu.memory_space<vmem>>, vector<16xf32>,
        %mul3A_125 = arith.mulf %get3A_124, %broadcast_in_dim3A_121 : vector<16xf32>
        %swap3A_126 = arith.index_cast %add3A_118 : i32 to index
        %swap3A_127 = arith.constant 0 : index
        %swap3A_128 = tpu.vector_load %arg18[%swap3A_126, %swap3A_127] {strides = array<i32>} : memref<80x64xf32, #tpu.memory_space<vmem>>, vector<16xf32>,
        tpu.vector_store %arg18[%swap3A_126, %swap3A_127], %mul3A_125 {strides = array<i32>} : memref<80x64xf32, #tpu.memory_space<vmem>>, vector<16xf32>,
        %get3A_129 = arith.index_cast %add3A_118 : i32 to index
        %get3A_130 = arith.constant 16 : index
        %get3A_131 = tpu.vector_load %arg18[%get3A_129, %get3A_130] {strides = array<i32>} : memref<80x64xf32, #tpu.memory_space<vmem>>, vector<16xf32>,
        %mul3A_132 = arith.mulf %get3A_131, %broadcast_in_dim3A_121 : vector<16xf32>
        %swap3A_133 = arith.index_cast %add3A_118 : i32 to index
        %swap3A_134 = arith.constant 16 : index
        %swap3A_135 = tpu.vector_load %arg18[%swap3A_133, %swap3A_134] {strides = array<i32>} : memref<80x64xf32, #tpu.memory_space<vmem>>, vector<16xf32>,
        tpu.vector_store %arg18[%swap3A_133, %swap3A_134], %mul3A_132 {strides = array<i32>} : memref<80x64xf32, #tpu.memory_space<vmem>>, vector<16xf32>,
        %slice3A_136 = vector.extract_strided_slice %gather3A_84 {offsets = [1], sizes = [1], strides = [1]} : vector<16xf32> to vector<1xf32>
        %squeeze3A_137 = vector.extract %slice3A_136[0] : f32 from vector<1xf32>
        %broadcast_in_dim3A_138 = vector.broadcast %squeeze3A_137 : f32 to vector<16xf32>
        %get3A_139 = arith.index_cast %add3A_118 : i32 to index
        %get3A_140 = arith.constant 32 : index
        %get3A_141 = tpu.vector_load %arg18[%get3A_139, %get3A_140] {strides = array<i32>} : memref<80x64xf32, #tpu.memory_space<vmem>>, vector<16xf32>,
        %mul3A_142 = arith.mulf %get3A_141, %broadcast_in_dim3A_138 : vector<16xf32>
        %swap3A_143 = arith.index_cast %add3A_118 : i32 to index
        %swap3A_144 = arith.constant 32 : index
        %swap3A_145 = tpu.vector_load %arg18[%swap3A_143, %swap3A_144] {strides = array<i32>} : memref<80x64xf32, #tpu.memory_space<vmem>>, vector<16xf32>,
        tpu.vector_store %arg18[%swap3A_143, %swap3A_144], %mul3A_142 {strides = array<i32>} : memref<80x64xf32, #tpu.memory_space<vmem>>, vector<16xf32>,
        %get3A_146 = arith.index_cast %add3A_118 : i32 to index
        %get3A_147 = arith.constant 48 : index
        %get3A_148 = tpu.vector_load %arg18[%get3A_146, %get3A_147] {strides = array<i32>} : memref<80x64xf32, #tpu.memory_space<vmem>>, vector<16xf32>,
        %mul3A_149 = arith.mulf %get3A_148, %broadcast_in_dim3A_138 : vector<16xf32>
        %swap3A_150 = arith.index_cast %add3A_118 : i32 to index
        %swap3A_151 = arith.constant 48 : index
        %swap3A_152 = tpu.vector_load %arg18[%swap3A_150, %swap3A_151] {strides = array<i32>} : memref<80x64xf32, #tpu.memory_space<vmem>>, vector<16xf32>,
        tpu.vector_store %arg18[%swap3A_150, %swap3A_151], %mul3A_149 {strides = array<i32>} : memref<80x64xf32, #tpu.memory_space<vmem>>, vector<16xf32>,
        %add3A_153 = arith.constant 2 : i32
        %add3A_154 = arith.addi %mul3A_76, %add3A_153 : i32
        %slice3A_155 = vector.extract_strided_slice %gather3A {offsets = [2], sizes = [1], strides = [1]} : vector<16xf32> to vector<1xf32>
        %squeeze3A_156 = vector.extract %slice3A_155[0] : f32 from vector<1xf32>
        %broadcast_in_dim3A_157 = vector.broadcast %squeeze3A_156 : f32 to vector<16xf32>
        %get3A_158 = arith.index_cast %add3A_154 : i32 to index
        %get3A_159 = arith.constant 0 : index
        %get3A_160 = tpu.vector_load %arg18[%get3A_158, %get3A_159] {strides = array<i32>} : memref<80x64xf32, #tpu.memory_space<vmem>>, vector<16xf32>,
        %mul3A_161 = arith.mulf %get3A_160, %broadcast_in_dim3A_157 : vector<16xf32>
        %swap3A_162 = arith.index_cast %add3A_154 : i32 to index
        %swap3A_163 = arith.constant 0 : index
        %swap3A_164 = tpu.vector_load %arg18[%swap3A_162, %swap3A_163] {strides = array<i32>} : memref<80x64xf32, #tpu.memory_space<vmem>>, vector<16xf32>,
        tpu.vector_store %arg18[%swap3A_162, %swap3A_163], %mul3A_161 {strides = array<i32>} : memref<80x64xf32, #tpu.memory_space<vmem>>, vector<16xf32>,
        %get3A_165 = arith.index_cast %add3A_154 : i32 to index
        %get3A_166 = arith.constant 16 : index
        %get3A_167 = tpu.vector_load %arg18[%get3A_165, %get3A_166] {strides = array<i32>} : memref<80x64xf32, #tpu.memory_space<vmem>>, vector<16xf32>,
        %mul3A_168 = arith.mulf %get3A_167, %broadcast_in_dim3A_157 : vector<16xf32>
        %swap3A_169 = arith.index_cast %add3A_154 : i32 to index
        %swap3A_170 = arith.constant 16 : index
        %swap3A_171 = tpu.vector_load %arg18[%swap3A_169, %swap3A_170] {strides = array<i32>} : memref<80x64xf32, #tpu.memory_space<vmem>>, vector<16xf32>,
        tpu.vector_store %arg18[%swap3A_169, %swap3A_170], %mul3A_168 {strides = array<i32>} : memref<80x64xf32, #tpu.memory_space<vmem>>, vector<16xf32>,
        %slice3A_172 = vector.extract_strided_slice %gather3A_84 {offsets = [2], sizes = [1], strides = [1]} : vector<16xf32> to vector<1xf32>
        %squeeze3A_173 = vector.extract %slice3A_172[0] : f32 from vector<1xf32>
        %broadcast_in_dim3A_174 = vector.broadcast %squeeze3A_173 : f32 to vector<16xf32>
        %get3A_175 = arith.index_cast %add3A_154 : i32 to index
        %get3A_176 = arith.constant 32 : index
        %get3A_177 = tpu.vector_load %arg18[%get3A_175, %get3A_176] {strides = array<i32>} : memref<80x64xf32, #tpu.memory_space<vmem>>, vector<16xf32>,
        %mul3A_178 = arith.mulf %get3A_177, %broadcast_in_dim3A_174 : vector<16xf32>
        %swap3A_179 = arith.index_cast %add3A_154 : i32 to index
        %swap3A_180 = arith.constant 32 : index
        %swap3A_181 = tpu.vector_load %arg18[%swap3A_179, %swap3A_180] {strides = array<i32>} : memref<80x64xf32, #tpu.memory_space<vmem>>, vector<16xf32>,
        tpu.vector_store %arg18[%swap3A_179, %swap3A_180], %mul3A_178 {strides = array<i32>} : memref<80x64xf32, #tpu.memory_space<vmem>>, vector<16xf32>,
        %get3A_182 = arith.index_cast %add3A_154 : i32 to index
        %get3A_183 = arith.constant 48 : index
        %get3A_184 = tpu.vector_load %arg18[%get3A_182, %get3A_183] {strides = array<i32>} : memref<80x64xf32, #tpu.memory_space<vmem>>, vector<16xf32>,
        %mul3A_185 = arith.mulf %get3A_184, %broadcast_in_dim3A_174 : vector<16xf32>
        %swap3A_186 = arith.index_cast %add3A_154 : i32 to index
        %swap3A_187 = arith.constant 48 : index
        %swap3A_188 = tpu.vector_load %arg18[%swap3A_186, %swap3A_187] {strides = array<i32>} : memref<80x64xf32, #tpu.memory_space<vmem>>, vector<16xf32>,
        tpu.vector_store %arg18[%swap3A_186, %swap3A_187], %mul3A_185 {strides = array<i32>} : memref<80x64xf32, #tpu.memory_space<vmem>>, vector<16xf32>,
        %add3A_189 = arith.constant 3 : i32
        %add3A_190 = arith.addi %mul3A_76, %add3A_189 : i32
        %slice3A_191 = vector.extract_strided_slice %gather3A {offsets = [3], sizes = [1], strides = [1]} : vector<16xf32> to vector<1xf32>
        %squeeze3A_192 = vector.extract %slice3A_191[0] : f32 from vector<1xf32>
        %broadcast_in_dim3A_193 = vector.broadcast %squeeze3A_192 : f32 to vector<16xf32>
        %get3A_194 = arith.index_cast %add3A_190 : i32 to index
        %get3A_195 = arith.constant 0 : index
        %get3A_196 = tpu.vector_load %arg18[%get3A_194, %get3A_195] {strides = array<i32>} : memref<80x64xf32, #tpu.memory_space<vmem>>, vector<16xf32>,
        %mul3A_197 = arith.mulf %get3A_196, %broadcast_in_dim3A_193 : vector<16xf32>
        %swap3A_198 = arith.index_cast %add3A_190 : i32 to index
        %swap3A_199 = arith.constant 0 : index
        %swap3A_200 = tpu.vector_load %arg18[%swap3A_198, %swap3A_199] {strides = array<i32>} : memref<80x64xf32, #tpu.memory_space<vmem>>, vector<16xf32>,
        tpu.vector_store %arg18[%swap3A_198, %swap3A_199], %mul3A_197 {strides = array<i32>} : memref<80x64xf32, #tpu.memory_space<vmem>>, vector<16xf32>,
        %get3A_201 = arith.index_cast %add3A_190 : i32 to index
        %get3A_202 = arith.constant 16 : index
        %get3A_203 = tpu.vector_load %arg18[%get3A_201, %get3A_202] {strides = array<i32>} : memref<80x64xf32, #tpu.memory_space<vmem>>, vector<16xf32>,
        %mul3A_204 = arith.mulf %get3A_203, %broadcast_in_dim3A_193 : vector<16xf32>
        %swap3A_205 = arith.index_cast %add3A_190 : i32 to index
        %swap3A_206 = arith.constant 16 : index
        %swap3A_207 = tpu.vector_load %arg18[%swap3A_205, %swap3A_206] {strides = array<i32>} : memref<80x64xf32, #tpu.memory_space<vmem>>, vector<16xf32>,
        tpu.vector_store %arg18[%swap3A_205, %swap3A_206], %mul3A_204 {strides = array<i32>} : memref<80x64xf32, #tpu.memory_space<vmem>>, vector<16xf32>,
        %slice3A_208 = vector.extract_strided_slice %gather3A_84 {offsets = [3], sizes = [1], strides = [1]} : vector<16xf32> to vector<1xf32>
        %squeeze3A_209 = vector.extract %slice3A_208[0] : f32 from vector<1xf32>
        %broadcast_in_dim3A_210 = vector.broadcast %squeeze3A_209 : f32 to vector<16xf32>
        %get3A_211 = arith.index_cast %add3A_190 : i32 to index
        %get3A_212 = arith.constant 32 : index
        %get3A_213 = tpu.vector_load %arg18[%get3A_211, %get3A_212] {strides = array<i32>} : memref<80x64xf32, #tpu.memory_space<vmem>>, vector<16xf32>,
        %mul3A_214 = arith.mulf %get3A_213, %broadcast_in_dim3A_210 : vector<16xf32>
        %swap3A_215 = arith.index_cast %add3A_190 : i32 to index
        %swap3A_216 = arith.constant 32 : index
        %swap3A_217 = tpu.vector_load %arg18[%swap3A_215, %swap3A_216] {strides = array<i32>} : memref<80x64xf32, #tpu.memory_space<vmem>>, vector<16xf32>,
        tpu.vector_store %arg18[%swap3A_215, %swap3A_216], %mul3A_214 {strides = array<i32>} : memref<80x64xf32, #tpu.memory_space<vmem>>, vector<16xf32>,
        %get3A_218 = arith.index_cast %add3A_190 : i32 to index
        %get3A_219 = arith.constant 48 : index
        %get3A_220 = tpu.vector_load %arg18[%get3A_218, %get3A_219] {strides = array<i32>} : memref<80x64xf32, #tpu.memory_space<vmem>>, vector<16xf32>,
        %mul3A_221 = arith.mulf %get3A_220, %broadcast_in_dim3A_210 : vector<16xf32>
        %swap3A_222 = arith.index_cast %add3A_190 : i32 to index
        %swap3A_223 = arith.constant 48 : index
        %swap3A_224 = tpu.vector_load %arg18[%swap3A_222, %swap3A_223] {strides = array<i32>} : memref<80x64xf32, #tpu.memory_space<vmem>>, vector<16xf32>,
        tpu.vector_store %arg18[%swap3A_222, %swap3A_223], %mul3A_221 {strides = array<i32>} : memref<80x64xf32, #tpu.memory_space<vmem>>, vector<16xf32>,
        %add3A_225 = arith.constant 4 : i32
        %add3A_226 = arith.addi %mul3A_76, %add3A_225 : i32
        %slice3A_227 = vector.extract_strided_slice %gather3A {offsets = [4], sizes = [1], strides = [1]} : vector<16xf32> to vector<1xf32>
        %squeeze3A_228 = vector.extract %slice3A_227[0] : f32 from vector<1xf32>
        %broadcast_in_dim3A_229 = vector.broadcast %squeeze3A_228 : f32 to vector<16xf32>
        %get3A_230 = arith.index_cast %add3A_226 : i32 to index
        %get3A_231 = arith.constant 0 : index
        %get3A_232 = tpu.vector_load %arg18[%get3A_230, %get3A_231] {strides = array<i32>} : memref<80x64xf32, #tpu.memory_space<vmem>>, vector<16xf32>,
        %mul3A_233 = arith.mulf %get3A_232, %broadcast_in_dim3A_229 : vector<16xf32>
        %swap3A_234 = arith.index_cast %add3A_226 : i32 to index
        %swap3A_235 = arith.constant 0 : index
        %swap3A_236 = tpu.vector_load %arg18[%swap3A_234, %swap3A_235] {strides = array<i32>} : memref<80x64xf32, #tpu.memory_space<vmem>>, vector<16xf32>,
        tpu.vector_store %arg18[%swap3A_234, %swap3A_235], %mul3A_233 {strides = array<i32>} : memref<80x64xf32, #tpu.memory_space<vmem>>, vector<16xf32>,
        %get3A_237 = arith.index_cast %add3A_226 : i32 to index
        %get3A_238 = arith.constant 16 : index
        %get3A_239 = tpu.vector_load %arg18[%get3A_237, %get3A_238] {strides = array<i32>} : memref<80x64xf32, #tpu.memory_space<vmem>>, vector<16xf32>,
        %mul3A_240 = arith.mulf %get3A_239, %broadcast_in_dim3A_229 : vector<16xf32>
        %swap3A_241 = arith.index_cast %add3A_226 : i32 to index
        %swap3A_242 = arith.constant 16 : index
        %swap3A_243 = tpu.vector_load %arg18[%swap3A_241, %swap3A_242] {strides = array<i32>} : memref<80x64xf32, #tpu.memory_space<vmem>>, vector<16xf32>,
        tpu.vector_store %arg18[%swap3A_241, %swap3A_242], %mul3A_240 {strides = array<i32>} : memref<80x64xf32, #tpu.memory_space<vmem>>, vector<16xf32>,
        %slice3A_244 = vector.extract_strided_slice %gather3A_84 {offsets = [4], sizes = [1], strides = [1]} : vector<16xf32> to vector<1xf32>
        %squeeze3A_245 = vector.extract %slice3A_244[0] : f32 from vector<1xf32>
        %broadcast_in_dim3A_246 = vector.broadcast %squeeze3A_245 : f32 to vector<16xf32>
        %get3A_247 = arith.index_cast %add3A_226 : i32 to index
        %get3A_248 = arith.constant 32 : index
        %get3A_249 = tpu.vector_load %arg18[%get3A_247, %get3A_248] {strides = array<i32>} : memref<80x64xf32, #tpu.memory_space<vmem>>, vector<16xf32>,
        %mul3A_250 = arith.mulf %get3A_249, %broadcast_in_dim3A_246 : vector<16xf32>
        %swap3A_251 = arith.index_cast %add3A_226 : i32 to index
        %swap3A_252 = arith.constant 32 : index
        %swap3A_253 = tpu.vector_load %arg18[%swap3A_251, %swap3A_252] {strides = array<i32>} : memref<80x64xf32, #tpu.memory_space<vmem>>, vector<16xf32>,
        tpu.vector_store %arg18[%swap3A_251, %swap3A_252], %mul3A_250 {strides = array<i32>} : memref<80x64xf32, #tpu.memory_space<vmem>>, vector<16xf32>,
        %get3A_254 = arith.index_cast %add3A_226 : i32 to index
        %get3A_255 = arith.constant 48 : index
        %get3A_256 = tpu.vector_load %arg18[%get3A_254, %get3A_255] {strides = array<i32>} : memref<80x64xf32, #tpu.memory_space<vmem>>, vector<16xf32>,
        %mul3A_257 = arith.mulf %get3A_256, %broadcast_in_dim3A_246 : vector<16xf32>
        %swap3A_258 = arith.index_cast %add3A_226 : i32 to index
        %swap3A_259 = arith.constant 48 : index
        %swap3A_260 = tpu.vector_load %arg18[%swap3A_258, %swap3A_259] {strides = array<i32>} : memref<80x64xf32, #tpu.memory_space<vmem>>, vector<16xf32>,
        tpu.vector_store %arg18[%swap3A_258, %swap3A_259], %mul3A_257 {strides = array<i32>} : memref<80x64xf32, #tpu.memory_space<vmem>>, vector<16xf32>,
        %add3A_261 = arith.constant 5 : i32
        %add3A_262 = arith.addi %mul3A_76, %add3A_261 : i32
        %slice3A_263 = vector.extract_strided_slice %gather3A {offsets = [5], sizes = [1], strides = [1]} : vector<16xf32> to vector<1xf32>
        %squeeze3A_264 = vector.extract %slice3A_263[0] : f32 from vector<1xf32>
        %broadcast_in_dim3A_265 = vector.broadcast %squeeze3A_264 : f32 to vector<16xf32>
        %get3A_266 = arith.index_cast %add3A_262 : i32 to index
        %get3A_267 = arith.constant 0 : index
        %get3A_268 = tpu.vector_load %arg18[%get3A_266, %get3A_267] {strides = array<i32>} : memref<80x64xf32, #tpu.memory_space<vmem>>, vector<16xf32>,
        %mul3A_269 = arith.mulf %get3A_268, %broadcast_in_dim3A_265 : vector<16xf32>
        %swap3A_270 = arith.index_cast %add3A_262 : i32 to index
        %swap3A_271 = arith.constant 0 : index
        %swap3A_272 = tpu.vector_load %arg18[%swap3A_270, %swap3A_271] {strides = array<i32>} : memref<80x64xf32, #tpu.memory_space<vmem>>, vector<16xf32>,
        tpu.vector_store %arg18[%swap3A_270, %swap3A_271], %mul3A_269 {strides = array<i32>} : memref<80x64xf32, #tpu.memory_space<vmem>>, vector<16xf32>,
        %get3A_273 = arith.index_cast %add3A_262 : i32 to index
        %get3A_274 = arith.constant 16 : index
        %get3A_275 = tpu.vector_load %arg18[%get3A_273, %get3A_274] {strides = array<i32>} : memref<80x64xf32, #tpu.memory_space<vmem>>, vector<16xf32>,
        %mul3A_276 = arith.mulf %get3A_275, %broadcast_in_dim3A_265 : vector<16xf32>
        %swap3A_277 = arith.index_cast %add3A_262 : i32 to index
        %swap3A_278 = arith.constant 16 : index
        %swap3A_279 = tpu.vector_load %arg18[%swap3A_277, %swap3A_278] {strides = array<i32>} : memref<80x64xf32, #tpu.memory_space<vmem>>, vector<16xf32>,
        tpu.vector_store %arg18[%swap3A_277, %swap3A_278], %mul3A_276 {strides = array<i32>} : memref<80x64xf32, #tpu.memory_space<vmem>>, vector<16xf32>,
        %slice3A_280 = vector.extract_strided_slice %gather3A_84 {offsets = [5], sizes = [1], strides = [1]} : vector<16xf32> to vector<1xf32>
        %squeeze3A_281 = vector.extract %slice3A_280[0] : f32 from vector<1xf32>
        %broadcast_in_dim3A_282 = vector.broadcast %squeeze3A_281 : f32 to vector<16xf32>
        %get3A_283 = arith.index_cast %add3A_262 : i32 to index
        %get3A_284 = arith.constant 32 : index
        %get3A_285 = tpu.vector_load %arg18[%get3A_283, %get3A_284] {strides = array<i32>} : memref<80x64xf32, #tpu.memory_space<vmem>>, vector<16xf32>,
        %mul3A_286 = arith.mulf %get3A_285, %broadcast_in_dim3A_282 : vector<16xf32>
        %swap3A_287 = arith.index_cast %add3A_262 : i32 to index
        %swap3A_288 = arith.constant 32 : index
        %swap3A_289 = tpu.vector_load %arg18[%swap3A_287, %swap3A_288] {strides = array<i32>} : memref<80x64xf32, #tpu.memory_space<vmem>>, vector<16xf32>,
        tpu.vector_store %arg18[%swap3A_287, %swap3A_288], %mul3A_286 {strides = array<i32>} : memref<80x64xf32, #tpu.memory_space<vmem>>, vector<16xf32>,
        %get3A_290 = arith.index_cast %add3A_262 : i32 to index
        %get3A_291 = arith.constant 48 : index
        %get3A_292 = tpu.vector_load %arg18[%get3A_290, %get3A_291] {strides = array<i32>} : memref<80x64xf32, #tpu.memory_space<vmem>>, vector<16xf32>,
        %mul3A_293 = arith.mulf %get3A_292, %broadcast_in_dim3A_282 : vector<16xf32>
        %swap3A_294 = arith.index_cast %add3A_262 : i32 to index
        %swap3A_295 = arith.constant 48 : index
        %swap3A_296 = tpu.vector_load %arg18[%swap3A_294, %swap3A_295] {strides = array<i32>} : memref<80x64xf32, #tpu.memory_space<vmem>>, vector<16xf32>,
        tpu.vector_store %arg18[%swap3A_294, %swap3A_295], %mul3A_293 {strides = array<i32>} : memref<80x64xf32, #tpu.memory_space<vmem>>, vector<16xf32>,
        %add3A_297 = arith.constant 6 : i32
        %add3A_298 = arith.addi %mul3A_76, %add3A_297 : i32
        %slice3A_299 = vector.extract_strided_slice %gather3A {offsets = [6], sizes = [1], strides = [1]} : vector<16xf32> to vector<1xf32>
        %squeeze3A_300 = vector.extract %slice3A_299[0] : f32 from vector<1xf32>
        %broadcast_in_dim3A_301 = vector.broadcast %squeeze3A_300 : f32 to vector<16xf32>
        %get3A_302 = arith.index_cast %add3A_298 : i32 to index
        %get3A_303 = arith.constant 0 : index
        %get3A_304 = tpu.vector_load %arg18[%get3A_302, %get3A_303] {strides = array<i32>} : memref<80x64xf32, #tpu.memory_space<vmem>>, vector<16xf32>,
        %mul3A_305 = arith.mulf %get3A_304, %broadcast_in_dim3A_301 : vector<16xf32>
        %swap3A_306 = arith.index_cast %add3A_298 : i32 to index
        %swap3A_307 = arith.constant 0 : index
        %swap3A_308 = tpu.vector_load %arg18[%swap3A_306, %swap3A_307] {strides = array<i32>} : memref<80x64xf32, #tpu.memory_space<vmem>>, vector<16xf32>,
        tpu.vector_store %arg18[%swap3A_306, %swap3A_307], %mul3A_305 {strides = array<i32>} : memref<80x64xf32, #tpu.memory_space<vmem>>, vector<16xf32>,
        %get3A_309 = arith.index_cast %add3A_298 : i32 to index
        %get3A_310 = arith.constant 16 : index
        %get3A_311 = tpu.vector_load %arg18[%get3A_309, %get3A_310] {strides = array<i32>} : memref<80x64xf32, #tpu.memory_space<vmem>>, vector<16xf32>,
        %mul3A_312 = arith.mulf %get3A_311, %broadcast_in_dim3A_301 : vector<16xf32>
        %swap3A_313 = arith.index_cast %add3A_298 : i32 to index
        %swap3A_314 = arith.constant 16 : index
        %swap3A_315 = tpu.vector_load %arg18[%swap3A_313, %swap3A_314] {strides = array<i32>} : memref<80x64xf32, #tpu.memory_space<vmem>>, vector<16xf32>,
        tpu.vector_store %arg18[%swap3A_313, %swap3A_314], %mul3A_312 {strides = array<i32>} : memref<80x64xf32, #tpu.memory_space<vmem>>, vector<16xf32>,
        %slice3A_316 = vector.extract_strided_slice %gather3A_84 {offsets = [6], sizes = [1], strides = [1]} : vector<16xf32> to vector<1xf32>
        %squeeze3A_317 = vector.extract %slice3A_316[0] : f32 from vector<1xf32>
        %broadcast_in_dim3A_318 = vector.broadcast %squeeze3A_317 : f32 to vector<16xf32>
        %get3A_319 = arith.index_cast %add3A_298 : i32 to index
        %get3A_320 = arith.constant 32 : index
        %get3A_321 = tpu.vector_load %arg18[%get3A_319, %get3A_320] {strides = array<i32>} : memref<80x64xf32, #tpu.memory_space<vmem>>, vector<16xf32>,
        %mul3A_322 = arith.mulf %get3A_321, %broadcast_in_dim3A_318 : vector<16xf32>
        %swap3A_323 = arith.index_cast %add3A_298 : i32 to index
        %swap3A_324 = arith.constant 32 : index
        %swap3A_325 = tpu.vector_load %arg18[%swap3A_323, %swap3A_324] {strides = array<i32>} : memref<80x64xf32, #tpu.memory_space<vmem>>, vector<16xf32>,
        tpu.vector_store %arg18[%swap3A_323, %swap3A_324], %mul3A_322 {strides = array<i32>} : memref<80x64xf32, #tpu.memory_space<vmem>>, vector<16xf32>,
        %get3A_326 = arith.index_cast %add3A_298 : i32 to index
        %get3A_327 = arith.constant 48 : index
        %get3A_328 = tpu.vector_load %arg18[%get3A_326, %get3A_327] {strides = array<i32>} : memref<80x64xf32, #tpu.memory_space<vmem>>, vector<16xf32>,
        %mul3A_329 = arith.mulf %get3A_328, %broadcast_in_dim3A_318 : vector<16xf32>
        %swap3A_330 = arith.index_cast %add3A_298 : i32 to index
        %swap3A_331 = arith.constant 48 : index
        %swap3A_332 = tpu.vector_load %arg18[%swap3A_330, %swap3A_331] {strides = array<i32>} : memref<80x64xf32, #tpu.memory_space<vmem>>, vector<16xf32>,
        tpu.vector_store %arg18[%swap3A_330, %swap3A_331], %mul3A_329 {strides = array<i32>} : memref<80x64xf32, #tpu.memory_space<vmem>>, vector<16xf32>,
        %add3A_333 = arith.constant 7 : i32
        %add3A_334 = arith.addi %mul3A_76, %add3A_333 : i32
        %slice3A_335 = vector.extract_strided_slice %gather3A {offsets = [7], sizes = [1], strides = [1]} : vector<16xf32> to vector<1xf32>
        %squeeze3A_336 = vector.extract %slice3A_335[0] : f32 from vector<1xf32>
        %broadcast_in_dim3A_337 = vector.broadcast %squeeze3A_336 : f32 to vector<16xf32>
        %get3A_338 = arith.index_cast %add3A_334 : i32 to index
        %get3A_339 = arith.constant 0 : index
        %get3A_340 = tpu.vector_load %arg18[%get3A_338, %get3A_339] {strides = array<i32>} : memref<80x64xf32, #tpu.memory_space<vmem>>, vector<16xf32>,
        %mul3A_341 = arith.mulf %get3A_340, %broadcast_in_dim3A_337 : vector<16xf32>
        %swap3A_342 = arith.index_cast %add3A_334 : i32 to index
        %swap3A_343 = arith.constant 0 : index
        %swap3A_344 = tpu.vector_load %arg18[%swap3A_342, %swap3A_343] {strides = array<i32>} : memref<80x64xf32, #tpu.memory_space<vmem>>, vector<16xf32>,
        tpu.vector_store %arg18[%swap3A_342, %swap3A_343], %mul3A_341 {strides = array<i32>} : memref<80x64xf32, #tpu.memory_space<vmem>>, vector<16xf32>,
        %get3A_345 = arith.index_cast %add3A_334 : i32 to index
        %get3A_346 = arith.constant 16 : index
        %get3A_347 = tpu.vector_load %arg18[%get3A_345, %get3A_346] {strides = array<i32>} : memref<80x64xf32, #tpu.memory_space<vmem>>, vector<16xf32>,
        %mul3A_348 = arith.mulf %get3A_347, %broadcast_in_dim3A_337 : vector<16xf32>
        %swap3A_349 = arith.index_cast %add3A_334 : i32 to index
        %swap3A_350 = arith.constant 16 : index
        %swap3A_351 = tpu.vector_load %arg18[%swap3A_349, %swap3A_350] {strides = array<i32>} : memref<80x64xf32, #tpu.memory_space<vmem>>, vector<16xf32>,
        tpu.vector_store %arg18[%swap3A_349, %swap3A_350], %mul3A_348 {strides = array<i32>} : memref<80x64xf32, #tpu.memory_space<vmem>>, vector<16xf32>,
        %slice3A_352 = vector.extract_strided_slice %gather3A_84 {offsets = [7], sizes = [1], strides = [1]} : vector<16xf32> to vector<1xf32>
        %squeeze3A_353 = vector.extract %slice3A_352[0] : f32 from vector<1xf32>
        %broadcast_in_dim3A_354 = vector.broadcast %squeeze3A_353 : f32 to vector<16xf32>
        %get3A_355 = arith.index_cast %add3A_334 : i32 to index
        %get3A_356 = arith.constant 32 : index
        %get3A_357 = tpu.vector_load %arg18[%get3A_355, %get3A_356] {strides = array<i32>} : memref<80x64xf32, #tpu.memory_space<vmem>>, vector<16xf32>,
        %mul3A_358 = arith.mulf %get3A_357, %broadcast_in_dim3A_354 : vector<16xf32>
        %swap3A_359 = arith.index_cast %add3A_334 : i32 to index
        %swap3A_360 = arith.constant 32 : index
        %swap3A_361 = tpu.vector_load %arg18[%swap3A_359, %swap3A_360] {strides = array<i32>} : memref<80x64xf32, #tpu.memory_space<vmem>>, vector<16xf32>,
        tpu.vector_store %arg18[%swap3A_359, %swap3A_360], %mul3A_358 {strides = array<i32>} : memref<80x64xf32, #tpu.memory_space<vmem>>, vector<16xf32>,
        %get3A_362 = arith.index_cast %add3A_334 : i32 to index
        %get3A_363 = arith.constant 48 : index
        %get3A_364 = tpu.vector_load %arg18[%get3A_362, %get3A_363] {strides = array<i32>} : memref<80x64xf32, #tpu.memory_space<vmem>>, vector<16xf32>,
        %mul3A_365 = arith.mulf %get3A_364, %broadcast_in_dim3A_354 : vector<16xf32>
        %swap3A_366 = arith.index_cast %add3A_334 : i32 to index
        %swap3A_367 = arith.constant 48 : index
        %swap3A_368 = tpu.vector_load %arg18[%swap3A_366, %swap3A_367] {strides = array<i32>} : memref<80x64xf32, #tpu.memory_space<vmem>>, vector<16xf32>,
        tpu.vector_store %arg18[%swap3A_366, %swap3A_367], %mul3A_365 {strides = array<i32>} : memref<80x64xf32, #tpu.memory_space<vmem>>, vector<16xf32>,
        %add3A_369 = arith.constant 8 : i32
        %add3A_370 = arith.addi %mul3A_76, %add3A_369 : i32
        %slice3A_371 = vector.extract_strided_slice %gather3A {offsets = [8], sizes = [1], strides = [1]} : vector<16xf32> to vector<1xf32>
        %squeeze3A_372 = vector.extract %slice3A_371[0] : f32 from vector<1xf32>
        %broadcast_in_dim3A_373 = vector.broadcast %squeeze3A_372 : f32 to vector<16xf32>
        %get3A_374 = arith.index_cast %add3A_370 : i32 to index
        %get3A_375 = arith.constant 0 : index
        %get3A_376 = tpu.vector_load %arg18[%get3A_374, %get3A_375] {strides = array<i32>} : memref<80x64xf32, #tpu.memory_space<vmem>>, vector<16xf32>,
        %mul3A_377 = arith.mulf %get3A_376, %broadcast_in_dim3A_373 : vector<16xf32>
        %swap3A_378 = arith.index_cast %add3A_370 : i32 to index
        %swap3A_379 = arith.constant 0 : index
        %swap3A_380 = tpu.vector_load %arg18[%swap3A_378, %swap3A_379] {strides = array<i32>} : memref<80x64xf32, #tpu.memory_space<vmem>>, vector<16xf32>,
        tpu.vector_store %arg18[%swap3A_378, %swap3A_379], %mul3A_377 {strides = array<i32>} : memref<80x64xf32, #tpu.memory_space<vmem>>, vector<16xf32>,
        %get3A_381 = arith.index_cast %add3A_370 : i32 to index
        %get3A_382 = arith.constant 16 : index
        %get3A_383 = tpu.vector_load %arg18[%get3A_381, %get3A_382] {strides = array<i32>} : memref<80x64xf32, #tpu.memory_space<vmem>>, vector<16xf32>,
        %mul3A_384 = arith.mulf %get3A_383, %broadcast_in_dim3A_373 : vector<16xf32>
        %swap3A_385 = arith.index_cast %add3A_370 : i32 to index
        %swap3A_386 = arith.constant 16 : index
        %swap3A_387 = tpu.vector_load %arg18[%swap3A_385, %swap3A_386] {strides = array<i32>} : memref<80x64xf32, #tpu.memory_space<vmem>>, vector<16xf32>,
        tpu.vector_store %arg18[%swap3A_385, %swap3A_386], %mul3A_384 {strides = array<i32>} : memref<80x64xf32, #tpu.memory_space<vmem>>, vector<16xf32>,
        %slice3A_388 = vector.extract_strided_slice %gather3A_84 {offsets = [8], sizes = [1], strides = [1]} : vector<16xf32> to vector<1xf32>
        %squeeze3A_389 = vector.extract %slice3A_388[0] : f32 from vector<1xf32>
        %broadcast_in_dim3A_390 = vector.broadcast %squeeze3A_389 : f32 to vector<16xf32>
        %get3A_391 = arith.index_cast %add3A_370 : i32 to index
        %get3A_392 = arith.constant 32 : index
        %get3A_393 = tpu.vector_load %arg18[%get3A_391, %get3A_392] {strides = array<i32>} : memref<80x64xf32, #tpu.memory_space<vmem>>, vector<16xf32>,
        %mul3A_394 = arith.mulf %get3A_393, %broadcast_in_dim3A_390 : vector<16xf32>
        %swap3A_395 = arith.index_cast %add3A_370 : i32 to index
        %swap3A_396 = arith.constant 32 : index
        %swap3A_397 = tpu.vector_load %arg18[%swap3A_395, %swap3A_396] {strides = array<i32>} : memref<80x64xf32, #tpu.memory_space<vmem>>, vector<16xf32>,
        tpu.vector_store %arg18[%swap3A_395, %swap3A_396], %mul3A_394 {strides = array<i32>} : memref<80x64xf32, #tpu.memory_space<vmem>>, vector<16xf32>,
        %get3A_398 = arith.index_cast %add3A_370 : i32 to index
        %get3A_399 = arith.constant 48 : index
        %get3A_400 = tpu.vector_load %arg18[%get3A_398, %get3A_399] {strides = array<i32>} : memref<80x64xf32, #tpu.memory_space<vmem>>, vector<16xf32>,
        %mul3A_401 = arith.mulf %get3A_400, %broadcast_in_dim3A_390 : vector<16xf32>
        %swap3A_402 = arith.index_cast %add3A_370 : i32 to index
        %swap3A_403 = arith.constant 48 : index
        %swap3A_404 = tpu.vector_load %arg18[%swap3A_402, %swap3A_403] {strides = array<i32>} : memref<80x64xf32, #tpu.memory_space<vmem>>, vector<16xf32>,
        tpu.vector_store %arg18[%swap3A_402, %swap3A_403], %mul3A_401 {strides = array<i32>} : memref<80x64xf32, #tpu.memory_space<vmem>>, vector<16xf32>,
        %add3A_405 = arith.constant 9 : i32
        %add3A_406 = arith.addi %mul3A_76, %add3A_405 : i32
        %slice3A_407 = vector.extract_strided_slice %gather3A {offsets = [9], sizes = [1], strides = [1]} : vector<16xf32> to vector<1xf32>
        %squeeze3A_408 = vector.extract %slice3A_407[0] : f32 from vector<1xf32>
        %broadcast_in_dim3A_409 = vector.broadcast %squeeze3A_408 : f32 to vector<16xf32>
        %get3A_410 = arith.index_cast %add3A_406 : i32 to index
        %get3A_411 = arith.constant 0 : index
        %get3A_412 = tpu.vector_load %arg18[%get3A_410, %get3A_411] {strides = array<i32>} : memref<80x64xf32, #tpu.memory_space<vmem>>, vector<16xf32>,
        %mul3A_413 = arith.mulf %get3A_412, %broadcast_in_dim3A_409 : vector<16xf32>
        %swap3A_414 = arith.index_cast %add3A_406 : i32 to index
        %swap3A_415 = arith.constant 0 : index
        %swap3A_416 = tpu.vector_load %arg18[%swap3A_414, %swap3A_415] {strides = array<i32>} : memref<80x64xf32, #tpu.memory_space<vmem>>, vector<16xf32>,
        tpu.vector_store %arg18[%swap3A_414, %swap3A_415], %mul3A_413 {strides = array<i32>} : memref<80x64xf32, #tpu.memory_space<vmem>>, vector<16xf32>,
        %get3A_417 = arith.index_cast %add3A_406 : i32 to index
        %get3A_418 = arith.constant 16 : index
        %get3A_419 = tpu.vector_load %arg18[%get3A_417, %get3A_418] {strides = array<i32>} : memref<80x64xf32, #tpu.memory_space<vmem>>, vector<16xf32>,
        %mul3A_420 = arith.mulf %get3A_419, %broadcast_in_dim3A_409 : vector<16xf32>
        %swap3A_421 = arith.index_cast %add3A_406 : i32 to index
        %swap3A_422 = arith.constant 16 : index
        %swap3A_423 = tpu.vector_load %arg18[%swap3A_421, %swap3A_422] {strides = array<i32>} : memref<80x64xf32, #tpu.memory_space<vmem>>, vector<16xf32>,
        tpu.vector_store %arg18[%swap3A_421, %swap3A_422], %mul3A_420 {strides = array<i32>} : memref<80x64xf32, #tpu.memory_space<vmem>>, vector<16xf32>,
        %slice3A_424 = vector.extract_strided_slice %gather3A_84 {offsets = [9], sizes = [1], strides = [1]} : vector<16xf32> to vector<1xf32>
        %squeeze3A_425 = vector.extract %slice3A_424[0] : f32 from vector<1xf32>
        %broadcast_in_dim3A_426 = vector.broadcast %squeeze3A_425 : f32 to vector<16xf32>
        %get3A_427 = arith.index_cast %add3A_406 : i32 to index
        %get3A_428 = arith.constant 32 : index
        %get3A_429 = tpu.vector_load %arg18[%get3A_427, %get3A_428] {strides = array<i32>} : memref<80x64xf32, #tpu.memory_space<vmem>>, vector<16xf32>,
        %mul3A_430 = arith.mulf %get3A_429, %broadcast_in_dim3A_426 : vector<16xf32>
        %swap3A_431 = arith.index_cast %add3A_406 : i32 to index
        %swap3A_432 = arith.constant 32 : index
        %swap3A_433 = tpu.vector_load %arg18[%swap3A_431, %swap3A_432] {strides = array<i32>} : memref<80x64xf32, #tpu.memory_space<vmem>>, vector<16xf32>,
        tpu.vector_store %arg18[%swap3A_431, %swap3A_432], %mul3A_430 {strides = array<i32>} : memref<80x64xf32, #tpu.memory_space<vmem>>, vector<16xf32>,
        %get3A_434 = arith.index_cast %add3A_406 : i32 to index
        %get3A_435 = arith.constant 48 : index
        %get3A_436 = tpu.vector_load %arg18[%get3A_434, %get3A_435] {strides = array<i32>} : memref<80x64xf32, #tpu.memory_space<vmem>>, vector<16xf32>,
        %mul3A_437 = arith.mulf %get3A_436, %broadcast_in_dim3A_426 : vector<16xf32>
        %swap3A_438 = arith.index_cast %add3A_406 : i32 to index
        %swap3A_439 = arith.constant 48 : index
        %swap3A_440 = tpu.vector_load %arg18[%swap3A_438, %swap3A_439] {strides = array<i32>} : memref<80x64xf32, #tpu.memory_space<vmem>>, vector<16xf32>,
        tpu.vector_store %arg18[%swap3A_438, %swap3A_439], %mul3A_437 {strides = array<i32>} : memref<80x64xf32, #tpu.memory_space<vmem>>, vector<16xf32>,
        %add3A_441 = arith.constant 10 : i32
        %add3A_442 = arith.addi %mul3A_76, %add3A_441 : i32
        %slice3A_443 = vector.extract_strided_slice %gather3A {offsets = [10], sizes = [1], strides = [1]} : vector<16xf32> to vector<1xf32>
        %squeeze3A_444 = vector.extract %slice3A_443[0] : f32 from vector<1xf32>
        %broadcast_in_dim3A_445 = vector.broadcast %squeeze3A_444 : f32 to vector<16xf32>
        %get3A_446 = arith.index_cast %add3A_442 : i32 to index
        %get3A_447 = arith.constant 0 : index
        %get3A_448 = tpu.vector_load %arg18[%get3A_446, %get3A_447] {strides = array<i32>} : memref<80x64xf32, #tpu.memory_space<vmem>>, vector<16xf32>,
        %mul3A_449 = arith.mulf %get3A_448, %broadcast_in_dim3A_445 : vector<16xf32>
        %swap3A_450 = arith.index_cast %add3A_442 : i32 to index
        %swap3A_451 = arith.constant 0 : index
        %swap3A_452 = tpu.vector_load %arg18[%swap3A_450, %swap3A_451] {strides = array<i32>} : memref<80x64xf32, #tpu.memory_space<vmem>>, vector<16xf32>,
        tpu.vector_store %arg18[%swap3A_450, %swap3A_451], %mul3A_449 {strides = array<i32>} : memref<80x64xf32, #tpu.memory_space<vmem>>, vector<16xf32>,
        %get3A_453 = arith.index_cast %add3A_442 : i32 to index
        %get3A_454 = arith.constant 16 : index
        %get3A_455 = tpu.vector_load %arg18[%get3A_453, %get3A_454] {strides = array<i32>} : memref<80x64xf32, #tpu.memory_space<vmem>>, vector<16xf32>,
        %mul3A_456 = arith.mulf %get3A_455, %broadcast_in_dim3A_445 : vector<16xf32>
        %swap3A_457 = arith.index_cast %add3A_442 : i32 to index
        %swap3A_458 = arith.constant 16 : index
        %swap3A_459 = tpu.vector_load %arg18[%swap3A_457, %swap3A_458] {strides = array<i32>} : memref<80x64xf32, #tpu.memory_space<vmem>>, vector<16xf32>,
        tpu.vector_store %arg18[%swap3A_457, %swap3A_458], %mul3A_456 {strides = array<i32>} : memref<80x64xf32, #tpu.memory_space<vmem>>, vector<16xf32>,
        %slice3A_460 = vector.extract_strided_slice %gather3A_84 {offsets = [10], sizes = [1], strides = [1]} : vector<16xf32> to vector<1xf32>
        %squeeze3A_461 = vector.extract %slice3A_460[0] : f32 from vector<1xf32>
        %broadcast_in_dim3A_462 = vector.broadcast %squeeze3A_461 : f32 to vector<16xf32>
        %get3A_463 = arith.index_cast %add3A_442 : i32 to index
        %get3A_464 = arith.constant 32 : index
        %get3A_465 = tpu.vector_load %arg18[%get3A_463, %get3A_464] {strides = array<i32>} : memref<80x64xf32, #tpu.memory_space<vmem>>, vector<16xf32>,
        %mul3A_466 = arith.mulf %get3A_465, %broadcast_in_dim3A_462 : vector<16xf32>
        %swap3A_467 = arith.index_cast %add3A_442 : i32 to index
        %swap3A_468 = arith.constant 32 : index
        %swap3A_469 = tpu.vector_load %arg18[%swap3A_467, %swap3A_468] {strides = array<i32>} : memref<80x64xf32, #tpu.memory_space<vmem>>, vector<16xf32>,
        tpu.vector_store %arg18[%swap3A_467, %swap3A_468], %mul3A_466 {strides = array<i32>} : memref<80x64xf32, #tpu.memory_space<vmem>>, vector<16xf32>,
        %get3A_470 = arith.index_cast %add3A_442 : i32 to index
        %get3A_471 = arith.constant 48 : index
        %get3A_472 = tpu.vector_load %arg18[%get3A_470, %get3A_471] {strides = array<i32>} : memref<80x64xf32, #tpu.memory_space<vmem>>, vector<16xf32>,
        %mul3A_473 = arith.mulf %get3A_472, %broadcast_in_dim3A_462 : vector<16xf32>
        %swap3A_474 = arith.index_cast %add3A_442 : i32 to index
        %swap3A_475 = arith.constant 48 : index
        %swap3A_476 = tpu.vector_load %arg18[%swap3A_474, %swap3A_475] {strides = array<i32>} : memref<80x64xf32, #tpu.memory_space<vmem>>, vector<16xf32>,
        tpu.vector_store %arg18[%swap3A_474, %swap3A_475], %mul3A_473 {strides = array<i32>} : memref<80x64xf32, #tpu.memory_space<vmem>>, vector<16xf32>,
        %add3A_477 = arith.constant 11 : i32
        %add3A_478 = arith.addi %mul3A_76, %add3A_477 : i32
        %slice3A_479 = vector.extract_strided_slice %gather3A {offsets = [11], sizes = [1], strides = [1]} : vector<16xf32> to vector<1xf32>
        %squeeze3A_480 = vector.extract %slice3A_479[0] : f32 from vector<1xf32>
        %broadcast_in_dim3A_481 = vector.broadcast %squeeze3A_480 : f32 to vector<16xf32>
        %get3A_482 = arith.index_cast %add3A_478 : i32 to index
        %get3A_483 = arith.constant 0 : index
        %get3A_484 = tpu.vector_load %arg18[%get3A_482, %get3A_483] {strides = array<i32>} : memref<80x64xf32, #tpu.memory_space<vmem>>, vector<16xf32>,
        %mul3A_485 = arith.mulf %get3A_484, %broadcast_in_dim3A_481 : vector<16xf32>
        %swap3A_486 = arith.index_cast %add3A_478 : i32 to index
        %swap3A_487 = arith.constant 0 : index
        %swap3A_488 = tpu.vector_load %arg18[%swap3A_486, %swap3A_487] {strides = array<i32>} : memref<80x64xf32, #tpu.memory_space<vmem>>, vector<16xf32>,
        tpu.vector_store %arg18[%swap3A_486, %swap3A_487], %mul3A_485 {strides = array<i32>} : memref<80x64xf32, #tpu.memory_space<vmem>>, vector<16xf32>,
        %get3A_489 = arith.index_cast %add3A_478 : i32 to index
        %get3A_490 = arith.constant 16 : index
        %get3A_491 = tpu.vector_load %arg18[%get3A_489, %get3A_490] {strides = array<i32>} : memref<80x64xf32, #tpu.memory_space<vmem>>, vector<16xf32>,
        %mul3A_492 = arith.mulf %get3A_491, %broadcast_in_dim3A_481 : vector<16xf32>
        %swap3A_493 = arith.index_cast %add3A_478 : i32 to index
        %swap3A_494 = arith.constant 16 : index
        %swap3A_495 = tpu.vector_load %arg18[%swap3A_493, %swap3A_494] {strides = array<i32>} : memref<80x64xf32, #tpu.memory_space<vmem>>, vector<16xf32>,
        tpu.vector_store %arg18[%swap3A_493, %swap3A_494], %mul3A_492 {strides = array<i32>} : memref<80x64xf32, #tpu.memory_space<vmem>>, vector<16xf32>,
        %slice3A_496 = vector.extract_strided_slice %gather3A_84 {offsets = [11], sizes = [1], strides = [1]} : vector<16xf32> to vector<1xf32>
        %squeeze3A_497 = vector.extract %slice3A_496[0] : f32 from vector<1xf32>
        %broadcast_in_dim3A_498 = vector.broadcast %squeeze3A_497 : f32 to vector<16xf32>
        %get3A_499 = arith.index_cast %add3A_478 : i32 to index
        %get3A_500 = arith.constant 32 : index
        %get3A_501 = tpu.vector_load %arg18[%get3A_499, %get3A_500] {strides = array<i32>} : memref<80x64xf32, #tpu.memory_space<vmem>>, vector<16xf32>,
        %mul3A_502 = arith.mulf %get3A_501, %broadcast_in_dim3A_498 : vector<16xf32>
        %swap3A_503 = arith.index_cast %add3A_478 : i32 to index
        %swap3A_504 = arith.constant 32 : index
        %swap3A_505 = tpu.vector_load %arg18[%swap3A_503, %swap3A_504] {strides = array<i32>} : memref<80x64xf32, #tpu.memory_space<vmem>>, vector<16xf32>,
        tpu.vector_store %arg18[%swap3A_503, %swap3A_504], %mul3A_502 {strides = array<i32>} : memref<80x64xf32, #tpu.memory_space<vmem>>, vector<16xf32>,
        %get3A_506 = arith.index_cast %add3A_478 : i32 to index
        %get3A_507 = arith.constant 48 : index
        %get3A_508 = tpu.vector_load %arg18[%get3A_506, %get3A_507] {strides = array<i32>} : memref<80x64xf32, #tpu.memory_space<vmem>>, vector<16xf32>,
        %mul3A_509 = arith.mulf %get3A_508, %broadcast_in_dim3A_498 : vector<16xf32>
        %swap3A_510 = arith.index_cast %add3A_478 : i32 to index
        %swap3A_511 = arith.constant 48 : index
        %swap3A_512 = tpu.vector_load %arg18[%swap3A_510, %swap3A_511] {strides = array<i32>} : memref<80x64xf32, #tpu.memory_space<vmem>>, vector<16xf32>,
        tpu.vector_store %arg18[%swap3A_510, %swap3A_511], %mul3A_509 {strides = array<i32>} : memref<80x64xf32, #tpu.memory_space<vmem>>, vector<16xf32>,
        %add3A_513 = arith.constant 12 : i32
        %add3A_514 = arith.addi %mul3A_76, %add3A_513 : i32
        %slice3A_515 = vector.extract_strided_slice %gather3A {offsets = [12], sizes = [1], strides = [1]} : vector<16xf32> to vector<1xf32>
        %squeeze3A_516 = vector.extract %slice3A_515[0] : f32 from vector<1xf32>
        %broadcast_in_dim3A_517 = vector.broadcast %squeeze3A_516 : f32 to vector<16xf32>
        %get3A_518 = arith.index_cast %add3A_514 : i32 to index
        %get3A_519 = arith.constant 0 : index
        %get3A_520 = tpu.vector_load %arg18[%get3A_518, %get3A_519] {strides = array<i32>} : memref<80x64xf32, #tpu.memory_space<vmem>>, vector<16xf32>,
        %mul3A_521 = arith.mulf %get3A_520, %broadcast_in_dim3A_517 : vector<16xf32>
        %swap3A_522 = arith.index_cast %add3A_514 : i32 to index
        %swap3A_523 = arith.constant 0 : index
        %swap3A_524 = tpu.vector_load %arg18[%swap3A_522, %swap3A_523] {strides = array<i32>} : memref<80x64xf32, #tpu.memory_space<vmem>>, vector<16xf32>,
        tpu.vector_store %arg18[%swap3A_522, %swap3A_523], %mul3A_521 {strides = array<i32>} : memref<80x64xf32, #tpu.memory_space<vmem>>, vector<16xf32>,
        %get3A_525 = arith.index_cast %add3A_514 : i32 to index
        %get3A_526 = arith.constant 16 : index
        %get3A_527 = tpu.vector_load %arg18[%get3A_525, %get3A_526] {strides = array<i32>} : memref<80x64xf32, #tpu.memory_space<vmem>>, vector<16xf32>,
        %mul3A_528 = arith.mulf %get3A_527, %broadcast_in_dim3A_517 : vector<16xf32>
        %swap3A_529 = arith.index_cast %add3A_514 : i32 to index
        %swap3A_530 = arith.constant 16 : index
        %swap3A_531 = tpu.vector_load %arg18[%swap3A_529, %swap3A_530] {strides = array<i32>} : memref<80x64xf32, #tpu.memory_space<vmem>>, vector<16xf32>,
        tpu.vector_store %arg18[%swap3A_529, %swap3A_530], %mul3A_528 {strides = array<i32>} : memref<80x64xf32, #tpu.memory_space<vmem>>, vector<16xf32>,
        %slice3A_532 = vector.extract_strided_slice %gather3A_84 {offsets = [12], sizes = [1], strides = [1]} : vector<16xf32> to vector<1xf32>
        %squeeze3A_533 = vector.extract %slice3A_532[0] : f32 from vector<1xf32>
        %broadcast_in_dim3A_534 = vector.broadcast %squeeze3A_533 : f32 to vector<16xf32>
        %get3A_535 = arith.index_cast %add3A_514 : i32 to index
        %get3A_536 = arith.constant 32 : index
        %get3A_537 = tpu.vector_load %arg18[%get3A_535, %get3A_536] {strides = array<i32>} : memref<80x64xf32, #tpu.memory_space<vmem>>, vector<16xf32>,
        %mul3A_538 = arith.mulf %get3A_537, %broadcast_in_dim3A_534 : vector<16xf32>
        %swap3A_539 = arith.index_cast %add3A_514 : i32 to index
        %swap3A_540 = arith.constant 32 : index
        %swap3A_541 = tpu.vector_load %arg18[%swap3A_539, %swap3A_540] {strides = array<i32>} : memref<80x64xf32, #tpu.memory_space<vmem>>, vector<16xf32>,
        tpu.vector_store %arg18[%swap3A_539, %swap3A_540], %mul3A_538 {strides = array<i32>} : memref<80x64xf32, #tpu.memory_space<vmem>>, vector<16xf32>,
        %get3A_542 = arith.index_cast %add3A_514 : i32 to index
        %get3A_543 = arith.constant 48 : index
        %get3A_544 = tpu.vector_load %arg18[%get3A_542, %get3A_543] {strides = array<i32>} : memref<80x64xf32, #tpu.memory_space<vmem>>, vector<16xf32>,
        %mul3A_545 = arith.mulf %get3A_544, %broadcast_in_dim3A_534 : vector<16xf32>
        %swap3A_546 = arith.index_cast %add3A_514 : i32 to index
        %swap3A_547 = arith.constant 48 : index
        %swap3A_548 = tpu.vector_load %arg18[%swap3A_546, %swap3A_547] {strides = array<i32>} : memref<80x64xf32, #tpu.memory_space<vmem>>, vector<16xf32>,
        tpu.vector_store %arg18[%swap3A_546, %swap3A_547], %mul3A_545 {strides = array<i32>} : memref<80x64xf32, #tpu.memory_space<vmem>>, vector<16xf32>,
        %add3A_549 = arith.constant 13 : i32
        %add3A_550 = arith.addi %mul3A_76, %add3A_549 : i32
        %slice3A_551 = vector.extract_strided_slice %gather3A {offsets = [13], sizes = [1], strides = [1]} : vector<16xf32> to vector<1xf32>
        %squeeze3A_552 = vector.extract %slice3A_551[0] : f32 from vector<1xf32>
        %broadcast_in_dim3A_553 = vector.broadcast %squeeze3A_552 : f32 to vector<16xf32>
        %get3A_554 = arith.index_cast %add3A_550 : i32 to index
        %get3A_555 = arith.constant 0 : index
        %get3A_556 = tpu.vector_load %arg18[%get3A_554, %get3A_555] {strides = array<i32>} : memref<80x64xf32, #tpu.memory_space<vmem>>, vector<16xf32>,
        %mul3A_557 = arith.mulf %get3A_556, %broadcast_in_dim3A_553 : vector<16xf32>
        %swap3A_558 = arith.index_cast %add3A_550 : i32 to index
        %swap3A_559 = arith.constant 0 : index
        %swap3A_560 = tpu.vector_load %arg18[%swap3A_558, %swap3A_559] {strides = array<i32>} : memref<80x64xf32, #tpu.memory_space<vmem>>, vector<16xf32>,
        tpu.vector_store %arg18[%swap3A_558, %swap3A_559], %mul3A_557 {strides = array<i32>} : memref<80x64xf32, #tpu.memory_space<vmem>>, vector<16xf32>,
        %get3A_561 = arith.index_cast %add3A_550 : i32 to index
        %get3A_562 = arith.constant 16 : index
        %get3A_563 = tpu.vector_load %arg18[%get3A_561, %get3A_562] {strides = array<i32>} : memref<80x64xf32, #tpu.memory_space<vmem>>, vector<16xf32>,
        %mul3A_564 = arith.mulf %get3A_563, %broadcast_in_dim3A_553 : vector<16xf32>
        %swap3A_565 = arith.index_cast %add3A_550 : i32 to index
        %swap3A_566 = arith.constant 16 : index
        %swap3A_567 = tpu.vector_load %arg18[%swap3A_565, %swap3A_566] {strides = array<i32>} : memref<80x64xf32, #tpu.memory_space<vmem>>, vector<16xf32>,
        tpu.vector_store %arg18[%swap3A_565, %swap3A_566], %mul3A_564 {strides = array<i32>} : memref<80x64xf32, #tpu.memory_space<vmem>>, vector<16xf32>,
        %slice3A_568 = vector.extract_strided_slice %gather3A_84 {offsets = [13], sizes = [1], strides = [1]} : vector<16xf32> to vector<1xf32>
        %squeeze3A_569 = vector.extract %slice3A_568[0] : f32 from vector<1xf32>
        %broadcast_in_dim3A_570 = vector.broadcast %squeeze3A_569 : f32 to vector<16xf32>
        %get3A_571 = arith.index_cast %add3A_550 : i32 to index
        %get3A_572 = arith.constant 32 : index
        %get3A_573 = tpu.vector_load %arg18[%get3A_571, %get3A_572] {strides = array<i32>} : memref<80x64xf32, #tpu.memory_space<vmem>>, vector<16xf32>,
        %mul3A_574 = arith.mulf %get3A_573, %broadcast_in_dim3A_570 : vector<16xf32>
        %swap3A_575 = arith.index_cast %add3A_550 : i32 to index
        %swap3A_576 = arith.constant 32 : index
        %swap3A_577 = tpu.vector_load %arg18[%swap3A_575, %swap3A_576] {strides = array<i32>} : memref<80x64xf32, #tpu.memory_space<vmem>>, vector<16xf32>,
        tpu.vector_store %arg18[%swap3A_575, %swap3A_576], %mul3A_574 {strides = array<i32>} : memref<80x64xf32, #tpu.memory_space<vmem>>, vector<16xf32>,
        %get3A_578 = arith.index_cast %add3A_550 : i32 to index
        %get3A_579 = arith.constant 48 : index
        %get3A_580 = tpu.vector_load %arg18[%get3A_578, %get3A_579] {strides = array<i32>} : memref<80x64xf32, #tpu.memory_space<vmem>>, vector<16xf32>,
        %mul3A_581 = arith.mulf %get3A_580, %broadcast_in_dim3A_570 : vector<16xf32>
        %swap3A_582 = arith.index_cast %add3A_550 : i32 to index
        %swap3A_583 = arith.constant 48 : index
        %swap3A_584 = tpu.vector_load %arg18[%swap3A_582, %swap3A_583] {strides = array<i32>} : memref<80x64xf32, #tpu.memory_space<vmem>>, vector<16xf32>,
        tpu.vector_store %arg18[%swap3A_582, %swap3A_583], %mul3A_581 {strides = array<i32>} : memref<80x64xf32, #tpu.memory_space<vmem>>, vector<16xf32>,
        %add3A_585 = arith.constant 14 : i32
        %add3A_586 = arith.addi %mul3A_76, %add3A_585 : i32
        %slice3A_587 = vector.extract_strided_slice %gather3A {offsets = [14], sizes = [1], strides = [1]} : vector<16xf32> to vector<1xf32>
        %squeeze3A_588 = vector.extract %slice3A_587[0] : f32 from vector<1xf32>
        %broadcast_in_dim3A_589 = vector.broadcast %squeeze3A_588 : f32 to vector<16xf32>
        %get3A_590 = arith.index_cast %add3A_586 : i32 to index
        %get3A_591 = arith.constant 0 : index
        %get3A_592 = tpu.vector_load %arg18[%get3A_590, %get3A_591] {strides = array<i32>} : memref<80x64xf32, #tpu.memory_space<vmem>>, vector<16xf32>,
        %mul3A_593 = arith.mulf %get3A_592, %broadcast_in_dim3A_589 : vector<16xf32>
        %swap3A_594 = arith.index_cast %add3A_586 : i32 to index
        %swap3A_595 = arith.constant 0 : index
        %swap3A_596 = tpu.vector_load %arg18[%swap3A_594, %swap3A_595] {strides = array<i32>} : memref<80x64xf32, #tpu.memory_space<vmem>>, vector<16xf32>,
        tpu.vector_store %arg18[%swap3A_594, %swap3A_595], %mul3A_593 {strides = array<i32>} : memref<80x64xf32, #tpu.memory_space<vmem>>, vector<16xf32>,
        %get3A_597 = arith.index_cast %add3A_586 : i32 to index
        %get3A_598 = arith.constant 16 : index
        %get3A_599 = tpu.vector_load %arg18[%get3A_597, %get3A_598] {strides = array<i32>} : memref<80x64xf32, #tpu.memory_space<vmem>>, vector<16xf32>,
        %mul3A_600 = arith.mulf %get3A_599, %broadcast_in_dim3A_589 : vector<16xf32>
        %swap3A_601 = arith.index_cast %add3A_586 : i32 to index
        %swap3A_602 = arith.constant 16 : index
        %swap3A_603 = tpu.vector_load %arg18[%swap3A_601, %swap3A_602] {strides = array<i32>} : memref<80x64xf32, #tpu.memory_space<vmem>>, vector<16xf32>,
        tpu.vector_store %arg18[%swap3A_601, %swap3A_602], %mul3A_600 {strides = array<i32>} : memref<80x64xf32, #tpu.memory_space<vmem>>, vector<16xf32>,
        %slice3A_604 = vector.extract_strided_slice %gather3A_84 {offsets = [14], sizes = [1], strides = [1]} : vector<16xf32> to vector<1xf32>
        %squeeze3A_605 = vector.extract %slice3A_604[0] : f32 from vector<1xf32>
        %broadcast_in_dim3A_606 = vector.broadcast %squeeze3A_605 : f32 to vector<16xf32>
        %get3A_607 = arith.index_cast %add3A_586 : i32 to index
        %get3A_608 = arith.constant 32 : index
        %get3A_609 = tpu.vector_load %arg18[%get3A_607, %get3A_608] {strides = array<i32>} : memref<80x64xf32, #tpu.memory_space<vmem>>, vector<16xf32>,
        %mul3A_610 = arith.mulf %get3A_609, %broadcast_in_dim3A_606 : vector<16xf32>
        %swap3A_611 = arith.index_cast %add3A_586 : i32 to index
        %swap3A_612 = arith.constant 32 : index
        %swap3A_613 = tpu.vector_load %arg18[%swap3A_611, %swap3A_612] {strides = array<i32>} : memref<80x64xf32, #tpu.memory_space<vmem>>, vector<16xf32>,
        tpu.vector_store %arg18[%swap3A_611, %swap3A_612], %mul3A_610 {strides = array<i32>} : memref<80x64xf32, #tpu.memory_space<vmem>>, vector<16xf32>,
        %get3A_614 = arith.index_cast %add3A_586 : i32 to index
        %get3A_615 = arith.constant 48 : index
        %get3A_616 = tpu.vector_load %arg18[%get3A_614, %get3A_615] {strides = array<i32>} : memref<80x64xf32, #tpu.memory_space<vmem>>, vector<16xf32>,
        %mul3A_617 = arith.mulf %get3A_616, %broadcast_in_dim3A_606 : vector<16xf32>
        %swap3A_618 = arith.index_cast %add3A_586 : i32 to index
        %swap3A_619 = arith.constant 48 : index
        %swap3A_620 = tpu.vector_load %arg18[%swap3A_618, %swap3A_619] {strides = array<i32>} : memref<80x64xf32, #tpu.memory_space<vmem>>, vector<16xf32>,
        tpu.vector_store %arg18[%swap3A_618, %swap3A_619], %mul3A_617 {strides = array<i32>} : memref<80x64xf32, #tpu.memory_space<vmem>>, vector<16xf32>,
        %add3A_621 = arith.constant 15 : i32
        %add3A_622 = arith.addi %mul3A_76, %add3A_621 : i32
        %slice3A_623 = vector.extract_strided_slice %gather3A {offsets = [15], sizes = [1], strides = [1]} : vector<16xf32> to vector<1xf32>
        %squeeze3A_624 = vector.extract %slice3A_623[0] : f32 from vector<1xf32>
        %broadcast_in_dim3A_625 = vector.broadcast %squeeze3A_624 : f32 to vector<16xf32>
        %get3A_626 = arith.index_cast %add3A_622 : i32 to index
        %get3A_627 = arith.constant 0 : index
        %get3A_628 = tpu.vector_load %arg18[%get3A_626, %get3A_627] {strides = array<i32>} : memref<80x64xf32, #tpu.memory_space<vmem>>, vector<16xf32>,
        %mul3A_629 = arith.mulf %get3A_628, %broadcast_in_dim3A_625 : vector<16xf32>
        %swap3A_630 = arith.index_cast %add3A_622 : i32 to index
        %swap3A_631 = arith.constant 0 : index
        %swap3A_632 = tpu.vector_load %arg18[%swap3A_630, %swap3A_631] {strides = array<i32>} : memref<80x64xf32, #tpu.memory_space<vmem>>, vector<16xf32>,
        tpu.vector_store %arg18[%swap3A_630, %swap3A_631], %mul3A_629 {strides = array<i32>} : memref<80x64xf32, #tpu.memory_space<vmem>>, vector<16xf32>,
        %get3A_633 = arith.index_cast %add3A_622 : i32 to index
        %get3A_634 = arith.constant 16 : index
        %get3A_635 = tpu.vector_load %arg18[%get3A_633, %get3A_634] {strides = array<i32>} : memref<80x64xf32, #tpu.memory_space<vmem>>, vector<16xf32>,
        %mul3A_636 = arith.mulf %get3A_635, %broadcast_in_dim3A_625 : vector<16xf32>
        %swap3A_637 = arith.index_cast %add3A_622 : i32 to index
        %swap3A_638 = arith.constant 16 : index
        %swap3A_639 = tpu.vector_load %arg18[%swap3A_637, %swap3A_638] {strides = array<i32>} : memref<80x64xf32, #tpu.memory_space<vmem>>, vector<16xf32>,
        tpu.vector_store %arg18[%swap3A_637, %swap3A_638], %mul3A_636 {strides = array<i32>} : memref<80x64xf32, #tpu.memory_space<vmem>>, vector<16xf32>,
        %slice3A_640 = vector.extract_strided_slice %gather3A_84 {offsets = [15], sizes = [1], strides = [1]} : vector<16xf32> to vector<1xf32>
        %squeeze3A_641 = vector.extract %slice3A_640[0] : f32 from vector<1xf32>
        %broadcast_in_dim3A_642 = vector.broadcast %squeeze3A_641 : f32 to vector<16xf32>
        %get3A_643 = arith.index_cast %add3A_622 : i32 to index
        %get3A_644 = arith.constant 32 : index
        %get3A_645 = tpu.vector_load %arg18[%get3A_643, %get3A_644] {strides = array<i32>} : memref<80x64xf32, #tpu.memory_space<vmem>>, vector<16xf32>,
        %mul3A_646 = arith.mulf %get3A_645, %broadcast_in_dim3A_642 : vector<16xf32>
        %swap3A_647 = arith.index_cast %add3A_622 : i32 to index
        %swap3A_648 = arith.constant 32 : index
        %swap3A_649 = tpu.vector_load %arg18[%swap3A_647, %swap3A_648] {strides = array<i32>} : memref<80x64xf32, #tpu.memory_space<vmem>>, vector<16xf32>,
        tpu.vector_store %arg18[%swap3A_647, %swap3A_648], %mul3A_646 {strides = array<i32>} : memref<80x64xf32, #tpu.memory_space<vmem>>, vector<16xf32>,
        %get3A_650 = arith.index_cast %add3A_622 : i32 to index
        %get3A_651 = arith.constant 48 : index
        %get3A_652 = tpu.vector_load %arg18[%get3A_650, %get3A_651] {strides = array<i32>} : memref<80x64xf32, #tpu.memory_space<vmem>>, vector<16xf32>,
        %mul3A_653 = arith.mulf %get3A_652, %broadcast_in_dim3A_642 : vector<16xf32>
        %swap3A_654 = arith.index_cast %add3A_622 : i32 to index
        %swap3A_655 = arith.constant 48 : index
        %swap3A_656 = tpu.vector_load %arg18[%swap3A_654, %swap3A_655] {strides = array<i32>} : memref<80x64xf32, #tpu.memory_space<vmem>>, vector<16xf32>,
        tpu.vector_store %arg18[%swap3A_654, %swap3A_655], %mul3A_653 {strides = array<i32>} : memref<80x64xf32, #tpu.memory_space<vmem>>, vector<16xf32>,
      }
      %scan3A_55 = arith.constant 5 : i32
      "tpu.region"() ({
        %run_scoped3A = tpu.sem_alloc : memref<!tpu.dma_semaphore, #tpu.memory_space<semaphore_mem>>
        %dma_start3A_74 = arith.constant 0 : i32
        %dma_start3A_75 = arith.constant 0 : i32
        %dma_start3A_76 = tpu.memref_slice %arg22[%dma_start3A_74, %dma_start3A_75] : memref<10000x64xf32, #tpu.memory_space<vmem_shared>> -> memref<10000x64xf32, #tpu.memory_space<vmem_shared>>
        tpu.enqueue_indirect_dma source(%arg18 : memref<80x64xf32, #tpu.memory_space<vmem>>) target(%dma_start3A_76 : memref<10000x64xf32, #tpu.memory_space<vmem_shared>>) offsets(%arg14 : memref<80xi32, #tpu.memory_space<vmem>>) semaphore(%run_scoped3A : memref<!tpu.dma_semaphore, #tpu.memory_space<semaphore_mem>>) {add = true}
        %dma_wait3A_77 = arith.constant 0 : i32
        %dma_wait3A_78 = arith.constant 0 : i32
        %dma_wait3A_79 = tpu.memref_slice %arg22[%dma_wait3A_77, %dma_wait3A_78] : memref<10000x64xf32, #tpu.memory_space<vmem_shared>> -> memref<10000x64xf32, #tpu.memory_space<vmem_shared>>
        tpu.wait_indirect_dma semaphore(%run_scoped3A : memref<!tpu.dma_semaphore, #tpu.memory_space<semaphore_mem>>) src(%arg18 : memref<80x64xf32, #tpu.memory_space<vmem>>) dst(%dma_wait3A_79 : memref<10000x64xf32, #tpu.memory_space<vmem_shared>>)
        tpu.yield
      }) : () -> ()
      "tpu.region"() ({
        %run_scoped3A = tpu.sem_alloc : memref<!tpu.dma_semaphore, #tpu.memory_space<semaphore_mem>>
        %dma_start3A_74 = arith.constant 0 : i32
        %dma_start3A_75 = arith.constant 0 : i32
        %dma_start3A_76 = tpu.memref_slice %arg23[%dma_start3A_74, %dma_start3A_75] : memref<10000x8xf32, #tpu.memory_space<vmem_shared>> -> memref<10000x8xf32, #tpu.memory_space<vmem_shared>>
        tpu.enqueue_indirect_dma source(%arg20 : memref<80x8xf32, #tpu.memory_space<vmem>>) target(%dma_start3A_76 : memref<10000x8xf32, #tpu.memory_space<vmem_shared>>) offsets(%arg14 : memref<80xi32, #tpu.memory_space<vmem>>) semaphore(%run_scoped3A : memref<!tpu.dma_semaphore, #tpu.memory_space<semaphore_mem>>) {add = true}
        %dma_wait3A_77 = arith.constant 0 : i32
        %dma_wait3A_78 = arith.constant 0 : i32
        %dma_wait3A_79 = tpu.memref_slice %arg23[%dma_wait3A_77, %dma_wait3A_78] : memref<10000x8xf32, #tpu.memory_space<vmem_shared>> -> memref<10000x8xf32, #tpu.memory_space<vmem_shared>>
        tpu.wait_indirect_dma semaphore(%run_scoped3A : memref<!tpu.dma_semaphore, #tpu.memory_space<semaphore_mem>>) src(%arg20 : memref<80x8xf32, #tpu.memory_space<vmem>>) dst(%dma_wait3A_79 : memref<10000x8xf32, #tpu.memory_space<vmem_shared>>)
        tpu.yield
      }) : () -> ()
      %lt3A = arith.constant 124 : i32
      %lt3A_56 = arith.cmpi slt, %scan3A_47, %lt3A : i32
      %convert_element_type3A_57 = arith.extui %lt3A_56 : i1 to i32
      %cond3A_58 = arith.constant 0 : i32
      %cond3A_59 = arith.cmpi ne, %convert_element_type3A_57, %cond3A_58 : i32
      scf.if %cond3A_59 {
        %mul3A_74 = arith.constant 2 : i32
        %mul3A_75 = arith.muli %mul3A_74, %scan3A_47 : i32
        %add3A_76 = arith.constant 2 : i32
        %add3A_77 = arith.addi %mul3A_75, %add3A_76 : i32
        %mul3A_78 = arith.constant 20000 : i32
        %mul3A_79 = arith.muli %arg1, %mul3A_78 : i32
        %mul3A_80 = arith.constant 80 : i32
        %mul3A_81 = arith.muli %add3A_77, %mul3A_80 : i32
        %add3A_82 = arith.addi %mul3A_79, %mul3A_81 : i32
        %multiple_of3A_83 = tpu.assume_multiple %add3A_82, 16 : i32
        "tpu.region"() ({
          %run_scoped3A = tpu.sem_alloc : memref<!tpu.dma_semaphore, #tpu.memory_space<semaphore_mem>>
          %dma_start3A_93 = tpu.memref_slice %arg4[%multiple_of3A_83] : memref<320000xi32, #tpu.memory_space<hbm>> -> memref<80xi32, #tpu.memory_space<hbm>>
          %dma_start3A_94 = tpu.memref_slice %arg4[%multiple_of3A_83] : memref<320000xi32, #tpu.memory_space<hbm>> -> memref<80xi32, #tpu.memory_space<hbm>>
          tpu.enqueue_dma source(%dma_start3A_94 : memref<80xi32, #tpu.memory_space<hbm>>) target(%arg12 : memref<80xi32, #tpu.memory_space<vmem>>) target_semaphore(%run_scoped3A : memref<!tpu.dma_semaphore, #tpu.memory_space<semaphore_mem>>)
          %dma_wait3A_95 = tpu.memref_slice %arg4[%multiple_of3A_83] : memref<320000xi32, #tpu.memory_space<hbm>> -> memref<80xi32, #tpu.memory_space<hbm>>
          %dma_wait3A_96 = tpu.memref_slice %arg4[%multiple_of3A_83] : memref<320000xi32, #tpu.memory_space<hbm>> -> memref<80xi32, #tpu.memory_space<hbm>>
          tpu.wait_dma2 semaphore(%run_scoped3A : memref<!tpu.dma_semaphore, #tpu.memory_space<semaphore_mem>>) src(%dma_wait3A_96 : memref<80xi32, #tpu.memory_space<hbm>>) dst(%arg12 : memref<80xi32, #tpu.memory_space<vmem>>)
          tpu.yield
        }) : () -> ()
        "tpu.region"() ({
          %run_scoped3A = tpu.sem_alloc : memref<!tpu.dma_semaphore, #tpu.memory_space<semaphore_mem>>
          %dma_start3A_93 = tpu.memref_slice %arg5[%multiple_of3A_83] : memref<320000xi32, #tpu.memory_space<hbm>> -> memref<80xi32, #tpu.memory_space<hbm>>
          %dma_start3A_94 = tpu.memref_slice %arg5[%multiple_of3A_83] : memref<320000xi32, #tpu.memory_space<hbm>> -> memref<80xi32, #tpu.memory_space<hbm>>
          tpu.enqueue_dma source(%dma_start3A_94 : memref<80xi32, #tpu.memory_space<hbm>>) target(%arg14 : memref<80xi32, #tpu.memory_space<vmem>>) target_semaphore(%run_scoped3A : memref<!tpu.dma_semaphore, #tpu.memory_space<semaphore_mem>>)
          %dma_wait3A_95 = tpu.memref_slice %arg5[%multiple_of3A_83] : memref<320000xi32, #tpu.memory_space<hbm>> -> memref<80xi32, #tpu.memory_space<hbm>>
          %dma_wait3A_96 = tpu.memref_slice %arg5[%multiple_of3A_83] : memref<320000xi32, #tpu.memory_space<hbm>> -> memref<80xi32, #tpu.memory_space<hbm>>
          tpu.wait_dma2 semaphore(%run_scoped3A : memref<!tpu.dma_semaphore, #tpu.memory_space<semaphore_mem>>) src(%dma_wait3A_96 : memref<80xi32, #tpu.memory_space<hbm>>) dst(%arg14 : memref<80xi32, #tpu.memory_space<vmem>>)
          tpu.yield
        }) : () -> ()
        %scan3A_84 = arith.constant 0 : i32
        %scan3A_85 = arith.constant 0 : i32
        %scan3A_86 = arith.constant 5 : i32
        %scan3A_87 = arith.addi %scan3A_85, %scan3A_86 : i32
        %scan3A_88 = arith.constant 1 : i32
        scf.for %scan3A_93 = %scan3A_85 to %scan3A_87 step %scan3A_88  : i32 {
          %mul3A_94 = arith.constant 16 : i32
          %mul3A_95 = arith.muli %scan3A_93, %mul3A_94 : i32
          %get3A = arith.index_cast %mul3A_95 : i32 to index
          %get3A_96 = tpu.vector_load %arg12[%get3A] {strides = array<i32>} : memref<80xi32, #tpu.memory_space<vmem>>, vector<16xi32>,
          %get3A_97 = arith.index_cast %mul3A_95 : i32 to index
          %get3A_98 = tpu.vector_load %arg14[%get3A_97] {strides = array<i32>} : memref<80xi32, #tpu.memory_space<vmem>>, vector<16xi32>,
          %add3A_99 = vector.broadcast %mul3A_11 : i32 to vector<16xi32>
          %add3A_100 = arith.addi %get3A_96, %add3A_99 : vector<16xi32>
          %swap3A = arith.index_cast %mul3A_95 : i32 to index
          %swap3A_101 = tpu.vector_load %arg16[%swap3A] {strides = array<i32>} : memref<80xi32, #tpu.memory_space<vmem>>, vector<16xi32>,
          tpu.vector_store %arg16[%swap3A], %add3A_100 {strides = array<i32>} : memref<80xi32, #tpu.memory_space<vmem>>, vector<16xi32>,
          %mul3A_102 = arith.constant 4 : i32
          %mul3A_103 = vector.broadcast %mul3A_102 : i32 to vector<16xi32>
          %mul3A_104 = arith.muli %get3A_96, %mul3A_103 : vector<16xi32>
          %add3A_105 = arith.constant 0 : i32
          %add3A_106 = vector.broadcast %add3A_105 : i32 to vector<16xi32>
          %add3A_107 = arith.addi %mul3A_104, %add3A_106 : vector<16xi32>
          %gather3A = tpu.vector_load_idx %arg11[%add3A_107] : memref<40000xf32, #tpu.memory_space<vmem>>[vector<16xi32>], vector<16xf32>,
          %mul3A_108 = arith.constant 4 : i32
          %mul3A_109 = vector.broadcast %mul3A_108 : i32 to vector<16xi32>
          %mul3A_110 = arith.muli %get3A_98, %mul3A_109 : vector<16xi32>
          %add3A_111 = arith.constant 2 : i32
          %add3A_112 = vector.broadcast %add3A_111 : i32 to vector<16xi32>
          %add3A_113 = arith.addi %mul3A_110, %add3A_112 : vector<16xi32>
          %gather3A_114 = tpu.vector_load_idx %arg11[%add3A_113] : memref<40000xf32, #tpu.memory_space<vmem>>[vector<16xi32>], vector<16xf32>,
          %add3A_115 = arith.addf %gather3A, %gather3A_114 : vector<16xf32>
          %mul3A_116 = arith.constant 2.000000e-01 : f32
          %mul3A_117 = vector.broadcast %mul3A_116 : f32 to vector<16xf32>
          %mul3A_118 = arith.mulf %add3A_115, %mul3A_117 : vector<16xf32>
          %max3A = arith.maximumf %add3A_115, %mul3A_118 : vector<16xf32>
          %exp3A = math.exp %max3A : vector<16xf32>
          %add3A_119 = vector.broadcast %mul3A_95 : i32 to vector<16xi32>
          %add3A_120 = arith.addi %add3A_119, %iota3A : vector<16xi32>
          %broadcast_in_dim3A = arith.constant 0 : i32
          %broadcast_in_dim3A_121 = vector.broadcast %broadcast_in_dim3A : i32 to vector<16xi32>
          tpu.vector_store_idx %arg20[%add3A_120, %broadcast_in_dim3A_121], %exp3A : memref<80x8xf32, #tpu.memory_space<vmem>>[vector<16xi32>, vector<16xi32>], vector<16xf32>,
          %mul3A_122 = arith.constant 4 : i32
          %mul3A_123 = vector.broadcast %mul3A_122 : i32 to vector<16xi32>
          %mul3A_124 = arith.muli %get3A_96, %mul3A_123 : vector<16xi32>
          %add3A_125 = arith.constant 1 : i32
          %add3A_126 = vector.broadcast %add3A_125 : i32 to vector<16xi32>
          %add3A_127 = arith.addi %mul3A_124, %add3A_126 : vector<16xi32>
          %gather3A_128 = tpu.vector_load_idx %arg11[%add3A_127] : memref<40000xf32, #tpu.memory_space<vmem>>[vector<16xi32>], vector<16xf32>,
          %mul3A_129 = arith.constant 4 : i32
          %mul3A_130 = vector.broadcast %mul3A_129 : i32 to vector<16xi32>
          %mul3A_131 = arith.muli %get3A_98, %mul3A_130 : vector<16xi32>
          %add3A_132 = arith.constant 3 : i32
          %add3A_133 = vector.broadcast %add3A_132 : i32 to vector<16xi32>
          %add3A_134 = arith.addi %mul3A_131, %add3A_133 : vector<16xi32>
          %gather3A_135 = tpu.vector_load_idx %arg11[%add3A_134] : memref<40000xf32, #tpu.memory_space<vmem>>[vector<16xi32>], vector<16xf32>,
          %add3A_136 = arith.addf %gather3A_128, %gather3A_135 : vector<16xf32>
          %mul3A_137 = arith.constant 2.000000e-01 : f32
          %mul3A_138 = vector.broadcast %mul3A_137 : f32 to vector<16xf32>
          %mul3A_139 = arith.mulf %add3A_136, %mul3A_138 : vector<16xf32>
          %max3A_140 = arith.maximumf %add3A_136, %mul3A_139 : vector<16xf32>
          %exp3A_141 = math.exp %max3A_140 : vector<16xf32>
          %add3A_142 = vector.broadcast %mul3A_95 : i32 to vector<16xi32>
          %add3A_143 = arith.addi %add3A_142, %iota3A : vector<16xi32>
          %broadcast_in_dim3A_144 = arith.constant 1 : i32
          %broadcast_in_dim3A_145 = vector.broadcast %broadcast_in_dim3A_144 : i32 to vector<16xi32>
          tpu.vector_store_idx %arg20[%add3A_143, %broadcast_in_dim3A_145], %exp3A_141 : memref<80x8xf32, #tpu.memory_space<vmem>>[vector<16xi32>, vector<16xi32>], vector<16xf32>,
        }
        %scan3A_89 = arith.constant 5 : i32
        %dma_start3A_90 = arith.constant 0 : i32
        %dma_start3A_91 = arith.constant 0 : i32
        %dma_start3A_92 = tpu.memref_slice %arg6[%dma_start3A_90, %dma_start3A_91] : memref<20000x64xf32, #tpu.memory_space<hbm>> -> memref<20000x64xf32, #tpu.memory_space<hbm>>
        tpu.enqueue_indirect_dma source(%dma_start3A_92 : memref<20000x64xf32, #tpu.memory_space<hbm>>) target(%arg18 : memref<80x64xf32, #tpu.memory_space<vmem>>) offsets(%arg16 : memref<80xi32, #tpu.memory_space<vmem>>) semaphore(%arg24 : memref<!tpu.dma_semaphore, #tpu.memory_space<semaphore_mem>>)
      } else {
      }
      %dma_wait3A_60 = arith.constant 0 : i32
      %dma_wait3A_61 = arith.constant 0 : i32
      %dma_wait3A_62 = tpu.memref_slice %arg6[%dma_wait3A_60, %dma_wait3A_61] : memref<20000x64xf32, #tpu.memory_space<hbm>> -> memref<20000x64xf32, #tpu.memory_space<hbm>>
      tpu.wait_indirect_dma semaphore(%arg25 : memref<!tpu.dma_semaphore, #tpu.memory_space<semaphore_mem>>) src(%dma_wait3A_62 : memref<20000x64xf32, #tpu.memory_space<hbm>>) dst(%arg19 : memref<80x64xf32, #tpu.memory_space<vmem>>)
      %scan3A_63 = arith.constant 0 : i32
      %scan3A_64 = arith.constant 0 : i32
      %scan3A_65 = arith.constant 5 : i32
      %scan3A_66 = arith.addi %scan3A_64, %scan3A_65 : i32
      %scan3A_67 = arith.constant 1 : i32
      scf.for %scan3A_74 = %scan3A_64 to %scan3A_66 step %scan3A_67  : i32 {
        %mul3A_75 = arith.constant 16 : i32
        %mul3A_76 = arith.muli %scan3A_74, %mul3A_75 : i32
        %add3A_77 = vector.broadcast %mul3A_76 : i32 to vector<16xi32>
        %add3A_78 = arith.addi %add3A_77, %iota3A : vector<16xi32>
        %broadcast_in_dim3A = arith.constant 0 : i32
        %broadcast_in_dim3A_79 = vector.broadcast %broadcast_in_dim3A : i32 to vector<16xi32>
        %gather3A = tpu.vector_load_idx %arg21[%add3A_78, %broadcast_in_dim3A_79] : memref<80x8xf32, #tpu.memory_space<vmem>>[vector<16xi32>, vector<16xi32>], vector<16xf32>,
        %add3A_80 = vector.broadcast %mul3A_76 : i32 to vector<16xi32>
        %add3A_81 = arith.addi %add3A_80, %iota3A : vector<16xi32>
        %broadcast_in_dim3A_82 = arith.constant 1 : i32
        %broadcast_in_dim3A_83 = vector.broadcast %broadcast_in_dim3A_82 : i32 to vector<16xi32>
        %gather3A_84 = tpu.vector_load_idx %arg21[%add3A_81, %broadcast_in_dim3A_83] : memref<80x8xf32, #tpu.memory_space<vmem>>[vector<16xi32>, vector<16xi32>], vector<16xf32>,
        %add3A_85 = arith.constant 0 : i32
        %add3A_86 = arith.addi %mul3A_76, %add3A_85 : i32
        %slice3A = vector.extract_strided_slice %gather3A {offsets = [0], sizes = [1], strides = [1]} : vector<16xf32> to vector<1xf32>
        %squeeze3A = vector.extract %slice3A[0] : f32 from vector<1xf32>
        %broadcast_in_dim3A_87 = vector.broadcast %squeeze3A : f32 to vector<16xf32>
        %get3A = arith.index_cast %add3A_86 : i32 to index
        %get3A_88 = arith.constant 0 : index
        %get3A_89 = tpu.vector_load %arg19[%get3A, %get3A_88] {strides = array<i32>} : memref<80x64xf32, #tpu.memory_space<vmem>>, vector<16xf32>,
        %mul3A_90 = arith.mulf %get3A_89, %broadcast_in_dim3A_87 : vector<16xf32>
        %swap3A = arith.index_cast %add3A_86 : i32 to index
        %swap3A_91 = arith.constant 0 : index
        %swap3A_92 = tpu.vector_load %arg19[%swap3A, %swap3A_91] {strides = array<i32>} : memref<80x64xf32, #tpu.memory_space<vmem>>, vector<16xf32>,
        tpu.vector_store %arg19[%swap3A, %swap3A_91], %mul3A_90 {strides = array<i32>} : memref<80x64xf32, #tpu.memory_space<vmem>>, vector<16xf32>,
        %get3A_93 = arith.index_cast %add3A_86 : i32 to index
        %get3A_94 = arith.constant 16 : index
        %get3A_95 = tpu.vector_load %arg19[%get3A_93, %get3A_94] {strides = array<i32>} : memref<80x64xf32, #tpu.memory_space<vmem>>, vector<16xf32>,
        %mul3A_96 = arith.mulf %get3A_95, %broadcast_in_dim3A_87 : vector<16xf32>
        %swap3A_97 = arith.index_cast %add3A_86 : i32 to index
        %swap3A_98 = arith.constant 16 : index
        %swap3A_99 = tpu.vector_load %arg19[%swap3A_97, %swap3A_98] {strides = array<i32>} : memref<80x64xf32, #tpu.memory_space<vmem>>, vector<16xf32>,
        tpu.vector_store %arg19[%swap3A_97, %swap3A_98], %mul3A_96 {strides = array<i32>} : memref<80x64xf32, #tpu.memory_space<vmem>>, vector<16xf32>,
        %slice3A_100 = vector.extract_strided_slice %gather3A_84 {offsets = [0], sizes = [1], strides = [1]} : vector<16xf32> to vector<1xf32>
        %squeeze3A_101 = vector.extract %slice3A_100[0] : f32 from vector<1xf32>
        %broadcast_in_dim3A_102 = vector.broadcast %squeeze3A_101 : f32 to vector<16xf32>
        %get3A_103 = arith.index_cast %add3A_86 : i32 to index
        %get3A_104 = arith.constant 32 : index
        %get3A_105 = tpu.vector_load %arg19[%get3A_103, %get3A_104] {strides = array<i32>} : memref<80x64xf32, #tpu.memory_space<vmem>>, vector<16xf32>,
        %mul3A_106 = arith.mulf %get3A_105, %broadcast_in_dim3A_102 : vector<16xf32>
        %swap3A_107 = arith.index_cast %add3A_86 : i32 to index
        %swap3A_108 = arith.constant 32 : index
        %swap3A_109 = tpu.vector_load %arg19[%swap3A_107, %swap3A_108] {strides = array<i32>} : memref<80x64xf32, #tpu.memory_space<vmem>>, vector<16xf32>,
        tpu.vector_store %arg19[%swap3A_107, %swap3A_108], %mul3A_106 {strides = array<i32>} : memref<80x64xf32, #tpu.memory_space<vmem>>, vector<16xf32>,
        %get3A_110 = arith.index_cast %add3A_86 : i32 to index
        %get3A_111 = arith.constant 48 : index
        %get3A_112 = tpu.vector_load %arg19[%get3A_110, %get3A_111] {strides = array<i32>} : memref<80x64xf32, #tpu.memory_space<vmem>>, vector<16xf32>,
        %mul3A_113 = arith.mulf %get3A_112, %broadcast_in_dim3A_102 : vector<16xf32>
        %swap3A_114 = arith.index_cast %add3A_86 : i32 to index
        %swap3A_115 = arith.constant 48 : index
        %swap3A_116 = tpu.vector_load %arg19[%swap3A_114, %swap3A_115] {strides = array<i32>} : memref<80x64xf32, #tpu.memory_space<vmem>>, vector<16xf32>,
        tpu.vector_store %arg19[%swap3A_114, %swap3A_115], %mul3A_113 {strides = array<i32>} : memref<80x64xf32, #tpu.memory_space<vmem>>, vector<16xf32>,
        %add3A_117 = arith.constant 1 : i32
        %add3A_118 = arith.addi %mul3A_76, %add3A_117 : i32
        %slice3A_119 = vector.extract_strided_slice %gather3A {offsets = [1], sizes = [1], strides = [1]} : vector<16xf32> to vector<1xf32>
        %squeeze3A_120 = vector.extract %slice3A_119[0] : f32 from vector<1xf32>
        %broadcast_in_dim3A_121 = vector.broadcast %squeeze3A_120 : f32 to vector<16xf32>
        %get3A_122 = arith.index_cast %add3A_118 : i32 to index
        %get3A_123 = arith.constant 0 : index
        %get3A_124 = tpu.vector_load %arg19[%get3A_122, %get3A_123] {strides = array<i32>} : memref<80x64xf32, #tpu.memory_space<vmem>>, vector<16xf32>,
        %mul3A_125 = arith.mulf %get3A_124, %broadcast_in_dim3A_121 : vector<16xf32>
        %swap3A_126 = arith.index_cast %add3A_118 : i32 to index
        %swap3A_127 = arith.constant 0 : index
        %swap3A_128 = tpu.vector_load %arg19[%swap3A_126, %swap3A_127] {strides = array<i32>} : memref<80x64xf32, #tpu.memory_space<vmem>>, vector<16xf32>,
        tpu.vector_store %arg19[%swap3A_126, %swap3A_127], %mul3A_125 {strides = array<i32>} : memref<80x64xf32, #tpu.memory_space<vmem>>, vector<16xf32>,
        %get3A_129 = arith.index_cast %add3A_118 : i32 to index
        %get3A_130 = arith.constant 16 : index
        %get3A_131 = tpu.vector_load %arg19[%get3A_129, %get3A_130] {strides = array<i32>} : memref<80x64xf32, #tpu.memory_space<vmem>>, vector<16xf32>,
        %mul3A_132 = arith.mulf %get3A_131, %broadcast_in_dim3A_121 : vector<16xf32>
        %swap3A_133 = arith.index_cast %add3A_118 : i32 to index
        %swap3A_134 = arith.constant 16 : index
        %swap3A_135 = tpu.vector_load %arg19[%swap3A_133, %swap3A_134] {strides = array<i32>} : memref<80x64xf32, #tpu.memory_space<vmem>>, vector<16xf32>,
        tpu.vector_store %arg19[%swap3A_133, %swap3A_134], %mul3A_132 {strides = array<i32>} : memref<80x64xf32, #tpu.memory_space<vmem>>, vector<16xf32>,
        %slice3A_136 = vector.extract_strided_slice %gather3A_84 {offsets = [1], sizes = [1], strides = [1]} : vector<16xf32> to vector<1xf32>
        %squeeze3A_137 = vector.extract %slice3A_136[0] : f32 from vector<1xf32>
        %broadcast_in_dim3A_138 = vector.broadcast %squeeze3A_137 : f32 to vector<16xf32>
        %get3A_139 = arith.index_cast %add3A_118 : i32 to index
        %get3A_140 = arith.constant 32 : index
        %get3A_141 = tpu.vector_load %arg19[%get3A_139, %get3A_140] {strides = array<i32>} : memref<80x64xf32, #tpu.memory_space<vmem>>, vector<16xf32>,
        %mul3A_142 = arith.mulf %get3A_141, %broadcast_in_dim3A_138 : vector<16xf32>
        %swap3A_143 = arith.index_cast %add3A_118 : i32 to index
        %swap3A_144 = arith.constant 32 : index
        %swap3A_145 = tpu.vector_load %arg19[%swap3A_143, %swap3A_144] {strides = array<i32>} : memref<80x64xf32, #tpu.memory_space<vmem>>, vector<16xf32>,
        tpu.vector_store %arg19[%swap3A_143, %swap3A_144], %mul3A_142 {strides = array<i32>} : memref<80x64xf32, #tpu.memory_space<vmem>>, vector<16xf32>,
        %get3A_146 = arith.index_cast %add3A_118 : i32 to index
        %get3A_147 = arith.constant 48 : index
        %get3A_148 = tpu.vector_load %arg19[%get3A_146, %get3A_147] {strides = array<i32>} : memref<80x64xf32, #tpu.memory_space<vmem>>, vector<16xf32>,
        %mul3A_149 = arith.mulf %get3A_148, %broadcast_in_dim3A_138 : vector<16xf32>
        %swap3A_150 = arith.index_cast %add3A_118 : i32 to index
        %swap3A_151 = arith.constant 48 : index
        %swap3A_152 = tpu.vector_load %arg19[%swap3A_150, %swap3A_151] {strides = array<i32>} : memref<80x64xf32, #tpu.memory_space<vmem>>, vector<16xf32>,
        tpu.vector_store %arg19[%swap3A_150, %swap3A_151], %mul3A_149 {strides = array<i32>} : memref<80x64xf32, #tpu.memory_space<vmem>>, vector<16xf32>,
        %add3A_153 = arith.constant 2 : i32
        %add3A_154 = arith.addi %mul3A_76, %add3A_153 : i32
        %slice3A_155 = vector.extract_strided_slice %gather3A {offsets = [2], sizes = [1], strides = [1]} : vector<16xf32> to vector<1xf32>
        %squeeze3A_156 = vector.extract %slice3A_155[0] : f32 from vector<1xf32>
        %broadcast_in_dim3A_157 = vector.broadcast %squeeze3A_156 : f32 to vector<16xf32>
        %get3A_158 = arith.index_cast %add3A_154 : i32 to index
        %get3A_159 = arith.constant 0 : index
        %get3A_160 = tpu.vector_load %arg19[%get3A_158, %get3A_159] {strides = array<i32>} : memref<80x64xf32, #tpu.memory_space<vmem>>, vector<16xf32>,
        %mul3A_161 = arith.mulf %get3A_160, %broadcast_in_dim3A_157 : vector<16xf32>
        %swap3A_162 = arith.index_cast %add3A_154 : i32 to index
        %swap3A_163 = arith.constant 0 : index
        %swap3A_164 = tpu.vector_load %arg19[%swap3A_162, %swap3A_163] {strides = array<i32>} : memref<80x64xf32, #tpu.memory_space<vmem>>, vector<16xf32>,
        tpu.vector_store %arg19[%swap3A_162, %swap3A_163], %mul3A_161 {strides = array<i32>} : memref<80x64xf32, #tpu.memory_space<vmem>>, vector<16xf32>,
        %get3A_165 = arith.index_cast %add3A_154 : i32 to index
        %get3A_166 = arith.constant 16 : index
        %get3A_167 = tpu.vector_load %arg19[%get3A_165, %get3A_166] {strides = array<i32>} : memref<80x64xf32, #tpu.memory_space<vmem>>, vector<16xf32>,
        %mul3A_168 = arith.mulf %get3A_167, %broadcast_in_dim3A_157 : vector<16xf32>
        %swap3A_169 = arith.index_cast %add3A_154 : i32 to index
        %swap3A_170 = arith.constant 16 : index
        %swap3A_171 = tpu.vector_load %arg19[%swap3A_169, %swap3A_170] {strides = array<i32>} : memref<80x64xf32, #tpu.memory_space<vmem>>, vector<16xf32>,
        tpu.vector_store %arg19[%swap3A_169, %swap3A_170], %mul3A_168 {strides = array<i32>} : memref<80x64xf32, #tpu.memory_space<vmem>>, vector<16xf32>,
        %slice3A_172 = vector.extract_strided_slice %gather3A_84 {offsets = [2], sizes = [1], strides = [1]} : vector<16xf32> to vector<1xf32>
        %squeeze3A_173 = vector.extract %slice3A_172[0] : f32 from vector<1xf32>
        %broadcast_in_dim3A_174 = vector.broadcast %squeeze3A_173 : f32 to vector<16xf32>
        %get3A_175 = arith.index_cast %add3A_154 : i32 to index
        %get3A_176 = arith.constant 32 : index
        %get3A_177 = tpu.vector_load %arg19[%get3A_175, %get3A_176] {strides = array<i32>} : memref<80x64xf32, #tpu.memory_space<vmem>>, vector<16xf32>,
        %mul3A_178 = arith.mulf %get3A_177, %broadcast_in_dim3A_174 : vector<16xf32>
        %swap3A_179 = arith.index_cast %add3A_154 : i32 to index
        %swap3A_180 = arith.constant 32 : index
        %swap3A_181 = tpu.vector_load %arg19[%swap3A_179, %swap3A_180] {strides = array<i32>} : memref<80x64xf32, #tpu.memory_space<vmem>>, vector<16xf32>,
        tpu.vector_store %arg19[%swap3A_179, %swap3A_180], %mul3A_178 {strides = array<i32>} : memref<80x64xf32, #tpu.memory_space<vmem>>, vector<16xf32>,
        %get3A_182 = arith.index_cast %add3A_154 : i32 to index
        %get3A_183 = arith.constant 48 : index
        %get3A_184 = tpu.vector_load %arg19[%get3A_182, %get3A_183] {strides = array<i32>} : memref<80x64xf32, #tpu.memory_space<vmem>>, vector<16xf32>,
        %mul3A_185 = arith.mulf %get3A_184, %broadcast_in_dim3A_174 : vector<16xf32>
        %swap3A_186 = arith.index_cast %add3A_154 : i32 to index
        %swap3A_187 = arith.constant 48 : index
        %swap3A_188 = tpu.vector_load %arg19[%swap3A_186, %swap3A_187] {strides = array<i32>} : memref<80x64xf32, #tpu.memory_space<vmem>>, vector<16xf32>,
        tpu.vector_store %arg19[%swap3A_186, %swap3A_187], %mul3A_185 {strides = array<i32>} : memref<80x64xf32, #tpu.memory_space<vmem>>, vector<16xf32>,
        %add3A_189 = arith.constant 3 : i32
        %add3A_190 = arith.addi %mul3A_76, %add3A_189 : i32
        %slice3A_191 = vector.extract_strided_slice %gather3A {offsets = [3], sizes = [1], strides = [1]} : vector<16xf32> to vector<1xf32>
        %squeeze3A_192 = vector.extract %slice3A_191[0] : f32 from vector<1xf32>
        %broadcast_in_dim3A_193 = vector.broadcast %squeeze3A_192 : f32 to vector<16xf32>
        %get3A_194 = arith.index_cast %add3A_190 : i32 to index
        %get3A_195 = arith.constant 0 : index
        %get3A_196 = tpu.vector_load %arg19[%get3A_194, %get3A_195] {strides = array<i32>} : memref<80x64xf32, #tpu.memory_space<vmem>>, vector<16xf32>,
        %mul3A_197 = arith.mulf %get3A_196, %broadcast_in_dim3A_193 : vector<16xf32>
        %swap3A_198 = arith.index_cast %add3A_190 : i32 to index
        %swap3A_199 = arith.constant 0 : index
        %swap3A_200 = tpu.vector_load %arg19[%swap3A_198, %swap3A_199] {strides = array<i32>} : memref<80x64xf32, #tpu.memory_space<vmem>>, vector<16xf32>,
        tpu.vector_store %arg19[%swap3A_198, %swap3A_199], %mul3A_197 {strides = array<i32>} : memref<80x64xf32, #tpu.memory_space<vmem>>, vector<16xf32>,
        %get3A_201 = arith.index_cast %add3A_190 : i32 to index
        %get3A_202 = arith.constant 16 : index
        %get3A_203 = tpu.vector_load %arg19[%get3A_201, %get3A_202] {strides = array<i32>} : memref<80x64xf32, #tpu.memory_space<vmem>>, vector<16xf32>,
        %mul3A_204 = arith.mulf %get3A_203, %broadcast_in_dim3A_193 : vector<16xf32>
        %swap3A_205 = arith.index_cast %add3A_190 : i32 to index
        %swap3A_206 = arith.constant 16 : index
        %swap3A_207 = tpu.vector_load %arg19[%swap3A_205, %swap3A_206] {strides = array<i32>} : memref<80x64xf32, #tpu.memory_space<vmem>>, vector<16xf32>,
        tpu.vector_store %arg19[%swap3A_205, %swap3A_206], %mul3A_204 {strides = array<i32>} : memref<80x64xf32, #tpu.memory_space<vmem>>, vector<16xf32>,
        %slice3A_208 = vector.extract_strided_slice %gather3A_84 {offsets = [3], sizes = [1], strides = [1]} : vector<16xf32> to vector<1xf32>
        %squeeze3A_209 = vector.extract %slice3A_208[0] : f32 from vector<1xf32>
        %broadcast_in_dim3A_210 = vector.broadcast %squeeze3A_209 : f32 to vector<16xf32>
        %get3A_211 = arith.index_cast %add3A_190 : i32 to index
        %get3A_212 = arith.constant 32 : index
        %get3A_213 = tpu.vector_load %arg19[%get3A_211, %get3A_212] {strides = array<i32>} : memref<80x64xf32, #tpu.memory_space<vmem>>, vector<16xf32>,
        %mul3A_214 = arith.mulf %get3A_213, %broadcast_in_dim3A_210 : vector<16xf32>
        %swap3A_215 = arith.index_cast %add3A_190 : i32 to index
        %swap3A_216 = arith.constant 32 : index
        %swap3A_217 = tpu.vector_load %arg19[%swap3A_215, %swap3A_216] {strides = array<i32>} : memref<80x64xf32, #tpu.memory_space<vmem>>, vector<16xf32>,
        tpu.vector_store %arg19[%swap3A_215, %swap3A_216], %mul3A_214 {strides = array<i32>} : memref<80x64xf32, #tpu.memory_space<vmem>>, vector<16xf32>,
        %get3A_218 = arith.index_cast %add3A_190 : i32 to index
        %get3A_219 = arith.constant 48 : index
        %get3A_220 = tpu.vector_load %arg19[%get3A_218, %get3A_219] {strides = array<i32>} : memref<80x64xf32, #tpu.memory_space<vmem>>, vector<16xf32>,
        %mul3A_221 = arith.mulf %get3A_220, %broadcast_in_dim3A_210 : vector<16xf32>
        %swap3A_222 = arith.index_cast %add3A_190 : i32 to index
        %swap3A_223 = arith.constant 48 : index
        %swap3A_224 = tpu.vector_load %arg19[%swap3A_222, %swap3A_223] {strides = array<i32>} : memref<80x64xf32, #tpu.memory_space<vmem>>, vector<16xf32>,
        tpu.vector_store %arg19[%swap3A_222, %swap3A_223], %mul3A_221 {strides = array<i32>} : memref<80x64xf32, #tpu.memory_space<vmem>>, vector<16xf32>,
        %add3A_225 = arith.constant 4 : i32
        %add3A_226 = arith.addi %mul3A_76, %add3A_225 : i32
        %slice3A_227 = vector.extract_strided_slice %gather3A {offsets = [4], sizes = [1], strides = [1]} : vector<16xf32> to vector<1xf32>
        %squeeze3A_228 = vector.extract %slice3A_227[0] : f32 from vector<1xf32>
        %broadcast_in_dim3A_229 = vector.broadcast %squeeze3A_228 : f32 to vector<16xf32>
        %get3A_230 = arith.index_cast %add3A_226 : i32 to index
        %get3A_231 = arith.constant 0 : index
        %get3A_232 = tpu.vector_load %arg19[%get3A_230, %get3A_231] {strides = array<i32>} : memref<80x64xf32, #tpu.memory_space<vmem>>, vector<16xf32>,
        %mul3A_233 = arith.mulf %get3A_232, %broadcast_in_dim3A_229 : vector<16xf32>
        %swap3A_234 = arith.index_cast %add3A_226 : i32 to index
        %swap3A_235 = arith.constant 0 : index
        %swap3A_236 = tpu.vector_load %arg19[%swap3A_234, %swap3A_235] {strides = array<i32>} : memref<80x64xf32, #tpu.memory_space<vmem>>, vector<16xf32>,
        tpu.vector_store %arg19[%swap3A_234, %swap3A_235], %mul3A_233 {strides = array<i32>} : memref<80x64xf32, #tpu.memory_space<vmem>>, vector<16xf32>,
        %get3A_237 = arith.index_cast %add3A_226 : i32 to index
        %get3A_238 = arith.constant 16 : index
        %get3A_239 = tpu.vector_load %arg19[%get3A_237, %get3A_238] {strides = array<i32>} : memref<80x64xf32, #tpu.memory_space<vmem>>, vector<16xf32>,
        %mul3A_240 = arith.mulf %get3A_239, %broadcast_in_dim3A_229 : vector<16xf32>
        %swap3A_241 = arith.index_cast %add3A_226 : i32 to index
        %swap3A_242 = arith.constant 16 : index
        %swap3A_243 = tpu.vector_load %arg19[%swap3A_241, %swap3A_242] {strides = array<i32>} : memref<80x64xf32, #tpu.memory_space<vmem>>, vector<16xf32>,
        tpu.vector_store %arg19[%swap3A_241, %swap3A_242], %mul3A_240 {strides = array<i32>} : memref<80x64xf32, #tpu.memory_space<vmem>>, vector<16xf32>,
        %slice3A_244 = vector.extract_strided_slice %gather3A_84 {offsets = [4], sizes = [1], strides = [1]} : vector<16xf32> to vector<1xf32>
        %squeeze3A_245 = vector.extract %slice3A_244[0] : f32 from vector<1xf32>
        %broadcast_in_dim3A_246 = vector.broadcast %squeeze3A_245 : f32 to vector<16xf32>
        %get3A_247 = arith.index_cast %add3A_226 : i32 to index
        %get3A_248 = arith.constant 32 : index
        %get3A_249 = tpu.vector_load %arg19[%get3A_247, %get3A_248] {strides = array<i32>} : memref<80x64xf32, #tpu.memory_space<vmem>>, vector<16xf32>,
        %mul3A_250 = arith.mulf %get3A_249, %broadcast_in_dim3A_246 : vector<16xf32>
        %swap3A_251 = arith.index_cast %add3A_226 : i32 to index
        %swap3A_252 = arith.constant 32 : index
        %swap3A_253 = tpu.vector_load %arg19[%swap3A_251, %swap3A_252] {strides = array<i32>} : memref<80x64xf32, #tpu.memory_space<vmem>>, vector<16xf32>,
        tpu.vector_store %arg19[%swap3A_251, %swap3A_252], %mul3A_250 {strides = array<i32>} : memref<80x64xf32, #tpu.memory_space<vmem>>, vector<16xf32>,
        %get3A_254 = arith.index_cast %add3A_226 : i32 to index
        %get3A_255 = arith.constant 48 : index
        %get3A_256 = tpu.vector_load %arg19[%get3A_254, %get3A_255] {strides = array<i32>} : memref<80x64xf32, #tpu.memory_space<vmem>>, vector<16xf32>,
        %mul3A_257 = arith.mulf %get3A_256, %broadcast_in_dim3A_246 : vector<16xf32>
        %swap3A_258 = arith.index_cast %add3A_226 : i32 to index
        %swap3A_259 = arith.constant 48 : index
        %swap3A_260 = tpu.vector_load %arg19[%swap3A_258, %swap3A_259] {strides = array<i32>} : memref<80x64xf32, #tpu.memory_space<vmem>>, vector<16xf32>,
        tpu.vector_store %arg19[%swap3A_258, %swap3A_259], %mul3A_257 {strides = array<i32>} : memref<80x64xf32, #tpu.memory_space<vmem>>, vector<16xf32>,
        %add3A_261 = arith.constant 5 : i32
        %add3A_262 = arith.addi %mul3A_76, %add3A_261 : i32
        %slice3A_263 = vector.extract_strided_slice %gather3A {offsets = [5], sizes = [1], strides = [1]} : vector<16xf32> to vector<1xf32>
        %squeeze3A_264 = vector.extract %slice3A_263[0] : f32 from vector<1xf32>
        %broadcast_in_dim3A_265 = vector.broadcast %squeeze3A_264 : f32 to vector<16xf32>
        %get3A_266 = arith.index_cast %add3A_262 : i32 to index
        %get3A_267 = arith.constant 0 : index
        %get3A_268 = tpu.vector_load %arg19[%get3A_266, %get3A_267] {strides = array<i32>} : memref<80x64xf32, #tpu.memory_space<vmem>>, vector<16xf32>,
        %mul3A_269 = arith.mulf %get3A_268, %broadcast_in_dim3A_265 : vector<16xf32>
        %swap3A_270 = arith.index_cast %add3A_262 : i32 to index
        %swap3A_271 = arith.constant 0 : index
        %swap3A_272 = tpu.vector_load %arg19[%swap3A_270, %swap3A_271] {strides = array<i32>} : memref<80x64xf32, #tpu.memory_space<vmem>>, vector<16xf32>,
        tpu.vector_store %arg19[%swap3A_270, %swap3A_271], %mul3A_269 {strides = array<i32>} : memref<80x64xf32, #tpu.memory_space<vmem>>, vector<16xf32>,
        %get3A_273 = arith.index_cast %add3A_262 : i32 to index
        %get3A_274 = arith.constant 16 : index
        %get3A_275 = tpu.vector_load %arg19[%get3A_273, %get3A_274] {strides = array<i32>} : memref<80x64xf32, #tpu.memory_space<vmem>>, vector<16xf32>,
        %mul3A_276 = arith.mulf %get3A_275, %broadcast_in_dim3A_265 : vector<16xf32>
        %swap3A_277 = arith.index_cast %add3A_262 : i32 to index
        %swap3A_278 = arith.constant 16 : index
        %swap3A_279 = tpu.vector_load %arg19[%swap3A_277, %swap3A_278] {strides = array<i32>} : memref<80x64xf32, #tpu.memory_space<vmem>>, vector<16xf32>,
        tpu.vector_store %arg19[%swap3A_277, %swap3A_278], %mul3A_276 {strides = array<i32>} : memref<80x64xf32, #tpu.memory_space<vmem>>, vector<16xf32>,
        %slice3A_280 = vector.extract_strided_slice %gather3A_84 {offsets = [5], sizes = [1], strides = [1]} : vector<16xf32> to vector<1xf32>
        %squeeze3A_281 = vector.extract %slice3A_280[0] : f32 from vector<1xf32>
        %broadcast_in_dim3A_282 = vector.broadcast %squeeze3A_281 : f32 to vector<16xf32>
        %get3A_283 = arith.index_cast %add3A_262 : i32 to index
        %get3A_284 = arith.constant 32 : index
        %get3A_285 = tpu.vector_load %arg19[%get3A_283, %get3A_284] {strides = array<i32>} : memref<80x64xf32, #tpu.memory_space<vmem>>, vector<16xf32>,
        %mul3A_286 = arith.mulf %get3A_285, %broadcast_in_dim3A_282 : vector<16xf32>
        %swap3A_287 = arith.index_cast %add3A_262 : i32 to index
        %swap3A_288 = arith.constant 32 : index
        %swap3A_289 = tpu.vector_load %arg19[%swap3A_287, %swap3A_288] {strides = array<i32>} : memref<80x64xf32, #tpu.memory_space<vmem>>, vector<16xf32>,
        tpu.vector_store %arg19[%swap3A_287, %swap3A_288], %mul3A_286 {strides = array<i32>} : memref<80x64xf32, #tpu.memory_space<vmem>>, vector<16xf32>,
        %get3A_290 = arith.index_cast %add3A_262 : i32 to index
        %get3A_291 = arith.constant 48 : index
        %get3A_292 = tpu.vector_load %arg19[%get3A_290, %get3A_291] {strides = array<i32>} : memref<80x64xf32, #tpu.memory_space<vmem>>, vector<16xf32>,
        %mul3A_293 = arith.mulf %get3A_292, %broadcast_in_dim3A_282 : vector<16xf32>
        %swap3A_294 = arith.index_cast %add3A_262 : i32 to index
        %swap3A_295 = arith.constant 48 : index
        %swap3A_296 = tpu.vector_load %arg19[%swap3A_294, %swap3A_295] {strides = array<i32>} : memref<80x64xf32, #tpu.memory_space<vmem>>, vector<16xf32>,
        tpu.vector_store %arg19[%swap3A_294, %swap3A_295], %mul3A_293 {strides = array<i32>} : memref<80x64xf32, #tpu.memory_space<vmem>>, vector<16xf32>,
        %add3A_297 = arith.constant 6 : i32
        %add3A_298 = arith.addi %mul3A_76, %add3A_297 : i32
        %slice3A_299 = vector.extract_strided_slice %gather3A {offsets = [6], sizes = [1], strides = [1]} : vector<16xf32> to vector<1xf32>
        %squeeze3A_300 = vector.extract %slice3A_299[0] : f32 from vector<1xf32>
        %broadcast_in_dim3A_301 = vector.broadcast %squeeze3A_300 : f32 to vector<16xf32>
        %get3A_302 = arith.index_cast %add3A_298 : i32 to index
        %get3A_303 = arith.constant 0 : index
        %get3A_304 = tpu.vector_load %arg19[%get3A_302, %get3A_303] {strides = array<i32>} : memref<80x64xf32, #tpu.memory_space<vmem>>, vector<16xf32>,
        %mul3A_305 = arith.mulf %get3A_304, %broadcast_in_dim3A_301 : vector<16xf32>
        %swap3A_306 = arith.index_cast %add3A_298 : i32 to index
        %swap3A_307 = arith.constant 0 : index
        %swap3A_308 = tpu.vector_load %arg19[%swap3A_306, %swap3A_307] {strides = array<i32>} : memref<80x64xf32, #tpu.memory_space<vmem>>, vector<16xf32>,
        tpu.vector_store %arg19[%swap3A_306, %swap3A_307], %mul3A_305 {strides = array<i32>} : memref<80x64xf32, #tpu.memory_space<vmem>>, vector<16xf32>,
        %get3A_309 = arith.index_cast %add3A_298 : i32 to index
        %get3A_310 = arith.constant 16 : index
        %get3A_311 = tpu.vector_load %arg19[%get3A_309, %get3A_310] {strides = array<i32>} : memref<80x64xf32, #tpu.memory_space<vmem>>, vector<16xf32>,
        %mul3A_312 = arith.mulf %get3A_311, %broadcast_in_dim3A_301 : vector<16xf32>
        %swap3A_313 = arith.index_cast %add3A_298 : i32 to index
        %swap3A_314 = arith.constant 16 : index
        %swap3A_315 = tpu.vector_load %arg19[%swap3A_313, %swap3A_314] {strides = array<i32>} : memref<80x64xf32, #tpu.memory_space<vmem>>, vector<16xf32>,
        tpu.vector_store %arg19[%swap3A_313, %swap3A_314], %mul3A_312 {strides = array<i32>} : memref<80x64xf32, #tpu.memory_space<vmem>>, vector<16xf32>,
        %slice3A_316 = vector.extract_strided_slice %gather3A_84 {offsets = [6], sizes = [1], strides = [1]} : vector<16xf32> to vector<1xf32>
        %squeeze3A_317 = vector.extract %slice3A_316[0] : f32 from vector<1xf32>
        %broadcast_in_dim3A_318 = vector.broadcast %squeeze3A_317 : f32 to vector<16xf32>
        %get3A_319 = arith.index_cast %add3A_298 : i32 to index
        %get3A_320 = arith.constant 32 : index
        %get3A_321 = tpu.vector_load %arg19[%get3A_319, %get3A_320] {strides = array<i32>} : memref<80x64xf32, #tpu.memory_space<vmem>>, vector<16xf32>,
        %mul3A_322 = arith.mulf %get3A_321, %broadcast_in_dim3A_318 : vector<16xf32>
        %swap3A_323 = arith.index_cast %add3A_298 : i32 to index
        %swap3A_324 = arith.constant 32 : index
        %swap3A_325 = tpu.vector_load %arg19[%swap3A_323, %swap3A_324] {strides = array<i32>} : memref<80x64xf32, #tpu.memory_space<vmem>>, vector<16xf32>,
        tpu.vector_store %arg19[%swap3A_323, %swap3A_324], %mul3A_322 {strides = array<i32>} : memref<80x64xf32, #tpu.memory_space<vmem>>, vector<16xf32>,
        %get3A_326 = arith.index_cast %add3A_298 : i32 to index
        %get3A_327 = arith.constant 48 : index
        %get3A_328 = tpu.vector_load %arg19[%get3A_326, %get3A_327] {strides = array<i32>} : memref<80x64xf32, #tpu.memory_space<vmem>>, vector<16xf32>,
        %mul3A_329 = arith.mulf %get3A_328, %broadcast_in_dim3A_318 : vector<16xf32>
        %swap3A_330 = arith.index_cast %add3A_298 : i32 to index
        %swap3A_331 = arith.constant 48 : index
        %swap3A_332 = tpu.vector_load %arg19[%swap3A_330, %swap3A_331] {strides = array<i32>} : memref<80x64xf32, #tpu.memory_space<vmem>>, vector<16xf32>,
        tpu.vector_store %arg19[%swap3A_330, %swap3A_331], %mul3A_329 {strides = array<i32>} : memref<80x64xf32, #tpu.memory_space<vmem>>, vector<16xf32>,
        %add3A_333 = arith.constant 7 : i32
        %add3A_334 = arith.addi %mul3A_76, %add3A_333 : i32
        %slice3A_335 = vector.extract_strided_slice %gather3A {offsets = [7], sizes = [1], strides = [1]} : vector<16xf32> to vector<1xf32>
        %squeeze3A_336 = vector.extract %slice3A_335[0] : f32 from vector<1xf32>
        %broadcast_in_dim3A_337 = vector.broadcast %squeeze3A_336 : f32 to vector<16xf32>
        %get3A_338 = arith.index_cast %add3A_334 : i32 to index
        %get3A_339 = arith.constant 0 : index
        %get3A_340 = tpu.vector_load %arg19[%get3A_338, %get3A_339] {strides = array<i32>} : memref<80x64xf32, #tpu.memory_space<vmem>>, vector<16xf32>,
        %mul3A_341 = arith.mulf %get3A_340, %broadcast_in_dim3A_337 : vector<16xf32>
        %swap3A_342 = arith.index_cast %add3A_334 : i32 to index
        %swap3A_343 = arith.constant 0 : index
        %swap3A_344 = tpu.vector_load %arg19[%swap3A_342, %swap3A_343] {strides = array<i32>} : memref<80x64xf32, #tpu.memory_space<vmem>>, vector<16xf32>,
        tpu.vector_store %arg19[%swap3A_342, %swap3A_343], %mul3A_341 {strides = array<i32>} : memref<80x64xf32, #tpu.memory_space<vmem>>, vector<16xf32>,
        %get3A_345 = arith.index_cast %add3A_334 : i32 to index
        %get3A_346 = arith.constant 16 : index
        %get3A_347 = tpu.vector_load %arg19[%get3A_345, %get3A_346] {strides = array<i32>} : memref<80x64xf32, #tpu.memory_space<vmem>>, vector<16xf32>,
        %mul3A_348 = arith.mulf %get3A_347, %broadcast_in_dim3A_337 : vector<16xf32>
        %swap3A_349 = arith.index_cast %add3A_334 : i32 to index
        %swap3A_350 = arith.constant 16 : index
        %swap3A_351 = tpu.vector_load %arg19[%swap3A_349, %swap3A_350] {strides = array<i32>} : memref<80x64xf32, #tpu.memory_space<vmem>>, vector<16xf32>,
        tpu.vector_store %arg19[%swap3A_349, %swap3A_350], %mul3A_348 {strides = array<i32>} : memref<80x64xf32, #tpu.memory_space<vmem>>, vector<16xf32>,
        %slice3A_352 = vector.extract_strided_slice %gather3A_84 {offsets = [7], sizes = [1], strides = [1]} : vector<16xf32> to vector<1xf32>
        %squeeze3A_353 = vector.extract %slice3A_352[0] : f32 from vector<1xf32>
        %broadcast_in_dim3A_354 = vector.broadcast %squeeze3A_353 : f32 to vector<16xf32>
        %get3A_355 = arith.index_cast %add3A_334 : i32 to index
        %get3A_356 = arith.constant 32 : index
        %get3A_357 = tpu.vector_load %arg19[%get3A_355, %get3A_356] {strides = array<i32>} : memref<80x64xf32, #tpu.memory_space<vmem>>, vector<16xf32>,
        %mul3A_358 = arith.mulf %get3A_357, %broadcast_in_dim3A_354 : vector<16xf32>
        %swap3A_359 = arith.index_cast %add3A_334 : i32 to index
        %swap3A_360 = arith.constant 32 : index
        %swap3A_361 = tpu.vector_load %arg19[%swap3A_359, %swap3A_360] {strides = array<i32>} : memref<80x64xf32, #tpu.memory_space<vmem>>, vector<16xf32>,
        tpu.vector_store %arg19[%swap3A_359, %swap3A_360], %mul3A_358 {strides = array<i32>} : memref<80x64xf32, #tpu.memory_space<vmem>>, vector<16xf32>,
        %get3A_362 = arith.index_cast %add3A_334 : i32 to index
        %get3A_363 = arith.constant 48 : index
        %get3A_364 = tpu.vector_load %arg19[%get3A_362, %get3A_363] {strides = array<i32>} : memref<80x64xf32, #tpu.memory_space<vmem>>, vector<16xf32>,
        %mul3A_365 = arith.mulf %get3A_364, %broadcast_in_dim3A_354 : vector<16xf32>
        %swap3A_366 = arith.index_cast %add3A_334 : i32 to index
        %swap3A_367 = arith.constant 48 : index
        %swap3A_368 = tpu.vector_load %arg19[%swap3A_366, %swap3A_367] {strides = array<i32>} : memref<80x64xf32, #tpu.memory_space<vmem>>, vector<16xf32>,
        tpu.vector_store %arg19[%swap3A_366, %swap3A_367], %mul3A_365 {strides = array<i32>} : memref<80x64xf32, #tpu.memory_space<vmem>>, vector<16xf32>,
        %add3A_369 = arith.constant 8 : i32
        %add3A_370 = arith.addi %mul3A_76, %add3A_369 : i32
        %slice3A_371 = vector.extract_strided_slice %gather3A {offsets = [8], sizes = [1], strides = [1]} : vector<16xf32> to vector<1xf32>
        %squeeze3A_372 = vector.extract %slice3A_371[0] : f32 from vector<1xf32>
        %broadcast_in_dim3A_373 = vector.broadcast %squeeze3A_372 : f32 to vector<16xf32>
        %get3A_374 = arith.index_cast %add3A_370 : i32 to index
        %get3A_375 = arith.constant 0 : index
        %get3A_376 = tpu.vector_load %arg19[%get3A_374, %get3A_375] {strides = array<i32>} : memref<80x64xf32, #tpu.memory_space<vmem>>, vector<16xf32>,
        %mul3A_377 = arith.mulf %get3A_376, %broadcast_in_dim3A_373 : vector<16xf32>
        %swap3A_378 = arith.index_cast %add3A_370 : i32 to index
        %swap3A_379 = arith.constant 0 : index
        %swap3A_380 = tpu.vector_load %arg19[%swap3A_378, %swap3A_379] {strides = array<i32>} : memref<80x64xf32, #tpu.memory_space<vmem>>, vector<16xf32>,
        tpu.vector_store %arg19[%swap3A_378, %swap3A_379], %mul3A_377 {strides = array<i32>} : memref<80x64xf32, #tpu.memory_space<vmem>>, vector<16xf32>,
        %get3A_381 = arith.index_cast %add3A_370 : i32 to index
        %get3A_382 = arith.constant 16 : index
        %get3A_383 = tpu.vector_load %arg19[%get3A_381, %get3A_382] {strides = array<i32>} : memref<80x64xf32, #tpu.memory_space<vmem>>, vector<16xf32>,
        %mul3A_384 = arith.mulf %get3A_383, %broadcast_in_dim3A_373 : vector<16xf32>
        %swap3A_385 = arith.index_cast %add3A_370 : i32 to index
        %swap3A_386 = arith.constant 16 : index
        %swap3A_387 = tpu.vector_load %arg19[%swap3A_385, %swap3A_386] {strides = array<i32>} : memref<80x64xf32, #tpu.memory_space<vmem>>, vector<16xf32>,
        tpu.vector_store %arg19[%swap3A_385, %swap3A_386], %mul3A_384 {strides = array<i32>} : memref<80x64xf32, #tpu.memory_space<vmem>>, vector<16xf32>,
        %slice3A_388 = vector.extract_strided_slice %gather3A_84 {offsets = [8], sizes = [1], strides = [1]} : vector<16xf32> to vector<1xf32>
        %squeeze3A_389 = vector.extract %slice3A_388[0] : f32 from vector<1xf32>
        %broadcast_in_dim3A_390 = vector.broadcast %squeeze3A_389 : f32 to vector<16xf32>
        %get3A_391 = arith.index_cast %add3A_370 : i32 to index
        %get3A_392 = arith.constant 32 : index
        %get3A_393 = tpu.vector_load %arg19[%get3A_391, %get3A_392] {strides = array<i32>} : memref<80x64xf32, #tpu.memory_space<vmem>>, vector<16xf32>,
        %mul3A_394 = arith.mulf %get3A_393, %broadcast_in_dim3A_390 : vector<16xf32>
        %swap3A_395 = arith.index_cast %add3A_370 : i32 to index
        %swap3A_396 = arith.constant 32 : index
        %swap3A_397 = tpu.vector_load %arg19[%swap3A_395, %swap3A_396] {strides = array<i32>} : memref<80x64xf32, #tpu.memory_space<vmem>>, vector<16xf32>,
        tpu.vector_store %arg19[%swap3A_395, %swap3A_396], %mul3A_394 {strides = array<i32>} : memref<80x64xf32, #tpu.memory_space<vmem>>, vector<16xf32>,
        %get3A_398 = arith.index_cast %add3A_370 : i32 to index
        %get3A_399 = arith.constant 48 : index
        %get3A_400 = tpu.vector_load %arg19[%get3A_398, %get3A_399] {strides = array<i32>} : memref<80x64xf32, #tpu.memory_space<vmem>>, vector<16xf32>,
        %mul3A_401 = arith.mulf %get3A_400, %broadcast_in_dim3A_390 : vector<16xf32>
        %swap3A_402 = arith.index_cast %add3A_370 : i32 to index
        %swap3A_403 = arith.constant 48 : index
        %swap3A_404 = tpu.vector_load %arg19[%swap3A_402, %swap3A_403] {strides = array<i32>} : memref<80x64xf32, #tpu.memory_space<vmem>>, vector<16xf32>,
        tpu.vector_store %arg19[%swap3A_402, %swap3A_403], %mul3A_401 {strides = array<i32>} : memref<80x64xf32, #tpu.memory_space<vmem>>, vector<16xf32>,
        %add3A_405 = arith.constant 9 : i32
        %add3A_406 = arith.addi %mul3A_76, %add3A_405 : i32
        %slice3A_407 = vector.extract_strided_slice %gather3A {offsets = [9], sizes = [1], strides = [1]} : vector<16xf32> to vector<1xf32>
        %squeeze3A_408 = vector.extract %slice3A_407[0] : f32 from vector<1xf32>
        %broadcast_in_dim3A_409 = vector.broadcast %squeeze3A_408 : f32 to vector<16xf32>
        %get3A_410 = arith.index_cast %add3A_406 : i32 to index
        %get3A_411 = arith.constant 0 : index
        %get3A_412 = tpu.vector_load %arg19[%get3A_410, %get3A_411] {strides = array<i32>} : memref<80x64xf32, #tpu.memory_space<vmem>>, vector<16xf32>,
        %mul3A_413 = arith.mulf %get3A_412, %broadcast_in_dim3A_409 : vector<16xf32>
        %swap3A_414 = arith.index_cast %add3A_406 : i32 to index
        %swap3A_415 = arith.constant 0 : index
        %swap3A_416 = tpu.vector_load %arg19[%swap3A_414, %swap3A_415] {strides = array<i32>} : memref<80x64xf32, #tpu.memory_space<vmem>>, vector<16xf32>,
        tpu.vector_store %arg19[%swap3A_414, %swap3A_415], %mul3A_413 {strides = array<i32>} : memref<80x64xf32, #tpu.memory_space<vmem>>, vector<16xf32>,
        %get3A_417 = arith.index_cast %add3A_406 : i32 to index
        %get3A_418 = arith.constant 16 : index
        %get3A_419 = tpu.vector_load %arg19[%get3A_417, %get3A_418] {strides = array<i32>} : memref<80x64xf32, #tpu.memory_space<vmem>>, vector<16xf32>,
        %mul3A_420 = arith.mulf %get3A_419, %broadcast_in_dim3A_409 : vector<16xf32>
        %swap3A_421 = arith.index_cast %add3A_406 : i32 to index
        %swap3A_422 = arith.constant 16 : index
        %swap3A_423 = tpu.vector_load %arg19[%swap3A_421, %swap3A_422] {strides = array<i32>} : memref<80x64xf32, #tpu.memory_space<vmem>>, vector<16xf32>,
        tpu.vector_store %arg19[%swap3A_421, %swap3A_422], %mul3A_420 {strides = array<i32>} : memref<80x64xf32, #tpu.memory_space<vmem>>, vector<16xf32>,
        %slice3A_424 = vector.extract_strided_slice %gather3A_84 {offsets = [9], sizes = [1], strides = [1]} : vector<16xf32> to vector<1xf32>
        %squeeze3A_425 = vector.extract %slice3A_424[0] : f32 from vector<1xf32>
        %broadcast_in_dim3A_426 = vector.broadcast %squeeze3A_425 : f32 to vector<16xf32>
        %get3A_427 = arith.index_cast %add3A_406 : i32 to index
        %get3A_428 = arith.constant 32 : index
        %get3A_429 = tpu.vector_load %arg19[%get3A_427, %get3A_428] {strides = array<i32>} : memref<80x64xf32, #tpu.memory_space<vmem>>, vector<16xf32>,
        %mul3A_430 = arith.mulf %get3A_429, %broadcast_in_dim3A_426 : vector<16xf32>
        %swap3A_431 = arith.index_cast %add3A_406 : i32 to index
        %swap3A_432 = arith.constant 32 : index
        %swap3A_433 = tpu.vector_load %arg19[%swap3A_431, %swap3A_432] {strides = array<i32>} : memref<80x64xf32, #tpu.memory_space<vmem>>, vector<16xf32>,
        tpu.vector_store %arg19[%swap3A_431, %swap3A_432], %mul3A_430 {strides = array<i32>} : memref<80x64xf32, #tpu.memory_space<vmem>>, vector<16xf32>,
        %get3A_434 = arith.index_cast %add3A_406 : i32 to index
        %get3A_435 = arith.constant 48 : index
        %get3A_436 = tpu.vector_load %arg19[%get3A_434, %get3A_435] {strides = array<i32>} : memref<80x64xf32, #tpu.memory_space<vmem>>, vector<16xf32>,
        %mul3A_437 = arith.mulf %get3A_436, %broadcast_in_dim3A_426 : vector<16xf32>
        %swap3A_438 = arith.index_cast %add3A_406 : i32 to index
        %swap3A_439 = arith.constant 48 : index
        %swap3A_440 = tpu.vector_load %arg19[%swap3A_438, %swap3A_439] {strides = array<i32>} : memref<80x64xf32, #tpu.memory_space<vmem>>, vector<16xf32>,
        tpu.vector_store %arg19[%swap3A_438, %swap3A_439], %mul3A_437 {strides = array<i32>} : memref<80x64xf32, #tpu.memory_space<vmem>>, vector<16xf32>,
        %add3A_441 = arith.constant 10 : i32
        %add3A_442 = arith.addi %mul3A_76, %add3A_441 : i32
        %slice3A_443 = vector.extract_strided_slice %gather3A {offsets = [10], sizes = [1], strides = [1]} : vector<16xf32> to vector<1xf32>
        %squeeze3A_444 = vector.extract %slice3A_443[0] : f32 from vector<1xf32>
        %broadcast_in_dim3A_445 = vector.broadcast %squeeze3A_444 : f32 to vector<16xf32>
        %get3A_446 = arith.index_cast %add3A_442 : i32 to index
        %get3A_447 = arith.constant 0 : index
        %get3A_448 = tpu.vector_load %arg19[%get3A_446, %get3A_447] {strides = array<i32>} : memref<80x64xf32, #tpu.memory_space<vmem>>, vector<16xf32>,
        %mul3A_449 = arith.mulf %get3A_448, %broadcast_in_dim3A_445 : vector<16xf32>
        %swap3A_450 = arith.index_cast %add3A_442 : i32 to index
        %swap3A_451 = arith.constant 0 : index
        %swap3A_452 = tpu.vector_load %arg19[%swap3A_450, %swap3A_451] {strides = array<i32>} : memref<80x64xf32, #tpu.memory_space<vmem>>, vector<16xf32>,
        tpu.vector_store %arg19[%swap3A_450, %swap3A_451], %mul3A_449 {strides = array<i32>} : memref<80x64xf32, #tpu.memory_space<vmem>>, vector<16xf32>,
        %get3A_453 = arith.index_cast %add3A_442 : i32 to index
        %get3A_454 = arith.constant 16 : index
        %get3A_455 = tpu.vector_load %arg19[%get3A_453, %get3A_454] {strides = array<i32>} : memref<80x64xf32, #tpu.memory_space<vmem>>, vector<16xf32>,
        %mul3A_456 = arith.mulf %get3A_455, %broadcast_in_dim3A_445 : vector<16xf32>
        %swap3A_457 = arith.index_cast %add3A_442 : i32 to index
        %swap3A_458 = arith.constant 16 : index
        %swap3A_459 = tpu.vector_load %arg19[%swap3A_457, %swap3A_458] {strides = array<i32>} : memref<80x64xf32, #tpu.memory_space<vmem>>, vector<16xf32>,
        tpu.vector_store %arg19[%swap3A_457, %swap3A_458], %mul3A_456 {strides = array<i32>} : memref<80x64xf32, #tpu.memory_space<vmem>>, vector<16xf32>,
        %slice3A_460 = vector.extract_strided_slice %gather3A_84 {offsets = [10], sizes = [1], strides = [1]} : vector<16xf32> to vector<1xf32>
        %squeeze3A_461 = vector.extract %slice3A_460[0] : f32 from vector<1xf32>
        %broadcast_in_dim3A_462 = vector.broadcast %squeeze3A_461 : f32 to vector<16xf32>
        %get3A_463 = arith.index_cast %add3A_442 : i32 to index
        %get3A_464 = arith.constant 32 : index
        %get3A_465 = tpu.vector_load %arg19[%get3A_463, %get3A_464] {strides = array<i32>} : memref<80x64xf32, #tpu.memory_space<vmem>>, vector<16xf32>,
        %mul3A_466 = arith.mulf %get3A_465, %broadcast_in_dim3A_462 : vector<16xf32>
        %swap3A_467 = arith.index_cast %add3A_442 : i32 to index
        %swap3A_468 = arith.constant 32 : index
        %swap3A_469 = tpu.vector_load %arg19[%swap3A_467, %swap3A_468] {strides = array<i32>} : memref<80x64xf32, #tpu.memory_space<vmem>>, vector<16xf32>,
        tpu.vector_store %arg19[%swap3A_467, %swap3A_468], %mul3A_466 {strides = array<i32>} : memref<80x64xf32, #tpu.memory_space<vmem>>, vector<16xf32>,
        %get3A_470 = arith.index_cast %add3A_442 : i32 to index
        %get3A_471 = arith.constant 48 : index
        %get3A_472 = tpu.vector_load %arg19[%get3A_470, %get3A_471] {strides = array<i32>} : memref<80x64xf32, #tpu.memory_space<vmem>>, vector<16xf32>,
        %mul3A_473 = arith.mulf %get3A_472, %broadcast_in_dim3A_462 : vector<16xf32>
        %swap3A_474 = arith.index_cast %add3A_442 : i32 to index
        %swap3A_475 = arith.constant 48 : index
        %swap3A_476 = tpu.vector_load %arg19[%swap3A_474, %swap3A_475] {strides = array<i32>} : memref<80x64xf32, #tpu.memory_space<vmem>>, vector<16xf32>,
        tpu.vector_store %arg19[%swap3A_474, %swap3A_475], %mul3A_473 {strides = array<i32>} : memref<80x64xf32, #tpu.memory_space<vmem>>, vector<16xf32>,
        %add3A_477 = arith.constant 11 : i32
        %add3A_478 = arith.addi %mul3A_76, %add3A_477 : i32
        %slice3A_479 = vector.extract_strided_slice %gather3A {offsets = [11], sizes = [1], strides = [1]} : vector<16xf32> to vector<1xf32>
        %squeeze3A_480 = vector.extract %slice3A_479[0] : f32 from vector<1xf32>
        %broadcast_in_dim3A_481 = vector.broadcast %squeeze3A_480 : f32 to vector<16xf32>
        %get3A_482 = arith.index_cast %add3A_478 : i32 to index
        %get3A_483 = arith.constant 0 : index
        %get3A_484 = tpu.vector_load %arg19[%get3A_482, %get3A_483] {strides = array<i32>} : memref<80x64xf32, #tpu.memory_space<vmem>>, vector<16xf32>,
        %mul3A_485 = arith.mulf %get3A_484, %broadcast_in_dim3A_481 : vector<16xf32>
        %swap3A_486 = arith.index_cast %add3A_478 : i32 to index
        %swap3A_487 = arith.constant 0 : index
        %swap3A_488 = tpu.vector_load %arg19[%swap3A_486, %swap3A_487] {strides = array<i32>} : memref<80x64xf32, #tpu.memory_space<vmem>>, vector<16xf32>,
        tpu.vector_store %arg19[%swap3A_486, %swap3A_487], %mul3A_485 {strides = array<i32>} : memref<80x64xf32, #tpu.memory_space<vmem>>, vector<16xf32>,
        %get3A_489 = arith.index_cast %add3A_478 : i32 to index
        %get3A_490 = arith.constant 16 : index
        %get3A_491 = tpu.vector_load %arg19[%get3A_489, %get3A_490] {strides = array<i32>} : memref<80x64xf32, #tpu.memory_space<vmem>>, vector<16xf32>,
        %mul3A_492 = arith.mulf %get3A_491, %broadcast_in_dim3A_481 : vector<16xf32>
        %swap3A_493 = arith.index_cast %add3A_478 : i32 to index
        %swap3A_494 = arith.constant 16 : index
        %swap3A_495 = tpu.vector_load %arg19[%swap3A_493, %swap3A_494] {strides = array<i32>} : memref<80x64xf32, #tpu.memory_space<vmem>>, vector<16xf32>,
        tpu.vector_store %arg19[%swap3A_493, %swap3A_494], %mul3A_492 {strides = array<i32>} : memref<80x64xf32, #tpu.memory_space<vmem>>, vector<16xf32>,
        %slice3A_496 = vector.extract_strided_slice %gather3A_84 {offsets = [11], sizes = [1], strides = [1]} : vector<16xf32> to vector<1xf32>
        %squeeze3A_497 = vector.extract %slice3A_496[0] : f32 from vector<1xf32>
        %broadcast_in_dim3A_498 = vector.broadcast %squeeze3A_497 : f32 to vector<16xf32>
        %get3A_499 = arith.index_cast %add3A_478 : i32 to index
        %get3A_500 = arith.constant 32 : index
        %get3A_501 = tpu.vector_load %arg19[%get3A_499, %get3A_500] {strides = array<i32>} : memref<80x64xf32, #tpu.memory_space<vmem>>, vector<16xf32>,
        %mul3A_502 = arith.mulf %get3A_501, %broadcast_in_dim3A_498 : vector<16xf32>
        %swap3A_503 = arith.index_cast %add3A_478 : i32 to index
        %swap3A_504 = arith.constant 32 : index
        %swap3A_505 = tpu.vector_load %arg19[%swap3A_503, %swap3A_504] {strides = array<i32>} : memref<80x64xf32, #tpu.memory_space<vmem>>, vector<16xf32>,
        tpu.vector_store %arg19[%swap3A_503, %swap3A_504], %mul3A_502 {strides = array<i32>} : memref<80x64xf32, #tpu.memory_space<vmem>>, vector<16xf32>,
        %get3A_506 = arith.index_cast %add3A_478 : i32 to index
        %get3A_507 = arith.constant 48 : index
        %get3A_508 = tpu.vector_load %arg19[%get3A_506, %get3A_507] {strides = array<i32>} : memref<80x64xf32, #tpu.memory_space<vmem>>, vector<16xf32>,
        %mul3A_509 = arith.mulf %get3A_508, %broadcast_in_dim3A_498 : vector<16xf32>
        %swap3A_510 = arith.index_cast %add3A_478 : i32 to index
        %swap3A_511 = arith.constant 48 : index
        %swap3A_512 = tpu.vector_load %arg19[%swap3A_510, %swap3A_511] {strides = array<i32>} : memref<80x64xf32, #tpu.memory_space<vmem>>, vector<16xf32>,
        tpu.vector_store %arg19[%swap3A_510, %swap3A_511], %mul3A_509 {strides = array<i32>} : memref<80x64xf32, #tpu.memory_space<vmem>>, vector<16xf32>,
        %add3A_513 = arith.constant 12 : i32
        %add3A_514 = arith.addi %mul3A_76, %add3A_513 : i32
        %slice3A_515 = vector.extract_strided_slice %gather3A {offsets = [12], sizes = [1], strides = [1]} : vector<16xf32> to vector<1xf32>
        %squeeze3A_516 = vector.extract %slice3A_515[0] : f32 from vector<1xf32>
        %broadcast_in_dim3A_517 = vector.broadcast %squeeze3A_516 : f32 to vector<16xf32>
        %get3A_518 = arith.index_cast %add3A_514 : i32 to index
        %get3A_519 = arith.constant 0 : index
        %get3A_520 = tpu.vector_load %arg19[%get3A_518, %get3A_519] {strides = array<i32>} : memref<80x64xf32, #tpu.memory_space<vmem>>, vector<16xf32>,
        %mul3A_521 = arith.mulf %get3A_520, %broadcast_in_dim3A_517 : vector<16xf32>
        %swap3A_522 = arith.index_cast %add3A_514 : i32 to index
        %swap3A_523 = arith.constant 0 : index
        %swap3A_524 = tpu.vector_load %arg19[%swap3A_522, %swap3A_523] {strides = array<i32>} : memref<80x64xf32, #tpu.memory_space<vmem>>, vector<16xf32>,
        tpu.vector_store %arg19[%swap3A_522, %swap3A_523], %mul3A_521 {strides = array<i32>} : memref<80x64xf32, #tpu.memory_space<vmem>>, vector<16xf32>,
        %get3A_525 = arith.index_cast %add3A_514 : i32 to index
        %get3A_526 = arith.constant 16 : index
        %get3A_527 = tpu.vector_load %arg19[%get3A_525, %get3A_526] {strides = array<i32>} : memref<80x64xf32, #tpu.memory_space<vmem>>, vector<16xf32>,
        %mul3A_528 = arith.mulf %get3A_527, %broadcast_in_dim3A_517 : vector<16xf32>
        %swap3A_529 = arith.index_cast %add3A_514 : i32 to index
        %swap3A_530 = arith.constant 16 : index
        %swap3A_531 = tpu.vector_load %arg19[%swap3A_529, %swap3A_530] {strides = array<i32>} : memref<80x64xf32, #tpu.memory_space<vmem>>, vector<16xf32>,
        tpu.vector_store %arg19[%swap3A_529, %swap3A_530], %mul3A_528 {strides = array<i32>} : memref<80x64xf32, #tpu.memory_space<vmem>>, vector<16xf32>,
        %slice3A_532 = vector.extract_strided_slice %gather3A_84 {offsets = [12], sizes = [1], strides = [1]} : vector<16xf32> to vector<1xf32>
        %squeeze3A_533 = vector.extract %slice3A_532[0] : f32 from vector<1xf32>
        %broadcast_in_dim3A_534 = vector.broadcast %squeeze3A_533 : f32 to vector<16xf32>
        %get3A_535 = arith.index_cast %add3A_514 : i32 to index
        %get3A_536 = arith.constant 32 : index
        %get3A_537 = tpu.vector_load %arg19[%get3A_535, %get3A_536] {strides = array<i32>} : memref<80x64xf32, #tpu.memory_space<vmem>>, vector<16xf32>,
        %mul3A_538 = arith.mulf %get3A_537, %broadcast_in_dim3A_534 : vector<16xf32>
        %swap3A_539 = arith.index_cast %add3A_514 : i32 to index
        %swap3A_540 = arith.constant 32 : index
        %swap3A_541 = tpu.vector_load %arg19[%swap3A_539, %swap3A_540] {strides = array<i32>} : memref<80x64xf32, #tpu.memory_space<vmem>>, vector<16xf32>,
        tpu.vector_store %arg19[%swap3A_539, %swap3A_540], %mul3A_538 {strides = array<i32>} : memref<80x64xf32, #tpu.memory_space<vmem>>, vector<16xf32>,
        %get3A_542 = arith.index_cast %add3A_514 : i32 to index
        %get3A_543 = arith.constant 48 : index
        %get3A_544 = tpu.vector_load %arg19[%get3A_542, %get3A_543] {strides = array<i32>} : memref<80x64xf32, #tpu.memory_space<vmem>>, vector<16xf32>,
        %mul3A_545 = arith.mulf %get3A_544, %broadcast_in_dim3A_534 : vector<16xf32>
        %swap3A_546 = arith.index_cast %add3A_514 : i32 to index
        %swap3A_547 = arith.constant 48 : index
        %swap3A_548 = tpu.vector_load %arg19[%swap3A_546, %swap3A_547] {strides = array<i32>} : memref<80x64xf32, #tpu.memory_space<vmem>>, vector<16xf32>,
        tpu.vector_store %arg19[%swap3A_546, %swap3A_547], %mul3A_545 {strides = array<i32>} : memref<80x64xf32, #tpu.memory_space<vmem>>, vector<16xf32>,
        %add3A_549 = arith.constant 13 : i32
        %add3A_550 = arith.addi %mul3A_76, %add3A_549 : i32
        %slice3A_551 = vector.extract_strided_slice %gather3A {offsets = [13], sizes = [1], strides = [1]} : vector<16xf32> to vector<1xf32>
        %squeeze3A_552 = vector.extract %slice3A_551[0] : f32 from vector<1xf32>
        %broadcast_in_dim3A_553 = vector.broadcast %squeeze3A_552 : f32 to vector<16xf32>
        %get3A_554 = arith.index_cast %add3A_550 : i32 to index
        %get3A_555 = arith.constant 0 : index
        %get3A_556 = tpu.vector_load %arg19[%get3A_554, %get3A_555] {strides = array<i32>} : memref<80x64xf32, #tpu.memory_space<vmem>>, vector<16xf32>,
        %mul3A_557 = arith.mulf %get3A_556, %broadcast_in_dim3A_553 : vector<16xf32>
        %swap3A_558 = arith.index_cast %add3A_550 : i32 to index
        %swap3A_559 = arith.constant 0 : index
        %swap3A_560 = tpu.vector_load %arg19[%swap3A_558, %swap3A_559] {strides = array<i32>} : memref<80x64xf32, #tpu.memory_space<vmem>>, vector<16xf32>,
        tpu.vector_store %arg19[%swap3A_558, %swap3A_559], %mul3A_557 {strides = array<i32>} : memref<80x64xf32, #tpu.memory_space<vmem>>, vector<16xf32>,
        %get3A_561 = arith.index_cast %add3A_550 : i32 to index
        %get3A_562 = arith.constant 16 : index
        %get3A_563 = tpu.vector_load %arg19[%get3A_561, %get3A_562] {strides = array<i32>} : memref<80x64xf32, #tpu.memory_space<vmem>>, vector<16xf32>,
        %mul3A_564 = arith.mulf %get3A_563, %broadcast_in_dim3A_553 : vector<16xf32>
        %swap3A_565 = arith.index_cast %add3A_550 : i32 to index
        %swap3A_566 = arith.constant 16 : index
        %swap3A_567 = tpu.vector_load %arg19[%swap3A_565, %swap3A_566] {strides = array<i32>} : memref<80x64xf32, #tpu.memory_space<vmem>>, vector<16xf32>,
        tpu.vector_store %arg19[%swap3A_565, %swap3A_566], %mul3A_564 {strides = array<i32>} : memref<80x64xf32, #tpu.memory_space<vmem>>, vector<16xf32>,
        %slice3A_568 = vector.extract_strided_slice %gather3A_84 {offsets = [13], sizes = [1], strides = [1]} : vector<16xf32> to vector<1xf32>
        %squeeze3A_569 = vector.extract %slice3A_568[0] : f32 from vector<1xf32>
        %broadcast_in_dim3A_570 = vector.broadcast %squeeze3A_569 : f32 to vector<16xf32>
        %get3A_571 = arith.index_cast %add3A_550 : i32 to index
        %get3A_572 = arith.constant 32 : index
        %get3A_573 = tpu.vector_load %arg19[%get3A_571, %get3A_572] {strides = array<i32>} : memref<80x64xf32, #tpu.memory_space<vmem>>, vector<16xf32>,
        %mul3A_574 = arith.mulf %get3A_573, %broadcast_in_dim3A_570 : vector<16xf32>
        %swap3A_575 = arith.index_cast %add3A_550 : i32 to index
        %swap3A_576 = arith.constant 32 : index
        %swap3A_577 = tpu.vector_load %arg19[%swap3A_575, %swap3A_576] {strides = array<i32>} : memref<80x64xf32, #tpu.memory_space<vmem>>, vector<16xf32>,
        tpu.vector_store %arg19[%swap3A_575, %swap3A_576], %mul3A_574 {strides = array<i32>} : memref<80x64xf32, #tpu.memory_space<vmem>>, vector<16xf32>,
        %get3A_578 = arith.index_cast %add3A_550 : i32 to index
        %get3A_579 = arith.constant 48 : index
        %get3A_580 = tpu.vector_load %arg19[%get3A_578, %get3A_579] {strides = array<i32>} : memref<80x64xf32, #tpu.memory_space<vmem>>, vector<16xf32>,
        %mul3A_581 = arith.mulf %get3A_580, %broadcast_in_dim3A_570 : vector<16xf32>
        %swap3A_582 = arith.index_cast %add3A_550 : i32 to index
        %swap3A_583 = arith.constant 48 : index
        %swap3A_584 = tpu.vector_load %arg19[%swap3A_582, %swap3A_583] {strides = array<i32>} : memref<80x64xf32, #tpu.memory_space<vmem>>, vector<16xf32>,
        tpu.vector_store %arg19[%swap3A_582, %swap3A_583], %mul3A_581 {strides = array<i32>} : memref<80x64xf32, #tpu.memory_space<vmem>>, vector<16xf32>,
        %add3A_585 = arith.constant 14 : i32
        %add3A_586 = arith.addi %mul3A_76, %add3A_585 : i32
        %slice3A_587 = vector.extract_strided_slice %gather3A {offsets = [14], sizes = [1], strides = [1]} : vector<16xf32> to vector<1xf32>
        %squeeze3A_588 = vector.extract %slice3A_587[0] : f32 from vector<1xf32>
        %broadcast_in_dim3A_589 = vector.broadcast %squeeze3A_588 : f32 to vector<16xf32>
        %get3A_590 = arith.index_cast %add3A_586 : i32 to index
        %get3A_591 = arith.constant 0 : index
        %get3A_592 = tpu.vector_load %arg19[%get3A_590, %get3A_591] {strides = array<i32>} : memref<80x64xf32, #tpu.memory_space<vmem>>, vector<16xf32>,
        %mul3A_593 = arith.mulf %get3A_592, %broadcast_in_dim3A_589 : vector<16xf32>
        %swap3A_594 = arith.index_cast %add3A_586 : i32 to index
        %swap3A_595 = arith.constant 0 : index
        %swap3A_596 = tpu.vector_load %arg19[%swap3A_594, %swap3A_595] {strides = array<i32>} : memref<80x64xf32, #tpu.memory_space<vmem>>, vector<16xf32>,
        tpu.vector_store %arg19[%swap3A_594, %swap3A_595], %mul3A_593 {strides = array<i32>} : memref<80x64xf32, #tpu.memory_space<vmem>>, vector<16xf32>,
        %get3A_597 = arith.index_cast %add3A_586 : i32 to index
        %get3A_598 = arith.constant 16 : index
        %get3A_599 = tpu.vector_load %arg19[%get3A_597, %get3A_598] {strides = array<i32>} : memref<80x64xf32, #tpu.memory_space<vmem>>, vector<16xf32>,
        %mul3A_600 = arith.mulf %get3A_599, %broadcast_in_dim3A_589 : vector<16xf32>
        %swap3A_601 = arith.index_cast %add3A_586 : i32 to index
        %swap3A_602 = arith.constant 16 : index
        %swap3A_603 = tpu.vector_load %arg19[%swap3A_601, %swap3A_602] {strides = array<i32>} : memref<80x64xf32, #tpu.memory_space<vmem>>, vector<16xf32>,
        tpu.vector_store %arg19[%swap3A_601, %swap3A_602], %mul3A_600 {strides = array<i32>} : memref<80x64xf32, #tpu.memory_space<vmem>>, vector<16xf32>,
        %slice3A_604 = vector.extract_strided_slice %gather3A_84 {offsets = [14], sizes = [1], strides = [1]} : vector<16xf32> to vector<1xf32>
        %squeeze3A_605 = vector.extract %slice3A_604[0] : f32 from vector<1xf32>
        %broadcast_in_dim3A_606 = vector.broadcast %squeeze3A_605 : f32 to vector<16xf32>
        %get3A_607 = arith.index_cast %add3A_586 : i32 to index
        %get3A_608 = arith.constant 32 : index
        %get3A_609 = tpu.vector_load %arg19[%get3A_607, %get3A_608] {strides = array<i32>} : memref<80x64xf32, #tpu.memory_space<vmem>>, vector<16xf32>,
        %mul3A_610 = arith.mulf %get3A_609, %broadcast_in_dim3A_606 : vector<16xf32>
        %swap3A_611 = arith.index_cast %add3A_586 : i32 to index
        %swap3A_612 = arith.constant 32 : index
        %swap3A_613 = tpu.vector_load %arg19[%swap3A_611, %swap3A_612] {strides = array<i32>} : memref<80x64xf32, #tpu.memory_space<vmem>>, vector<16xf32>,
        tpu.vector_store %arg19[%swap3A_611, %swap3A_612], %mul3A_610 {strides = array<i32>} : memref<80x64xf32, #tpu.memory_space<vmem>>, vector<16xf32>,
        %get3A_614 = arith.index_cast %add3A_586 : i32 to index
        %get3A_615 = arith.constant 48 : index
        %get3A_616 = tpu.vector_load %arg19[%get3A_614, %get3A_615] {strides = array<i32>} : memref<80x64xf32, #tpu.memory_space<vmem>>, vector<16xf32>,
        %mul3A_617 = arith.mulf %get3A_616, %broadcast_in_dim3A_606 : vector<16xf32>
        %swap3A_618 = arith.index_cast %add3A_586 : i32 to index
        %swap3A_619 = arith.constant 48 : index
        %swap3A_620 = tpu.vector_load %arg19[%swap3A_618, %swap3A_619] {strides = array<i32>} : memref<80x64xf32, #tpu.memory_space<vmem>>, vector<16xf32>,
        tpu.vector_store %arg19[%swap3A_618, %swap3A_619], %mul3A_617 {strides = array<i32>} : memref<80x64xf32, #tpu.memory_space<vmem>>, vector<16xf32>,
        %add3A_621 = arith.constant 15 : i32
        %add3A_622 = arith.addi %mul3A_76, %add3A_621 : i32
        %slice3A_623 = vector.extract_strided_slice %gather3A {offsets = [15], sizes = [1], strides = [1]} : vector<16xf32> to vector<1xf32>
        %squeeze3A_624 = vector.extract %slice3A_623[0] : f32 from vector<1xf32>
        %broadcast_in_dim3A_625 = vector.broadcast %squeeze3A_624 : f32 to vector<16xf32>
        %get3A_626 = arith.index_cast %add3A_622 : i32 to index
        %get3A_627 = arith.constant 0 : index
        %get3A_628 = tpu.vector_load %arg19[%get3A_626, %get3A_627] {strides = array<i32>} : memref<80x64xf32, #tpu.memory_space<vmem>>, vector<16xf32>,
        %mul3A_629 = arith.mulf %get3A_628, %broadcast_in_dim3A_625 : vector<16xf32>
        %swap3A_630 = arith.index_cast %add3A_622 : i32 to index
        %swap3A_631 = arith.constant 0 : index
        %swap3A_632 = tpu.vector_load %arg19[%swap3A_630, %swap3A_631] {strides = array<i32>} : memref<80x64xf32, #tpu.memory_space<vmem>>, vector<16xf32>,
        tpu.vector_store %arg19[%swap3A_630, %swap3A_631], %mul3A_629 {strides = array<i32>} : memref<80x64xf32, #tpu.memory_space<vmem>>, vector<16xf32>,
        %get3A_633 = arith.index_cast %add3A_622 : i32 to index
        %get3A_634 = arith.constant 16 : index
        %get3A_635 = tpu.vector_load %arg19[%get3A_633, %get3A_634] {strides = array<i32>} : memref<80x64xf32, #tpu.memory_space<vmem>>, vector<16xf32>,
        %mul3A_636 = arith.mulf %get3A_635, %broadcast_in_dim3A_625 : vector<16xf32>
        %swap3A_637 = arith.index_cast %add3A_622 : i32 to index
        %swap3A_638 = arith.constant 16 : index
        %swap3A_639 = tpu.vector_load %arg19[%swap3A_637, %swap3A_638] {strides = array<i32>} : memref<80x64xf32, #tpu.memory_space<vmem>>, vector<16xf32>,
        tpu.vector_store %arg19[%swap3A_637, %swap3A_638], %mul3A_636 {strides = array<i32>} : memref<80x64xf32, #tpu.memory_space<vmem>>, vector<16xf32>,
        %slice3A_640 = vector.extract_strided_slice %gather3A_84 {offsets = [15], sizes = [1], strides = [1]} : vector<16xf32> to vector<1xf32>
        %squeeze3A_641 = vector.extract %slice3A_640[0] : f32 from vector<1xf32>
        %broadcast_in_dim3A_642 = vector.broadcast %squeeze3A_641 : f32 to vector<16xf32>
        %get3A_643 = arith.index_cast %add3A_622 : i32 to index
        %get3A_644 = arith.constant 32 : index
        %get3A_645 = tpu.vector_load %arg19[%get3A_643, %get3A_644] {strides = array<i32>} : memref<80x64xf32, #tpu.memory_space<vmem>>, vector<16xf32>,
        %mul3A_646 = arith.mulf %get3A_645, %broadcast_in_dim3A_642 : vector<16xf32>
        %swap3A_647 = arith.index_cast %add3A_622 : i32 to index
        %swap3A_648 = arith.constant 32 : index
        %swap3A_649 = tpu.vector_load %arg19[%swap3A_647, %swap3A_648] {strides = array<i32>} : memref<80x64xf32, #tpu.memory_space<vmem>>, vector<16xf32>,
        tpu.vector_store %arg19[%swap3A_647, %swap3A_648], %mul3A_646 {strides = array<i32>} : memref<80x64xf32, #tpu.memory_space<vmem>>, vector<16xf32>,
        %get3A_650 = arith.index_cast %add3A_622 : i32 to index
        %get3A_651 = arith.constant 48 : index
        %get3A_652 = tpu.vector_load %arg19[%get3A_650, %get3A_651] {strides = array<i32>} : memref<80x64xf32, #tpu.memory_space<vmem>>, vector<16xf32>,
        %mul3A_653 = arith.mulf %get3A_652, %broadcast_in_dim3A_642 : vector<16xf32>
        %swap3A_654 = arith.index_cast %add3A_622 : i32 to index
        %swap3A_655 = arith.constant 48 : index
        %swap3A_656 = tpu.vector_load %arg19[%swap3A_654, %swap3A_655] {strides = array<i32>} : memref<80x64xf32, #tpu.memory_space<vmem>>, vector<16xf32>,
        tpu.vector_store %arg19[%swap3A_654, %swap3A_655], %mul3A_653 {strides = array<i32>} : memref<80x64xf32, #tpu.memory_space<vmem>>, vector<16xf32>,
      }
      %scan3A_68 = arith.constant 5 : i32
      "tpu.region"() ({
        %run_scoped3A = tpu.sem_alloc : memref<!tpu.dma_semaphore, #tpu.memory_space<semaphore_mem>>
        %dma_start3A_74 = arith.constant 0 : i32
        %dma_start3A_75 = arith.constant 0 : i32
        %dma_start3A_76 = tpu.memref_slice %arg22[%dma_start3A_74, %dma_start3A_75] : memref<10000x64xf32, #tpu.memory_space<vmem_shared>> -> memref<10000x64xf32, #tpu.memory_space<vmem_shared>>
        tpu.enqueue_indirect_dma source(%arg19 : memref<80x64xf32, #tpu.memory_space<vmem>>) target(%dma_start3A_76 : memref<10000x64xf32, #tpu.memory_space<vmem_shared>>) offsets(%arg15 : memref<80xi32, #tpu.memory_space<vmem>>) semaphore(%run_scoped3A : memref<!tpu.dma_semaphore, #tpu.memory_space<semaphore_mem>>) {add = true}
        %dma_wait3A_77 = arith.constant 0 : i32
        %dma_wait3A_78 = arith.constant 0 : i32
        %dma_wait3A_79 = tpu.memref_slice %arg22[%dma_wait3A_77, %dma_wait3A_78] : memref<10000x64xf32, #tpu.memory_space<vmem_shared>> -> memref<10000x64xf32, #tpu.memory_space<vmem_shared>>
        tpu.wait_indirect_dma semaphore(%run_scoped3A : memref<!tpu.dma_semaphore, #tpu.memory_space<semaphore_mem>>) src(%arg19 : memref<80x64xf32, #tpu.memory_space<vmem>>) dst(%dma_wait3A_79 : memref<10000x64xf32, #tpu.memory_space<vmem_shared>>)
        tpu.yield
      }) : () -> ()
      "tpu.region"() ({
        %run_scoped3A = tpu.sem_alloc : memref<!tpu.dma_semaphore, #tpu.memory_space<semaphore_mem>>
        %dma_start3A_74 = arith.constant 0 : i32
        %dma_start3A_75 = arith.constant 0 : i32
        %dma_start3A_76 = tpu.memref_slice %arg23[%dma_start3A_74, %dma_start3A_75] : memref<10000x8xf32, #tpu.memory_space<vmem_shared>> -> memref<10000x8xf32, #tpu.memory_space<vmem_shared>>
        tpu.enqueue_indirect_dma source(%arg21 : memref<80x8xf32, #tpu.memory_space<vmem>>) target(%dma_start3A_76 : memref<10000x8xf32, #tpu.memory_space<vmem_shared>>) offsets(%arg15 : memref<80xi32, #tpu.memory_space<vmem>>) semaphore(%run_scoped3A : memref<!tpu.dma_semaphore, #tpu.memory_space<semaphore_mem>>) {add = true}
        %dma_wait3A_77 = arith.constant 0 : i32
        %dma_wait3A_78 = arith.constant 0 : i32
        %dma_wait3A_79 = tpu.memref_slice %arg23[%dma_wait3A_77, %dma_wait3A_78] : memref<10000x8xf32, #tpu.memory_space<vmem_shared>> -> memref<10000x8xf32, #tpu.memory_space<vmem_shared>>
        tpu.wait_indirect_dma semaphore(%run_scoped3A : memref<!tpu.dma_semaphore, #tpu.memory_space<semaphore_mem>>) src(%arg21 : memref<80x8xf32, #tpu.memory_space<vmem>>) dst(%dma_wait3A_79 : memref<10000x8xf32, #tpu.memory_space<vmem_shared>>)
        tpu.yield
      }) : () -> ()
      %lt3A_69 = arith.constant 124 : i32
      %lt3A_70 = arith.cmpi slt, %scan3A_47, %lt3A_69 : i32
      %convert_element_type3A_71 = arith.extui %lt3A_70 : i1 to i32
      %cond3A_72 = arith.constant 0 : i32
      %cond3A_73 = arith.cmpi ne, %convert_element_type3A_71, %cond3A_72 : i32
      scf.if %cond3A_73 {
        %mul3A_74 = arith.constant 2 : i32
        %mul3A_75 = arith.muli %mul3A_74, %scan3A_47 : i32
        %add3A_76 = arith.constant 3 : i32
        %add3A_77 = arith.addi %mul3A_75, %add3A_76 : i32
        %mul3A_78 = arith.constant 20000 : i32
        %mul3A_79 = arith.muli %arg1, %mul3A_78 : i32
        %mul3A_80 = arith.constant 80 : i32
        %mul3A_81 = arith.muli %add3A_77, %mul3A_80 : i32
        %add3A_82 = arith.addi %mul3A_79, %mul3A_81 : i32
        %multiple_of3A_83 = tpu.assume_multiple %add3A_82, 16 : i32
        "tpu.region"() ({
          %run_scoped3A = tpu.sem_alloc : memref<!tpu.dma_semaphore, #tpu.memory_space<semaphore_mem>>
          %dma_start3A_93 = tpu.memref_slice %arg4[%multiple_of3A_83] : memref<320000xi32, #tpu.memory_space<hbm>> -> memref<80xi32, #tpu.memory_space<hbm>>
          %dma_start3A_94 = tpu.memref_slice %arg4[%multiple_of3A_83] : memref<320000xi32, #tpu.memory_space<hbm>> -> memref<80xi32, #tpu.memory_space<hbm>>
          tpu.enqueue_dma source(%dma_start3A_94 : memref<80xi32, #tpu.memory_space<hbm>>) target(%arg13 : memref<80xi32, #tpu.memory_space<vmem>>) target_semaphore(%run_scoped3A : memref<!tpu.dma_semaphore, #tpu.memory_space<semaphore_mem>>)
          %dma_wait3A_95 = tpu.memref_slice %arg4[%multiple_of3A_83] : memref<320000xi32, #tpu.memory_space<hbm>> -> memref<80xi32, #tpu.memory_space<hbm>>
          %dma_wait3A_96 = tpu.memref_slice %arg4[%multiple_of3A_83] : memref<320000xi32, #tpu.memory_space<hbm>> -> memref<80xi32, #tpu.memory_space<hbm>>
          tpu.wait_dma2 semaphore(%run_scoped3A : memref<!tpu.dma_semaphore, #tpu.memory_space<semaphore_mem>>) src(%dma_wait3A_96 : memref<80xi32, #tpu.memory_space<hbm>>) dst(%arg13 : memref<80xi32, #tpu.memory_space<vmem>>)
          tpu.yield
        }) : () -> ()
        "tpu.region"() ({
          %run_scoped3A = tpu.sem_alloc : memref<!tpu.dma_semaphore, #tpu.memory_space<semaphore_mem>>
          %dma_start3A_93 = tpu.memref_slice %arg5[%multiple_of3A_83] : memref<320000xi32, #tpu.memory_space<hbm>> -> memref<80xi32, #tpu.memory_space<hbm>>
          %dma_start3A_94 = tpu.memref_slice %arg5[%multiple_of3A_83] : memref<320000xi32, #tpu.memory_space<hbm>> -> memref<80xi32, #tpu.memory_space<hbm>>
          tpu.enqueue_dma source(%dma_start3A_94 : memref<80xi32, #tpu.memory_space<hbm>>) target(%arg15 : memref<80xi32, #tpu.memory_space<vmem>>) target_semaphore(%run_scoped3A : memref<!tpu.dma_semaphore, #tpu.memory_space<semaphore_mem>>)
          %dma_wait3A_95 = tpu.memref_slice %arg5[%multiple_of3A_83] : memref<320000xi32, #tpu.memory_space<hbm>> -> memref<80xi32, #tpu.memory_space<hbm>>
          %dma_wait3A_96 = tpu.memref_slice %arg5[%multiple_of3A_83] : memref<320000xi32, #tpu.memory_space<hbm>> -> memref<80xi32, #tpu.memory_space<hbm>>
          tpu.wait_dma2 semaphore(%run_scoped3A : memref<!tpu.dma_semaphore, #tpu.memory_space<semaphore_mem>>) src(%dma_wait3A_96 : memref<80xi32, #tpu.memory_space<hbm>>) dst(%arg15 : memref<80xi32, #tpu.memory_space<vmem>>)
          tpu.yield
        }) : () -> ()
        %scan3A_84 = arith.constant 0 : i32
        %scan3A_85 = arith.constant 0 : i32
        %scan3A_86 = arith.constant 5 : i32
        %scan3A_87 = arith.addi %scan3A_85, %scan3A_86 : i32
        %scan3A_88 = arith.constant 1 : i32
        scf.for %scan3A_93 = %scan3A_85 to %scan3A_87 step %scan3A_88  : i32 {
          %mul3A_94 = arith.constant 16 : i32
          %mul3A_95 = arith.muli %scan3A_93, %mul3A_94 : i32
          %get3A = arith.index_cast %mul3A_95 : i32 to index
          %get3A_96 = tpu.vector_load %arg13[%get3A] {strides = array<i32>} : memref<80xi32, #tpu.memory_space<vmem>>, vector<16xi32>,
          %get3A_97 = arith.index_cast %mul3A_95 : i32 to index
          %get3A_98 = tpu.vector_load %arg15[%get3A_97] {strides = array<i32>} : memref<80xi32, #tpu.memory_space<vmem>>, vector<16xi32>,
          %add3A_99 = vector.broadcast %mul3A_11 : i32 to vector<16xi32>
          %add3A_100 = arith.addi %get3A_96, %add3A_99 : vector<16xi32>
          %swap3A = arith.index_cast %mul3A_95 : i32 to index
          %swap3A_101 = tpu.vector_load %arg17[%swap3A] {strides = array<i32>} : memref<80xi32, #tpu.memory_space<vmem>>, vector<16xi32>,
          tpu.vector_store %arg17[%swap3A], %add3A_100 {strides = array<i32>} : memref<80xi32, #tpu.memory_space<vmem>>, vector<16xi32>,
          %mul3A_102 = arith.constant 4 : i32
          %mul3A_103 = vector.broadcast %mul3A_102 : i32 to vector<16xi32>
          %mul3A_104 = arith.muli %get3A_96, %mul3A_103 : vector<16xi32>
          %add3A_105 = arith.constant 0 : i32
          %add3A_106 = vector.broadcast %add3A_105 : i32 to vector<16xi32>
          %add3A_107 = arith.addi %mul3A_104, %add3A_106 : vector<16xi32>
          %gather3A = tpu.vector_load_idx %arg11[%add3A_107] : memref<40000xf32, #tpu.memory_space<vmem>>[vector<16xi32>], vector<16xf32>,
          %mul3A_108 = arith.constant 4 : i32
          %mul3A_109 = vector.broadcast %mul3A_108 : i32 to vector<16xi32>
          %mul3A_110 = arith.muli %get3A_98, %mul3A_109 : vector<16xi32>
          %add3A_111 = arith.constant 2 : i32
          %add3A_112 = vector.broadcast %add3A_111 : i32 to vector<16xi32>
          %add3A_113 = arith.addi %mul3A_110, %add3A_112 : vector<16xi32>
          %gather3A_114 = tpu.vector_load_idx %arg11[%add3A_113] : memref<40000xf32, #tpu.memory_space<vmem>>[vector<16xi32>], vector<16xf32>,
          %add3A_115 = arith.addf %gather3A, %gather3A_114 : vector<16xf32>
          %mul3A_116 = arith.constant 2.000000e-01 : f32
          %mul3A_117 = vector.broadcast %mul3A_116 : f32 to vector<16xf32>
          %mul3A_118 = arith.mulf %add3A_115, %mul3A_117 : vector<16xf32>
          %max3A = arith.maximumf %add3A_115, %mul3A_118 : vector<16xf32>
          %exp3A = math.exp %max3A : vector<16xf32>
          %add3A_119 = vector.broadcast %mul3A_95 : i32 to vector<16xi32>
          %add3A_120 = arith.addi %add3A_119, %iota3A : vector<16xi32>
          %broadcast_in_dim3A = arith.constant 0 : i32
          %broadcast_in_dim3A_121 = vector.broadcast %broadcast_in_dim3A : i32 to vector<16xi32>
          tpu.vector_store_idx %arg21[%add3A_120, %broadcast_in_dim3A_121], %exp3A : memref<80x8xf32, #tpu.memory_space<vmem>>[vector<16xi32>, vector<16xi32>], vector<16xf32>,
          %mul3A_122 = arith.constant 4 : i32
          %mul3A_123 = vector.broadcast %mul3A_122 : i32 to vector<16xi32>
          %mul3A_124 = arith.muli %get3A_96, %mul3A_123 : vector<16xi32>
          %add3A_125 = arith.constant 1 : i32
          %add3A_126 = vector.broadcast %add3A_125 : i32 to vector<16xi32>
          %add3A_127 = arith.addi %mul3A_124, %add3A_126 : vector<16xi32>
          %gather3A_128 = tpu.vector_load_idx %arg11[%add3A_127] : memref<40000xf32, #tpu.memory_space<vmem>>[vector<16xi32>], vector<16xf32>,
          %mul3A_129 = arith.constant 4 : i32
          %mul3A_130 = vector.broadcast %mul3A_129 : i32 to vector<16xi32>
          %mul3A_131 = arith.muli %get3A_98, %mul3A_130 : vector<16xi32>
          %add3A_132 = arith.constant 3 : i32
          %add3A_133 = vector.broadcast %add3A_132 : i32 to vector<16xi32>
          %add3A_134 = arith.addi %mul3A_131, %add3A_133 : vector<16xi32>
          %gather3A_135 = tpu.vector_load_idx %arg11[%add3A_134] : memref<40000xf32, #tpu.memory_space<vmem>>[vector<16xi32>], vector<16xf32>,
          %add3A_136 = arith.addf %gather3A_128, %gather3A_135 : vector<16xf32>
          %mul3A_137 = arith.constant 2.000000e-01 : f32
          %mul3A_138 = vector.broadcast %mul3A_137 : f32 to vector<16xf32>
          %mul3A_139 = arith.mulf %add3A_136, %mul3A_138 : vector<16xf32>
          %max3A_140 = arith.maximumf %add3A_136, %mul3A_139 : vector<16xf32>
          %exp3A_141 = math.exp %max3A_140 : vector<16xf32>
          %add3A_142 = vector.broadcast %mul3A_95 : i32 to vector<16xi32>
          %add3A_143 = arith.addi %add3A_142, %iota3A : vector<16xi32>
          %broadcast_in_dim3A_144 = arith.constant 1 : i32
          %broadcast_in_dim3A_145 = vector.broadcast %broadcast_in_dim3A_144 : i32 to vector<16xi32>
          tpu.vector_store_idx %arg21[%add3A_143, %broadcast_in_dim3A_145], %exp3A_141 : memref<80x8xf32, #tpu.memory_space<vmem>>[vector<16xi32>, vector<16xi32>], vector<16xf32>,
        }
        %scan3A_89 = arith.constant 5 : i32
        %dma_start3A_90 = arith.constant 0 : i32
        %dma_start3A_91 = arith.constant 0 : i32
        %dma_start3A_92 = tpu.memref_slice %arg6[%dma_start3A_90, %dma_start3A_91] : memref<20000x64xf32, #tpu.memory_space<hbm>> -> memref<20000x64xf32, #tpu.memory_space<hbm>>
        tpu.enqueue_indirect_dma source(%dma_start3A_92 : memref<20000x64xf32, #tpu.memory_space<hbm>>) target(%arg19 : memref<80x64xf32, #tpu.memory_space<vmem>>) offsets(%arg17 : memref<80xi32, #tpu.memory_space<vmem>>) semaphore(%arg25 : memref<!tpu.dma_semaphore, #tpu.memory_space<semaphore_mem>>)
      } else {
      }
    }
    %scan3A_41 = arith.constant 125 : i32
    %barrier3A_42 = arith.constant 0 : index
    tpu.barrier barrier_id(%barrier3A_42)
    %mul3A_43 = arith.constant 625 : i32
    %mul3A_44 = arith.muli %arg1, %mul3A_43 : i32
    "tpu.region"() ({
      %run_scoped3A = tpu.sem_alloc : memref<!tpu.dma_semaphore, #tpu.memory_space<semaphore_mem>>
      %dma_start3A_47 = arith.constant 0 : i32
      %dma_start3A_48 = arith.constant 0 : i32
      %dma_start3A_49 = tpu.memref_slice %arg9[%arg0, %arg1, %dma_start3A_47, %dma_start3A_48] : memref<2x16x625x64xf32, #tpu.memory_space<hbm>> -> memref<1x1x625x64xf32, #tpu.memory_space<hbm>>
      %dma_start3A_50 = tpu.memref_squeeze %dma_start3A_49 : memref<1x1x625x64xf32, #tpu.memory_space<hbm>> -> memref<625x64xf32, #tpu.memory_space<hbm>>
      %dma_start3A_51 = arith.constant 0 : i32
      %dma_start3A_52 = tpu.memref_slice %arg22[%mul3A_44, %dma_start3A_51] : memref<10000x64xf32, #tpu.memory_space<vmem_shared>> -> memref<625x64xf32, #tpu.memory_space<vmem_shared>>
      tpu.enqueue_dma source(%dma_start3A_52 : memref<625x64xf32, #tpu.memory_space<vmem_shared>>) target(%dma_start3A_50 : memref<625x64xf32, #tpu.memory_space<hbm>>) target_semaphore(%run_scoped3A : memref<!tpu.dma_semaphore, #tpu.memory_space<semaphore_mem>>)
      %dma_wait3A = arith.constant 0 : i32
      %dma_wait3A_53 = arith.constant 0 : i32
      %dma_wait3A_54 = tpu.memref_slice %arg9[%arg0, %arg1, %dma_wait3A, %dma_wait3A_53] : memref<2x16x625x64xf32, #tpu.memory_space<hbm>> -> memref<1x1x625x64xf32, #tpu.memory_space<hbm>>
      %dma_wait3A_55 = tpu.memref_squeeze %dma_wait3A_54 : memref<1x1x625x64xf32, #tpu.memory_space<hbm>> -> memref<625x64xf32, #tpu.memory_space<hbm>>
      %dma_wait3A_56 = arith.constant 0 : i32
      %dma_wait3A_57 = tpu.memref_slice %arg22[%mul3A_44, %dma_wait3A_56] : memref<10000x64xf32, #tpu.memory_space<vmem_shared>> -> memref<625x64xf32, #tpu.memory_space<vmem_shared>>
      tpu.wait_dma2 semaphore(%run_scoped3A : memref<!tpu.dma_semaphore, #tpu.memory_space<semaphore_mem>>) src(%dma_wait3A_57 : memref<625x64xf32, #tpu.memory_space<vmem_shared>>) dst(%dma_wait3A_55 : memref<625x64xf32, #tpu.memory_space<hbm>>)
      tpu.yield
    }) : () -> ()
    %mul3A_45 = arith.constant 625 : i32
    %mul3A_46 = arith.muli %arg1, %mul3A_45 : i32
    "tpu.region"() ({
      %run_scoped3A = tpu.sem_alloc : memref<!tpu.dma_semaphore, #tpu.memory_space<semaphore_mem>>
      %dma_start3A_47 = arith.constant 0 : i32
      %dma_start3A_48 = arith.constant 0 : i32
      %dma_start3A_49 = tpu.memref_slice %arg10[%arg0, %arg1, %dma_start3A_47, %dma_start3A_48] : memref<2x16x625x8xf32, #tpu.memory_space<hbm>> -> memref<1x1x625x8xf32, #tpu.memory_space<hbm>>
      %dma_start3A_50 = tpu.memref_squeeze %dma_start3A_49 : memref<1x1x625x8xf32, #tpu.memory_space<hbm>> -> memref<625x8xf32, #tpu.memory_space<hbm>>
      %dma_start3A_51 = arith.constant 0 : i32
      %dma_start3A_52 = tpu.memref_slice %arg23[%mul3A_46, %dma_start3A_51] : memref<10000x8xf32, #tpu.memory_space<vmem_shared>> -> memref<625x8xf32, #tpu.memory_space<vmem_shared>>
      tpu.enqueue_dma source(%dma_start3A_52 : memref<625x8xf32, #tpu.memory_space<vmem_shared>>) target(%dma_start3A_50 : memref<625x8xf32, #tpu.memory_space<hbm>>) target_semaphore(%run_scoped3A : memref<!tpu.dma_semaphore, #tpu.memory_space<semaphore_mem>>)
      %dma_wait3A = arith.constant 0 : i32
      %dma_wait3A_53 = arith.constant 0 : i32
      %dma_wait3A_54 = tpu.memref_slice %arg10[%arg0, %arg1, %dma_wait3A, %dma_wait3A_53] : memref<2x16x625x8xf32, #tpu.memory_space<hbm>> -> memref<1x1x625x8xf32, #tpu.memory_space<hbm>>
      %dma_wait3A_55 = tpu.memref_squeeze %dma_wait3A_54 : memref<1x1x625x8xf32, #tpu.memory_space<hbm>> -> memref<625x8xf32, #tpu.memory_space<hbm>>
      %dma_wait3A_56 = arith.constant 0 : i32
      %dma_wait3A_57 = tpu.memref_slice %arg23[%mul3A_46, %dma_wait3A_56] : memref<10000x8xf32, #tpu.memory_space<vmem_shared>> -> memref<625x8xf32, #tpu.memory_space<vmem_shared>>
      tpu.wait_dma2 semaphore(%run_scoped3A : memref<!tpu.dma_semaphore, #tpu.memory_space<semaphore_mem>>) src(%dma_wait3A_57 : memref<625x8xf32, #tpu.memory_space<vmem_shared>>) dst(%dma_wait3A_55 : memref<625x8xf32, #tpu.memory_space<hbm>>)
      tpu.yield
    }) : () -> ()
    return
  }
}

module attributes {stable_mosaic.version = 14 : i64} {
  func.func @_proj_body(%arg0: i32, %arg1: memref<1000x128xf32, #tpu.memory_space<vmem>>, %arg2: memref<128x128xf32, #tpu.memory_space<vmem>>, %arg3: memref<128x8xf32, #tpu.memory_space<vmem>>, %arg4: memref<2x1000x64xf32, #tpu.memory_space<vmem>>, %arg5: memref<1000x8xf32, #tpu.memory_space<vmem>>) attributes {dimension_semantics = [#tpu.dimension_semantics<arbitrary>], iteration_bounds = array<i64: 10>, scalar_prefetch = 0 : i64, scratch_operands = 0 : i64, tpu.core_type = #tpu.core_type<tc>, window_params = [{transform_indices = @transform_0, window_bounds = array<i64: 1000, 128>}, {pipeline_mode = #tpu.pipeline_mode<synchronous>, transform_indices = @transform_1, window_bounds = array<i64: 128, 128>}, {pipeline_mode = #tpu.pipeline_mode<synchronous>, transform_indices = @transform_2, window_bounds = array<i64: 128, 8>}, {transform_indices = @transform_3, window_bounds = array<i64: 2, 1000, 64>}, {transform_indices = @transform_4, window_bounds = array<i64: 1000, 8>}]} {
    %get3A = arith.constant 0 : index
    %get3A_0 = arith.constant 0 : index
    %get3A_1 = vector.load %arg1[%get3A, %get3A_0] : memref<1000x128xf32, #tpu.memory_space<vmem>>, vector<1000x128xf32>
    %get3A_2 = arith.constant 0 : index
    %get3A_3 = arith.constant 0 : index
    %get3A_4 = vector.load %arg2[%get3A_2, %get3A_3] : memref<128x128xf32, #tpu.memory_space<vmem>>, vector<128x128xf32>
    %dot_general3A = arith.constant dense<0.000000e+00> : vector<1000x128xf32>
    %dot_general3A_5 = tpu.matmul %get3A_1, %get3A_4, %dot_general3A {dimension_numbers = #tpu.dot_dimension_numbers<[1], [0], [0], [1], [0, 0, 1, 1], [], []>, transpose_lhs_hint = false} : vector<1000x128xf32>, vector<128x128xf32>, vector<1000x128xf32> -> vector<1000x128xf32>
    %slice3A = vector.extract_strided_slice %dot_general3A_5 {offsets = [0, 0], sizes = [1000, 64], strides = [1, 1]} : vector<1000x128xf32> to vector<1000x64xf32>
    %swap3A = arith.constant 0 : index
    %swap3A_6 = arith.constant 0 : index
    %swap3A_7 = arith.constant 0 : index
    %swap3A_8 = vector.load %arg4[%swap3A, %swap3A_6, %swap3A_7] : memref<2x1000x64xf32, #tpu.memory_space<vmem>>, vector<1x1000x64xf32>
    %swap3A_9 = vector.shape_cast %swap3A_8 : vector<1x1000x64xf32> to vector<1000x64xf32>
    %swap3A_10 = vector.shape_cast %slice3A : vector<1000x64xf32> to vector<1x1000x64xf32>
    tpu.vector_store %arg4[%swap3A, %swap3A_6, %swap3A_7], %swap3A_10 {strides = array<i32>} : memref<2x1000x64xf32, #tpu.memory_space<vmem>>, vector<1x1000x64xf32>,
    %slice3A_11 = vector.extract_strided_slice %dot_general3A_5 {offsets = [0, 64], sizes = [1000, 64], strides = [1, 1]} : vector<1000x128xf32> to vector<1000x64xf32>
    %swap3A_12 = arith.constant 1 : index
    %swap3A_13 = arith.constant 0 : index
    %swap3A_14 = arith.constant 0 : index
    %swap3A_15 = vector.load %arg4[%swap3A_12, %swap3A_13, %swap3A_14] : memref<2x1000x64xf32, #tpu.memory_space<vmem>>, vector<1x1000x64xf32>
    %swap3A_16 = vector.shape_cast %swap3A_15 : vector<1x1000x64xf32> to vector<1000x64xf32>
    %swap3A_17 = vector.shape_cast %slice3A_11 : vector<1000x64xf32> to vector<1x1000x64xf32>
    tpu.vector_store %arg4[%swap3A_12, %swap3A_13, %swap3A_14], %swap3A_17 {strides = array<i32>} : memref<2x1000x64xf32, #tpu.memory_space<vmem>>, vector<1x1000x64xf32>,
    %get3A_18 = arith.constant 0 : index
    %get3A_19 = arith.constant 0 : index
    %get3A_20 = vector.load %arg3[%get3A_18, %get3A_19] : memref<128x8xf32, #tpu.memory_space<vmem>>, vector<128x8xf32>
    %dot_general3A_21 = arith.constant dense<0.000000e+00> : vector<1000x8xf32>
    %dot_general3A_22 = tpu.matmul %get3A_1, %get3A_20, %dot_general3A_21 {dimension_numbers = #tpu.dot_dimension_numbers<[1], [0], [0], [1], [0, 0, 1, 1], [], []>, transpose_lhs_hint = false} : vector<1000x128xf32>, vector<128x8xf32>, vector<1000x8xf32> -> vector<1000x8xf32>
    %swap3A_23 = arith.constant 0 : index
    %swap3A_24 = arith.constant 0 : index
    %swap3A_25 = vector.load %arg5[%swap3A_23, %swap3A_24] : memref<1000x8xf32, #tpu.memory_space<vmem>>, vector<1000x8xf32>
    tpu.vector_store %arg5[%swap3A_23, %swap3A_24], %dot_general3A_22 {strides = array<i32>} : memref<1000x8xf32, #tpu.memory_space<vmem>>, vector<1000x8xf32>,
    return
  }
  func.func @transform_0(%arg0: i32) -> (i32, i32) {
    %c0_i32 = arith.constant 0 : i32
    %c0_i32_0 = arith.constant 0 : i32
    return %arg0, %c0_i32 : i32, i32
  }
  func.func @transform_1(%arg0: i32) -> (i32, i32) {
    %c0_i32 = arith.constant 0 : i32
    %c0_i32_0 = arith.constant 0 : i32
    %c0_i32_1 = arith.constant 0 : i32
    return %c0_i32, %c0_i32_0 : i32, i32
  }
  func.func @transform_2(%arg0: i32) -> (i32, i32) {
    %c0_i32 = arith.constant 0 : i32
    %c0_i32_0 = arith.constant 0 : i32
    %c0_i32_1 = arith.constant 0 : i32
    return %c0_i32, %c0_i32_0 : i32, i32
  }
  func.func @transform_3(%arg0: i32) -> (i32, i32, i32) {
    %c0_i32 = arith.constant 0 : i32
    %c0_i32_0 = arith.constant 0 : i32
    %c0_i32_1 = arith.constant 0 : i32
    return %c0_i32, %arg0, %c0_i32_0 : i32, i32, i32
  }
  func.func @transform_4(%arg0: i32) -> (i32, i32) {
    %c0_i32 = arith.constant 0 : i32
    %c0_i32_0 = arith.constant 0 : i32
    return %arg0, %c0_i32 : i32, i32
  }
}

module attributes {stable_mosaic.version = 14 : i64} {
  func.func @_finish_body(%arg0: i32, %arg1: memref<2x1000x64xf32, #tpu.memory_space<vmem>>, %arg2: memref<2x1000x8xf32, #tpu.memory_space<vmem>>, %arg3: memref<1000x128xf32, #tpu.memory_space<vmem>>, %arg4: memref<1000x128xf32, #tpu.memory_space<vmem>>) attributes {dimension_semantics = [#tpu.dimension_semantics<arbitrary>], iteration_bounds = array<i64: 10>, scalar_prefetch = 0 : i64, scratch_operands = 0 : i64, tpu.core_type = #tpu.core_type<tc>, window_params = [{transform_indices = @transform_0, window_bounds = array<i64: 2, 1000, 64>}, {transform_indices = @transform_1, window_bounds = array<i64: 2, 1000, 8>}, {transform_indices = @transform_2, window_bounds = array<i64: 1000, 128>}, {transform_indices = @transform_3, window_bounds = array<i64: 1000, 128>}]} {
    %get3A = arith.constant 0 : index
    %get3A_0 = arith.constant 0 : index
    %get3A_1 = arith.constant 0 : index
    %get3A_2 = vector.load %arg1[%get3A, %get3A_0, %get3A_1] : memref<2x1000x64xf32, #tpu.memory_space<vmem>>, vector<1x1000x64xf32>
    %get3A_3 = vector.shape_cast %get3A_2 : vector<1x1000x64xf32> to vector<1000x64xf32>
    %slice3A = vector.extract_strided_slice %get3A_3 {offsets = [0, 0], sizes = [1000, 32], strides = [1, 1]} : vector<1000x64xf32> to vector<1000x32xf32>
    %get3A_4 = arith.constant 0 : index
    %get3A_5 = arith.constant 0 : index
    %get3A_6 = arith.constant 0 : index
    %get3A_7 = vector.load %arg2[%get3A_4, %get3A_5, %get3A_6] : memref<2x1000x8xf32, #tpu.memory_space<vmem>>, vector<1x1000x8xf32>
    %get3A_8 = vector.shape_cast %get3A_7 : vector<1x1000x8xf32> to vector<1000x8xf32>
    %slice3A_9 = vector.extract_strided_slice %get3A_8 {offsets = [0, 0], sizes = [1000, 1], strides = [1, 1]} : vector<1000x8xf32> to vector<1000x1xf32>
    %add3A = arith.constant 9.99999971E-10 : f32
    %add3A_10 = vector.broadcast %add3A : f32 to vector<1000x1xf32>
    %add3A_11 = arith.addf %slice3A_9, %add3A_10 : vector<1000x1xf32>
    %div3A = vector.broadcast %add3A_11 : vector<1000x1xf32> to vector<1000x32xf32>
    %div3A_12 = arith.divf %slice3A, %div3A : vector<1000x32xf32>
    %get3A_13 = arith.constant 0 : index
    %get3A_14 = arith.constant 0 : index
    %get3A_15 = arith.constant 0 : index
    %get3A_16 = vector.load %arg1[%get3A_13, %get3A_14, %get3A_15] : memref<2x1000x64xf32, #tpu.memory_space<vmem>>, vector<1x1000x64xf32>
    %get3A_17 = vector.shape_cast %get3A_16 : vector<1x1000x64xf32> to vector<1000x64xf32>
    %slice3A_18 = vector.extract_strided_slice %get3A_17 {offsets = [0, 32], sizes = [1000, 32], strides = [1, 1]} : vector<1000x64xf32> to vector<1000x32xf32>
    %get3A_19 = arith.constant 0 : index
    %get3A_20 = arith.constant 0 : index
    %get3A_21 = arith.constant 0 : index
    %get3A_22 = vector.load %arg2[%get3A_19, %get3A_20, %get3A_21] : memref<2x1000x8xf32, #tpu.memory_space<vmem>>, vector<1x1000x8xf32>
    %get3A_23 = vector.shape_cast %get3A_22 : vector<1x1000x8xf32> to vector<1000x8xf32>
    %slice3A_24 = vector.extract_strided_slice %get3A_23 {offsets = [0, 1], sizes = [1000, 1], strides = [1, 1]} : vector<1000x8xf32> to vector<1000x1xf32>
    %add3A_25 = arith.constant 9.99999971E-10 : f32
    %add3A_26 = vector.broadcast %add3A_25 : f32 to vector<1000x1xf32>
    %add3A_27 = arith.addf %slice3A_24, %add3A_26 : vector<1000x1xf32>
    %div3A_28 = vector.broadcast %add3A_27 : vector<1000x1xf32> to vector<1000x32xf32>
    %div3A_29 = arith.divf %slice3A_18, %div3A_28 : vector<1000x32xf32>
    %get3A_30 = arith.constant 1 : index
    %get3A_31 = arith.constant 0 : index
    %get3A_32 = arith.constant 0 : index
    %get3A_33 = vector.load %arg1[%get3A_30, %get3A_31, %get3A_32] : memref<2x1000x64xf32, #tpu.memory_space<vmem>>, vector<1x1000x64xf32>
    %get3A_34 = vector.shape_cast %get3A_33 : vector<1x1000x64xf32> to vector<1000x64xf32>
    %slice3A_35 = vector.extract_strided_slice %get3A_34 {offsets = [0, 0], sizes = [1000, 32], strides = [1, 1]} : vector<1000x64xf32> to vector<1000x32xf32>
    %get3A_36 = arith.constant 1 : index
    %get3A_37 = arith.constant 0 : index
    %get3A_38 = arith.constant 0 : index
    %get3A_39 = vector.load %arg2[%get3A_36, %get3A_37, %get3A_38] : memref<2x1000x8xf32, #tpu.memory_space<vmem>>, vector<1x1000x8xf32>
    %get3A_40 = vector.shape_cast %get3A_39 : vector<1x1000x8xf32> to vector<1000x8xf32>
    %slice3A_41 = vector.extract_strided_slice %get3A_40 {offsets = [0, 0], sizes = [1000, 1], strides = [1, 1]} : vector<1000x8xf32> to vector<1000x1xf32>
    %add3A_42 = arith.constant 9.99999971E-10 : f32
    %add3A_43 = vector.broadcast %add3A_42 : f32 to vector<1000x1xf32>
    %add3A_44 = arith.addf %slice3A_41, %add3A_43 : vector<1000x1xf32>
    %div3A_45 = vector.broadcast %add3A_44 : vector<1000x1xf32> to vector<1000x32xf32>
    %div3A_46 = arith.divf %slice3A_35, %div3A_45 : vector<1000x32xf32>
    %get3A_47 = arith.constant 1 : index
    %get3A_48 = arith.constant 0 : index
    %get3A_49 = arith.constant 0 : index
    %get3A_50 = vector.load %arg1[%get3A_47, %get3A_48, %get3A_49] : memref<2x1000x64xf32, #tpu.memory_space<vmem>>, vector<1x1000x64xf32>
    %get3A_51 = vector.shape_cast %get3A_50 : vector<1x1000x64xf32> to vector<1000x64xf32>
    %slice3A_52 = vector.extract_strided_slice %get3A_51 {offsets = [0, 32], sizes = [1000, 32], strides = [1, 1]} : vector<1000x64xf32> to vector<1000x32xf32>
    %get3A_53 = arith.constant 1 : index
    %get3A_54 = arith.constant 0 : index
    %get3A_55 = arith.constant 0 : index
    %get3A_56 = vector.load %arg2[%get3A_53, %get3A_54, %get3A_55] : memref<2x1000x8xf32, #tpu.memory_space<vmem>>, vector<1x1000x8xf32>
    %get3A_57 = vector.shape_cast %get3A_56 : vector<1x1000x8xf32> to vector<1000x8xf32>
    %slice3A_58 = vector.extract_strided_slice %get3A_57 {offsets = [0, 1], sizes = [1000, 1], strides = [1, 1]} : vector<1000x8xf32> to vector<1000x1xf32>
    %add3A_59 = arith.constant 9.99999971E-10 : f32
    %add3A_60 = vector.broadcast %add3A_59 : f32 to vector<1000x1xf32>
    %add3A_61 = arith.addf %slice3A_58, %add3A_60 : vector<1000x1xf32>
    %div3A_62 = vector.broadcast %add3A_61 : vector<1000x1xf32> to vector<1000x32xf32>
    %div3A_63 = arith.divf %slice3A_52, %div3A_62 : vector<1000x32xf32>
    %get3A_64 = arith.constant 0 : index
    %get3A_65 = arith.constant 0 : index
    %get3A_66 = vector.load %arg3[%get3A_64, %get3A_65] : memref<1000x128xf32, #tpu.memory_space<vmem>>, vector<1000x128xf32>
    %concatenate3A = tpu.concatenate %div3A_12, %div3A_29, %div3A_46, %div3A_63 in 1 : vector<1000x32xf32>, vector<1000x32xf32>, vector<1000x32xf32>, vector<1000x32xf32> -> vector<1000x128xf32>
    %add3A_67 = arith.addf %get3A_66, %concatenate3A : vector<1000x128xf32>
    %swap3A = arith.constant 0 : index
    %swap3A_68 = arith.constant 0 : index
    %swap3A_69 = vector.load %arg4[%swap3A, %swap3A_68] : memref<1000x128xf32, #tpu.memory_space<vmem>>, vector<1000x128xf32>
    tpu.vector_store %arg4[%swap3A, %swap3A_68], %add3A_67 {strides = array<i32>} : memref<1000x128xf32, #tpu.memory_space<vmem>>, vector<1000x128xf32>,
    return
  }
  func.func @transform_0(%arg0: i32) -> (i32, i32, i32) {
    %c0_i32 = arith.constant 0 : i32
    %c0_i32_0 = arith.constant 0 : i32
    %c0_i32_1 = arith.constant 0 : i32
    return %c0_i32, %arg0, %c0_i32_0 : i32, i32, i32
  }
  func.func @transform_1(%arg0: i32) -> (i32, i32, i32) {
    %c0_i32 = arith.constant 0 : i32
    %c0_i32_0 = arith.constant 0 : i32
    %c0_i32_1 = arith.constant 0 : i32
    return %c0_i32, %arg0, %c0_i32_0 : i32, i32, i32
  }
  func.func @transform_2(%arg0: i32) -> (i32, i32) {
    %c0_i32 = arith.constant 0 : i32
    %c0_i32_0 = arith.constant 0 : i32
    return %arg0, %c0_i32 : i32, i32
  }
  func.func @transform_3(%arg0: i32) -> (i32, i32) {
    %c0_i32 = arith.constant 0 : i32
    %c0_i32_0 = arith.constant 0 : i32
    return %arg0, %c0_i32 : i32, i32
  }
}

</mosaic_0001>

<sc_bundles>
// kernel: kernel.5.cloned.1.call-start
scs
__scs_entry_jumppad:
0x0: {  	(pc) =	sbr.rel $0x88, $3  }
0x1: {  	(tag) =	ssettag $0x0;
	lr =	simm.s32 $0x1  }
0x2: {  	[smem:$0x3F98] =	sst lr;
	_ =	strace $0xD0000000  }
0x3: {  	_ = 	snop  }
0x4: {  	_ = 	snop  }
0x5: {  	_ = 	snop  }
0x6: {  	_ = 	snop  }
0x7: {  	_ = 	snop  }
__scs_overlays_trampoline_lowered:
0x8: {  	[smem:$0x3FA7] =	sst s0  }
0x9: {  	[smem:$0x3FA8] =	sst s1  }
0xa: {  	[smem:$0x3FA9] =	sst s2  }
0xb: {  	[smem:$0x3FAA] =	sst s3  }
0xc: {  	[smem:$0x3FAB] =	sst s4  }
0xd: {  	[smem:$0x3FAC] =	sst s5  }
0xe: {  	[smem:$0x3FAD] =	sst s6  }
0xf: {  	[smem:$0x3FAE] =	sst s7  }
0x10: {  	[smem:$0x3FAF] =	sst s8  }
0x11: {  	[smem:$0x3FB0] =	sst s9;
	s0 =	simm.s32 @!p0 $0x0  }
0x12: {  	s1 =	sld [smem:$0x3F96];
	s0 =	simm.s32 @p0 $0x1  }
0x13: {  	[smem:$0x3FB1] =	sst s0;
	s0 =	simm.s32 @!p1 $0x0  }
0x14: {  	s2 =	sld [smem:$0x3F95];
	s0 =	simm.s32 @p1 $0x1  }
0x15: {  	[smem:$0x3FB2] =	sst s0;
	s0 =	simm.s32 @!p2 $0x0  }
0x16: {  	s3 =	sld [smem:$0x3FDB];
	s0 =	simm.s32 @p2 $0x1  }
0x17: {  	s4 =	simm.s32 $0x1BF5;
	[smem:$0x3FB4] =	sst s0  }
0x18: {  	s0 =	sld [smem:$0x3F97];
	_ =	swait.ge [sflag:s4], $0x0  }
0x19: {  	s7 =	sld [smem:$0x3F98]  }
0x1a: {  	s8 =	sadd.s32 $0xFFFFE003, lr  }
0x1b: {  	s9 =	sadd.s32 $0xFFFFFEF7, lr;
	s5 =	simm.s32 $0xFFFFFFFF;
	p2 =	slt.u32 s8, $0xFFFFF086  }
0x1c: {  	p1 =	slt.u32 s9, $0xF7A;
	s5 =	simm.s32 @!p2 $0x0  }
0x1d: {  	s5 =	simm.s32 @p1 $0x1;
	p0 =	seq.s32 s7, s2  }
0x1e: {  	s7 =	smul.u32 @!p0 $0xF7A, s2;
	p2 =	seq.s32 @!p0 s5, $0x0  }
0x1f: {  	s9 =	smul.u32 $0xF7A, s1;
	s8 =	simm.s32 @!p0 $0x1BF5;
	p2 =	por !p2, p0  }
0x20: {  	[sflag:s8] =	ssyncset.s32 @!p0 $0xFFFFF086;
	s6 =	sadd.s32 @!p0 s3, s7;
	s7 =	simm.s32 @!p0 $0x108  }
0x21: {  	s3 =	sadd.s32 s3, s9;
	s6 =	sadd.s32 @!p0 $0x88, s6;
	s7 =	simm.s32 @p2 $0x1082  }
0x22: {  	[simem:s7], [sflag:s8] =	dma.local @!p0 [hbm:s6], $0xF7A  }
0x23: {  	s9 =	sor.u32 $0xD0000000, s2;
	s6 =	simm.s32 $0x108;
	_ =	swait.ge @!p0 [sflag:s8], $0x0  }
0x24: {  	s3 =	sadd.s32 $0x88, s3;
	s6 =	simm.s32 @!p1 $0x1082;
	[sflag:s4] =	ssyncset.s32 $0xFFFFF086  }
0x25: {  	[simem:s6], [sflag:s4] =	dma.local [hbm:s3], $0xF7A  }
0x26: {  	[smem:$0x3F98] =	sst s1;
	(tag) =	ssettag s2;
	_ =	strace s9  }
0x27: {  	s1 =	sld [smem:$0x3FA8]  }
0x28: {  	s2 =	sld [smem:$0x3FA9]  }
0x29: {  	s4 =	sld [smem:$0x3FAB]  }
0x2a: {  	p0 =	seq.s32 s5, $0x0;
	s5 =	sld [smem:$0x3FAC]  }
0x2b: {  	s6 =	sld [smem:$0x3FAD]  }
0x2c: {  	s7 =	sld [smem:$0x3FAE]  }
0x2d: {  	s3 =	simm.s32 $0x108;
	s8 =	sld [smem:$0x3FAF]  }
0x2e: {  	s3 =	simm.s32 @!p0 $0x1082;
	s9 =	sld [smem:$0x3FB0]  }
0x2f: {  	lr =	sadd.s32 s0, s3;
	s0 =	sld [smem:$0x3FA7]  }
0x30: {  	s3 =	sld [smem:$0x3FAA]  }
0x31: {  	[smem:$0x3FB3] =	sst s10  }
0x32: {  	s10 =	sld [smem:$0x3FB1];
	_ =	sdelay $0x3  }
0x33: {  	p0 =	seq.s32 s10, $0x1;
	s10 =	sld [smem:$0x3FB3];
	_ =	sdelay $0x3  }
0x34: {  	[smem:$0x3FB3] =	sst s10  }
0x35: {  	s10 =	sld [smem:$0x3FB2];
	_ =	sdelay $0x3  }
0x36: {  	p1 =	seq.s32 s10, $0x1;
	s10 =	sld [smem:$0x3FB3];
	_ =	sdelay $0x3  }
0x37: {  	[smem:$0x3FB3] =	sst s10  }
0x38: {  	s10 =	sld [smem:$0x3FB4]  }
0x39: {  	_ = 	snop;
	(pc) =	sbr.ind lr, $3  }
0x3a: {  	_ = 	snop  }
0x3b: {  	_ = 	snop  }
0x3c: {  	p2 =	seq.s32 s10, $0x1;
	s10 =	sld [smem:$0x3FB3]  }
0x3d: {  	_ =	shalt  }
0x3e: {  	_ =	shalt  }
0x3f: {  	_ =	shalt  }
0x40: {  	_ =	shalt  }
0x41: {  	_ =	shalt  }
0x42: {  	_ =	shalt  }
0x43: {  	_ =	shalt  }
0x44: {  	_ =	shalt  }
0x45: {  	_ =	shalt  }
0x46: {  	_ =	shalt  }
0x47: {  	_ =	shalt  }
0x48: {  	_ =	shalt  }
0x49: {  	_ =	shalt  }
0x4a: {  	_ =	shalt  }
0x4b: {  	_ =	shalt  }
0x4c: {  	_ =	shalt  }
0x4d: {  	_ =	shalt  }
0x4e: {  	_ =	shalt  }
0x4f: {  	_ =	shalt  }
0x50: {  	_ =	shalt  }
0x51: {  	_ =	shalt  }
0x52: {  	_ =	shalt  }
0x53: {  	_ =	shalt  }
0x54: {  	_ =	shalt  }
0x55: {  	_ =	shalt  }
0x56: {  	_ =	shalt  }
0x57: {  	_ =	shalt  }
0x58: {  	_ =	shalt  }
0x59: {  	_ =	shalt  }
0x5a: {  	_ =	shalt  }
0x5b: {  	_ =	shalt  }
0x5c: {  	_ =	shalt  }
0x5d: {  	_ =	shalt  }
0x5e: {  	_ =	shalt  }
0x5f: {  	_ =	shalt  }
0x60: {  	_ =	shalt  }
0x61: {  	_ =	shalt  }
0x62: {  	_ =	shalt  }
0x63: {  	_ =	shalt  }
0x64: {  	_ =	shalt  }
0x65: {  	_ =	shalt  }
0x66: {  	_ =	shalt  }
0x67: {  	_ =	shalt  }
0x68: {  	_ =	shalt  }
0x69: {  	_ =	shalt  }
0x6a: {  	_ =	shalt  }
0x6b: {  	_ =	shalt  }
0x6c: {  	_ =	shalt  }
0x6d: {  	_ =	shalt  }
0x6e: {  	_ =	shalt  }
0x6f: {  	_ =	shalt  }
0x70: {  	_ =	shalt  }
0x71: {  	_ =	shalt  }
0x72: {  	_ =	shalt  }
0x73: {  	_ =	shalt  }
0x74: {  	_ =	shalt  }
0x75: {  	_ =	shalt  }
0x76: {  	_ =	shalt  }
0x77: {  	_ =	shalt  }
0x78: {  	_ =	shalt  }
0x79: {  	_ =	shalt  }
0x7a: {  	_ =	shalt  }
0x7b: {  	_ =	shalt  }
0x7c: {  	_ =	shalt  }
0x7d: {  	_ =	shalt  }
0x7e: {  	_ =	shalt  }
0x7f: {  	_ =	shalt  }
0x80: {  	_ =	shalt  }
0x81: {  	_ =	shalt  }
0x82: {  	_ =	shalt  }
0x83: {  	_ =	shalt  }
0x84: {  	_ =	shalt  }
0x85: {  	_ =	shalt  }
0x86: {  	_ =	shalt  }
0x87: {  	_ =	shalt  }
.Lfunc_end0:
.L_simem_size_0:
called_computation_lowered:
.L_overlay_start_0:
0x88: {  	s2 =	sld [smem:$0x3FD9]  }
0x89: {  	s3 =	sld [smem:$0x3FFE];
	_ =	sdelay $0x1  }
0x8a: {  	s1 =	srdreg.scid  }
0x8b: {  	s0 =	sand.u32 $0x1, s1  }
0x8c: {  	s17 =	sshll.u32 s0, $0xA;
	s2 =	sadd.s32 s3, s2  }
0x8d: {  	s2 =	sadd.s32 s2, s17  }
0x8e: {  	[smem:$0x3FBF] =	sst s2  }
0x8f: {  	_ = 	snop  }
0x90: {  	s2 =	sld [smem:$0x3FD0];
	(tm) =	ssettm $0x1  }
0x91: {  	s18 =	sld [smem:$0x3FFB];
	_ =	sdelay $0x3  }
0x92: {  	_ =	strace s18  }
0x93: {  	s3 =	sld [smem:$0x3FFC];
	_ =	sdelay $0x3  }
0x94: {  	_ =	strace s3  }
0x95: {  	s3 =	sld [smem:$0x3FFD];
	_ =	sdelay $0x3  }
0x96: {  	_ =	strace s3  }
0x97: {  	_ =	strace $0x8FFFFFFF  }
0x98: {  	s19 =	sld [smem:$0x3FDB];
	_ =	sdelay $0x1  }
0x99: {  	s4 =	simm.s32 $_scs_section_size  }
0x9a: {  	s5 =	simm.s32 $_size__tile_overlayer_lowered;
	s6 =	simm.s32 $_tile_overlayer_lowered  }
0x9b: {  	s22 =	simm.s32 $0x1BFF;
	s21 =	sshll.u32 s6, $0x1;
	s3 =	sadd.s32 s4, s19  }
0x9c: {  	s7 =	simm.s32 $0x0;
	s20 =	sshll.u32 s5, $0x1;
	s5 =	sadd.s32 s21, s3  }
0x9d: {  	[timem:s7], [sflag:s22] =	dma.local [hbm:s5], s20  }
0x9e: {  	_ =	swait.ge [sflag:s22], s20  }
0x9f: {  	s4 =	ssub.s32 $0x0, s20;
	[sflag:s22] =	ssyncset.done $0x0  }
0xa0: {  	[sflag:s22] =	ssyncadd.s32 s4;
	_ =	sdelay $0x1  }
0xa1: {  	s23 =	simm.s32 $0x1B8B  }
0xa2: {  	_ =	swait.ge [sflag:s23], $0x1  }
0xa3: {  	[sflag:s23] =	ssyncset.done $0x0  }
0xa4: {  	s25 =	simm.s32 $0x1B8E;
	s24 =	sld [smem:$0x3FFE];
	[sflag:s23] =	ssyncadd.s32 $0xFFFFFFFF  }
0xa5: {  	s26 =	simm.s32 $execute0_lowered;
	[smem:$0x3FD2] =	sst s25  }
0xa6: {  	s5 =	sshll.u32 s26, $0x1;
	_ =	strace $0x80000046;
	[dreg:$0x1] =	wrdreg $0xFFFFFFFF  }
0xa7: {  	s28 =	simm.s32 $_size_execute0_lowered;
	s3 =	sadd.s32 s3, s5;
	[dreg:$0x0] =	wrdreg $0x0  }
0xa8: {  	s5 =	sshll.u32 s28, $0x1;
	[dreg:$0x2] =	wrdreg s3  }
0xa9: {  	[dreg:$0x3] =	wrdreg s5  }
0xaa: {  	[dreg:$0x4] =	wrdreg $0xC0  }
0xab: {  	_ =	task [dreg:s7], $0x5FFFF  }
0xac: {  	[dreg:$0x1] =	wrdreg $0xFFFFFFFF  }
0xad: {  	[dreg:$0x0] =	wrdreg $0x60  }
0xae: {  	[dreg:$0x2] =	wrdreg s24  }
0xaf: {  	[dreg:$0x3] =	wrdreg s2  }
0xb0: {  	[dreg:$0x4] =	wrdreg $0xCB200  }
0xb1: {  	[dreg:$0x5] =	wrdreg $0x167600  }
0xb2: {  	[dreg:$0x6] =	wrdreg $0x9  }
0xb3: {  	_ =	task.clear_ibuf [dreg:s7], $0x7FFFF;
	_ =	strace $0x90000046  }
0xb4: {  	s29 =	simm.s32 $0x9;
	_ =	strace $0x80000048  }
0xb5: {  	_ =	swait.ge [sflag:s29], $0x1  }
0xb6: {  	[sflag:s29] =	ssyncadd.s32 $0xFFFFFFFF  }
0xb7: {  	_ =	strace $0x90000048  }
0xb8: {  	_ =	sfence  }
0xb9: {  	s30 =	sld [smem:$0x0];
	_ =	sdelay $0x2  }
0xba: {  	s31 =	sshll.u32 s1, $0xD;
	s1 =	sshrl.u32 s1, $0x2  }
0xbb: {  	s3 =	sand.u32 $0x4000, s31;
	s1 =	sadd.s32 s1, s30  }
0xbc: {  	s0 =	sor.u32 s3, s0;
	s1 =	sshll.u32 s1, $0x11  }
0xbd: {  	s0 =	sor.u32 s1, s0  }
0xbe: {  	s0 =	sadd.s32 $0x8F2B, s0  }
0xbf: {  	[sflag:s0] =	ssyncadd.remote.s32 $0x1  }
0xc0: {  	_ =	sfence.sel $0xFFFF  }
0xc1: {  	[dreg:$0x0] =	wrdreg $0xFFFFFFFF;
	(pc) =	sbr.abs _section_cstart, $3  }
0xc2: {  	[dreg:$0x1] =	wrdreg $0xFFFFFFFF  }
0xc3: {  	_ =	task.clear_ibuf [dreg:s7], $0x2FFFF;
	_ =	strace $0x9FFFFFFF  }
0xc4: {  	(tm) =	ssettm $0x7FFFFFFF  }
0xc5: {  	_ =	shalt  }
tec
execute0_lowered:
.L_overlay_start_1:
0x0: {  	(tag) =	ssettag $0x1  }
0x1: {  	s0 =	rddreg [dreg:$0x0]  }
0x2: {  	s3 =	rddreg [dreg:$0x1]  }
0x3: {  	s1 =	rddreg [dreg:$0x2]  }
0x4: {  	s2 =	rddreg [dreg:$0x3]  }
0x5: {  	s4 =	simm.s32 $0x0;
	s5 =	srdreg.scid;
	s18 =	stileid.u32  }
0x6: {  	s28 =	simm.s32 $0x9D80;
	s29 =	simm.s32 $0x9E20;
	s30 =	simm.s32 $0x9DD0  }
0x7: {  	s31 =	simm.s32 $0xB220;
	[smem:$0x7FF] =	sst s4;
	s11 =	smul.u32 $0x1388, s18  }
0x8: {  	s8 =	sand.u32 $0x1, s5;
	s5 =	sadd.s32 $0xB200, s0;
	s13 =	smul.u32 $0x27100, s18  }
0x9: {  	s6 =	sadd.s32 $0x1400, s0;
	s7 =	sadd.s32 $0x15000, s0;
	s19 =	smul.u32 $0x4E20, s18  }
0xa: {  	s9 =	sadd.s32 $0x3EE00, s0;
	s15 =	smul.u32 $0x9C40, s18;
	s26 =	sshll.u32 s18, $0x6  }
0xb: {  	s10 =	smul.u32 $0x13880, s8;
	_ =	strace $0x80000047;
	[dreg:$0x5] =	wrdreg s9  }
0xc: {  	s9 =	sadd.s32 $0x3EA00, s0;
	s17 =	ssub.s32 $0x2, s8;
	s14 =	smul.u32 $0x2710, s8  }
0xd: {  	p0 =	seq.s32 s8, $0x1;
	s8 =	smul.u32 $0x9C400, s8;
	s12 =	sshrl.u32 s17, $0x1  }
0xe: {  	s13 =	sshrl.u32 s13, $0x2;
	s20 =	sshrl.u32 s19, $0x2;
	s21 =	sshrl.u32 s19, $0x3  }
0xf: {  	s10 =	sadd.s32 s11, s10;
	s11 =	ssub.s32 s17, s12;
	s13 =	sadd.s32 s13, s1  }
0x10: {  	s16 =	sadd.s32 s5, s21;
	s22 =	sadd.s32 s6, s21;
	[dreg:$0x6] =	wrdreg s13  }
0x11: {  	s8 =	sadd.s32 s15, s8;
	s17 =	sadd.s32 $0xF0, s19;
	[dreg:$0x8] =	wrdreg s16  }
0x12: {  	s10 =	sshrl.u32 s10, $0x3;
	s13 =	sadd.s32 s20, s2;
	[dreg:$0x9] =	wrdreg s22  }
0x13: {  	s16 =	sadd.s32 $0xA0, s19;
	s8 =	sshrl.u32 s8, $0x3;
	s25 =	smax.u32 s11, $0x1  }
0x14: {  	s22 =	simm.s32 $0x3;
	s11 =	simm.s32 $0x0;
	s10 =	sadd.s32 s10, s0  }
0x15: {  	[dreg:$0x7] =	wrdreg s13;
	s13 =	sadd.s32 $0xA, s21;
	s3 =	sadd.s32 s3, s8  }
0x16: {  	[dreg:$0xe] =	wrdreg s25;
	s25 =	simm.s32 $0xC8A0;
	s8 =	simm.s32 $0x2  }
0x17: {  	s23 =	sadd.s32 s5, s13;
	s13 =	sadd.s32 s6, s13;
	[dreg:$0xc] =	wrdreg s3  }
.Ltmp0:
0x18: {  	s24 =	sadd.s32 $0x40200, s10;
	[dreg:$0xa] =	wrdreg s23;
	(pc) =	sbr.rel .LBB2_1-.Ltmp0, $4  }
0x19: {  	s3 =	simm.s32 $0x3D600;
	s10 =	simm.s32 $0x9D30;
	[dreg:$0xb] =	wrdreg s13  }
0x1a: {  	[dreg:$0xd] =	wrdreg s24;
	s3 =	simm.s32 @!p0 $0x3C200;
	s23 =	sor.u32 $0x1C03, s26  }
0x1b: {  	v1 =	vlaneseq.u32;
	s24 =	simm.s32 $0xC620;
	s26 =	simm.s32 $0x50;
	s0 =	sadd.s32 s3, s0  }
0x1c: {  	v1 =	vmul.u32 $0x8, v1;
	v0 =	vmov s14;
	s3 =	simm.s32 $0x9CE0;
	[dreg:$0xf] =	wrdreg s0;
	s0 =	simm.s32 $0x1  }
.LBB2_18:
0x1d: {  	[bflag:$0x0] =	sbarrier.arrive $0xFFFF  }
0x1e: {  	s14 =	rddreg [dreg:$0xc]  }
0x1f: {  	[hbm:s14], [sflag:s23] =	dma.local [spmem:s12], $0x1388  }
0x20: {  	_ =	swait.ge [sflag:s22], $0x1388  }
0x21: {  	[sflag:s22] =	ssyncset.done $0x0  }
0x22: {  	s20 =	rddreg [dreg:$0xd];
	[sflag:s22] =	ssyncadd.s32 $0xFFFFEC78  }
0x23: {  	[hbm:s20], [sflag:s23] =	dma.local [spmem:s13], $0x271  }
0x24: {  	_ =	swait.ge [sflag:s22], $0x271  }
0x25: {  	s11 =	sadd.s32 $0x1, s11;
	s21 =	rddreg [dreg:$0xe]  }
0x26: {  	p0 =	sne.s32 s11, s21  }
.Ltmp1:
0x27: {  	_ = 	snop;
	(pc) =	sbr.rel @!p0 .LBB2_19-.Ltmp1, $3  }
0x28: {  	_ =	sdelay $0x1  }
0x29: {  	[sflag:s22] =	ssyncset.done $0x0  }
0x2a: {  	[sflag:s22] =	ssyncadd.s32 $0xFFFFFD8F  }
.LBB2_1:
0x2b: {  	s12 =	rddreg [dreg:$0xf]  }
0x2c: {  	[tilespmem:s4], [sflag:$0x3] =	stream.linear.gather [hbm4b:s12+s4], $0x9C40, $0x38;
	[tilespmem:$0x17AE8] =	vst v63  }
0x2d: {  	_ =	swait.ge [sflag:s22], $0x9C40  }
0x2e: {  	[sflag:s22] =	ssyncset.done $0x0;
	s19 =	rddreg [dreg:$0x6]  }
0x2f: {  	s13 =	rddreg [dreg:$0x5];
	[sflag:s22] =	ssyncadd.s32 $0xFFFF63C0;
	s12 =	sshrl.u32 s19, $0x3  }
0x30: {  	[spmem:s12], [sflag:s23] =	dma.local [hbm:s13], $0x1388  }
0x31: {  	_ =	swait.ge [sflag:s22], $0x1388  }
0x32: {  	[sflag:s22] =	ssyncset.done $0x0;
	s20 =	rddreg [dreg:$0x7]  }
0x33: {  	[sflag:s22] =	ssyncadd.s32 $0xFFFFEC78;
	s13 =	sshrl.u32 s20, $0x3  }
0x34: {  	[spmem:s13], [sflag:s23] =	dma.local [hbm:s9], $0x271  }
0x35: {  	_ =	swait.ge [sflag:s22], $0x271  }
0x36: {  	[sflag:s22] =	ssyncset.done $0x0  }
0x37: {  	[sflag:s22] =	ssyncadd.s32 $0xFFFFFD8F  }
0x38: {  	[tilespmem:s24], [sflag:$0x3] =	stream.linear.gather [hbm4b:s9+s4], $0x280, $0x38;
	[tilespmem:$0x17AE8] =	vst v63  }
0x39: {  	_ =	swait.ge [sflag:s22], $0x280  }
0x3a: {  	[sflag:s22] =	ssyncset.done $0x0  }
0x3b: {  	[sflag:s22] =	ssyncadd.s32 $0xFFFFFD80  }
0x3c: {  	[tilespmem:s25], [sflag:$0x3] =	stream.linear.gather [hbm4b:s9+s4], $0x280, $0x38;
	[tilespmem:$0x17AE8] =	vst v63  }
0x3d: {  	_ =	swait.ge [sflag:s22], $0x280  }
0x3e: {  	[sflag:s22] =	ssyncset.done $0x0  }
0x3f: {  	[sflag:s22] =	ssyncadd.s32 $0xFFFFFD80  }
0x40: {  	[bflag:$0x0] =	sbarrier.arrive $0xFFFF  }
0x41: {  	s14 =	simm.s32 $0x9C40;
	s15 =	rddreg [dreg:$0x8]  }
0x42: {  	[tilespmem:s14], [sflag:$0x3] =	stream.linear.gather [hbm4b:s15+s4], $0x50, $0x38;
	[tilespmem:$0x17AE8] =	vst v63  }
0x43: {  	_ =	swait.ge [sflag:s22], $0x50  }
0x44: {  	[sflag:s22] =	ssyncset.done $0x0  }
0x45: {  	s21 =	rddreg [dreg:$0x9];
	[sflag:s22] =	ssyncadd.s32 $0xFFFFFFB0  }
0x46: {  	[tilespmem:s3], [sflag:$0x3] =	stream.linear.gather [hbm4b:s21+s4], $0x50, $0x38;
	[tilespmem:$0x17AE8] =	vst v63  }
0x47: {  	_ =	swait.ge [sflag:s22], $0x50  }
0x48: {  	[sflag:s22] =	ssyncset.done $0x0  }
0x49: {  	[sflag:s22] =	ssyncadd.s32 $0xFFFFFFB0  }
0x4a: {  	v2 =	vld [tilespmem:s3+$0x0]  }
0x4b: {  	v3 =	vld [tilespmem:s14+$0x0];
	_ =	sdelay $0x4  }
0x4c: {  	v2 =	vshll.u32 v2, $0x2;
	v5 =	vshll.u32 v3, $0x2  }
0x4d: {  	v4 =	vor.u32 $0x2, v2;
	_ =	sdelay $0x1  }
0x4e: {  	v3 =	vadd.s32 v0, v3  }
0x4f: {  	[tilespmem:s28+$0x0] =	vst v3  }
0x50: {  	v61 =	vld.idx.msk [tilespmem:v5+s4+$0x0], $0xffff  }
0x51: {  	v3 =	vld.idx.msk [tilespmem:v4+s4+$0x0], $0xffff;
	_ =	sdelay $0x4  }
0x52: {  	v3 =	vadd.f32 v3, v61;
	_ =	sdelay $0x1  }
0x53: {  	v4 =	vmul.f32 $2.000000030e-01, v3;
	_ =	sdelay $0x1  }
0x54: {  	v3 =	vmax.f32 v3, v4  }
0x55: {  	v3 =	vmul.f32 $1.442695020e+00, v3;
	_ =	sdelay $0x1  }
0x56: {  	(erf) = vpow2.f32 v3;
	_ =	sdelay $0x2  }
0x57: {  	v3 =	vmov s4  }
0x58: {  	v3 =	vshll.u32 v3, $0x3  }
0x59: {  	v3 =	vor.u32 v1, v3  }
0x5a: {  	v62 =	vor.u32 $0x1, v5  }
0x5b: {  	v2 =	vor.u32 $0x3, v2;
	_ =	sdelay $0x1  }
0x5c: {  	v63 =	vpop (erf)  }
0x5d: {  	[tilespmem:v3+s24+$0x0] =	vst.idx.msk $0xffff, v63  }
0x5e: {  	v4 =	vld.idx.msk [tilespmem:v62+s4+$0x0], $0xffff  }
0x5f: {  	v2 =	vld.idx.msk [tilespmem:v2+s4+$0x0], $0xffff;
	_ =	sdelay $0x4  }
0x60: {  	v2 =	vadd.f32 v2, v4;
	_ =	sdelay $0x1  }
0x61: {  	v4 =	vmul.f32 $2.000000030e-01, v2;
	_ =	sdelay $0x1  }
0x62: {  	v2 =	vmax.f32 v2, v4  }
0x63: {  	v2 =	vmul.f32 $1.442695020e+00, v2;
	_ =	sdelay $0x1  }
0x64: {  	(erf) = vpow2.f32 v2;
	_ =	sdelay $0x3  }
0x65: {  	s18 =	simm.s32 $0x9CE0;
	s19 =	simm.s32 $0x9D80;
	s15 =	simm.s32 $0x10;
	v2 =	vor.u32 $0x1, v3  }
.LBB2_2:
0x66: {  	_ =	sdelay $0x2  }
0x67: {  	s14 =	sadd.s32 $0x10, s14;
	s18 =	sadd.s32 $0x10, s18;
	s19 =	sadd.s32 $0x10, s19  }
0x68: {  	p0 =	sne.s32 s15, $0x40;
	s20 =	smov.u32 s15;
	s15 =	sadd.s32 $0x10, s15;
	v3 =	vpop (erf)  }
0x69: {  	[tilespmem:v2+s24+$0x0] =	vst.idx.msk $0xffff, v3  }
0x6a: {  	v2 =	vld [tilespmem:s18+$0x0]  }
0x6b: {  	v3 =	vld [tilespmem:s14+$0x0];
	_ =	sdelay $0x3  }
0x6c: {  	v2 =	vshll.u32 v2, $0x2  }
0x6d: {  	v4 =	vadd.s32 v0, v3;
	v3 =	vshll.u32 v3, $0x2;
	v5 =	vor.u32 $0x2, v2;
	_ =	sdelay $0x3  }
0x6e: {  	[tilespmem:s19+$0x0] =	vst v4  }
0x6f: {  	v4 =	vld.idx.msk [tilespmem:v5+s4+$0x0], $0xffff  }
0x70: {  	v5 =	vld.idx.msk [tilespmem:v3+s4+$0x0], $0xffff;
	_ =	sdelay $0x5  }
0x71: {  	v4 =	vadd.f32 v4, v5;
	_ =	sdelay $0x1  }
0x72: {  	v5 =	vmul.f32 $2.000000030e-01, v4;
	_ =	sdelay $0x1  }
0x73: {  	v4 =	vmax.f32 v4, v5  }
0x74: {  	v4 =	vmul.f32 $1.442695020e+00, v4;
	_ =	sdelay $0x1  }
0x75: {  	(erf) = vpow2.f32 v4;
	_ =	sdelay $0x2  }
0x76: {  	v4 =	vmov s20  }
0x77: {  	v4 =	vshll.u32 v4, $0x3  }
0x78: {  	v4 =	vor.u32 v1, v4  }
0x79: {  	v2 =	vor.u32 $0x3, v2;
	v3 =	vor.u32 $0x1, v3;
	_ =	sdelay $0x2  }
0x7a: {  	v5 =	vpop (erf)  }
0x7b: {  	[tilespmem:v4+s24+$0x0] =	vst.idx.msk $0xffff, v5  }
0x7c: {  	v3 =	vld.idx.msk [tilespmem:v3+s4+$0x0], $0xffff  }
0x7d: {  	v2 =	vld.idx.msk [tilespmem:v2+s4+$0x0], $0xffff;
	_ =	sdelay $0x5  }
0x7e: {  	v2 =	vadd.f32 v2, v3;
	_ =	sdelay $0x1  }
0x7f: {  	v3 =	vmul.f32 $2.000000030e-01, v2;
	_ =	sdelay $0x1  }
0x80: {  	v2 =	vmax.f32 v2, v3  }
0x81: {  	v2 =	vmul.f32 $1.442695020e+00, v2;
	_ =	sdelay $0x1  }
.Ltmp2:
0x82: {  	(erf) = vpow2.f32 v2;
	(pc) =	sbr.rel @p0 .LBB2_2-.Ltmp2, $2  }
0x83: {  	_ =	sdelay $0x2  }
0x84: {  	v2 =	vor.u32 $0x1, v4  }
0x85: {  	_ =	sdelay $0x3  }
0x86: {  	v3 =	vpop (erf)  }
0x87: {  	[tilespmem:v2+s24+$0x0] =	vst.idx.msk $0xffff, v3  }
0x88: {  	[tilespmem:s29], [sflag:$0x1] =	stream.indirect.gather [hbm4b:s7+s26], $0x40, s28, s26, $0xb8;
	[tilespmem:$0x17AE8] =	vst v63  }
0x89: {  	s19 =	simm.s32 $0x0;
	s14 =	simm.s32 $0x9C90;
	s15 =	rddreg [dreg:$0xa]  }
0x8a: {  	[tilespmem:s14], [sflag:$0x3] =	stream.linear.gather [hbm4b:s15+s19], $0x50, $0x38;
	[tilespmem:$0x17AE8] =	vst v63  }
0x8b: {  	_ =	swait.ge [sflag:s22], $0x50  }
0x8c: {  	[sflag:s22] =	ssyncset.done $0x0  }
0x8d: {  	s15 =	simm.s32 $0x9D30;
	s18 =	rddreg [dreg:$0xb];
	[sflag:s22] =	ssyncadd.s32 $0xFFFFFFB0  }
0x8e: {  	[tilespmem:s15], [sflag:$0x3] =	stream.linear.gather [hbm4b:s18+s19], $0x50, $0x38;
	[tilespmem:$0x17AE8] =	vst v63  }
0x8f: {  	_ =	swait.ge [sflag:s22], $0x50  }
0x90: {  	[sflag:s22] =	ssyncset.done $0x0  }
0x91: {  	[sflag:s22] =	ssyncadd.s32 $0xFFFFFFB0  }
0x92: {  	v2 =	vld [tilespmem:s15+$0x0]  }
0x93: {  	v3 =	vld [tilespmem:s14+$0x0];
	_ =	sdelay $0x4  }
0x94: {  	v2 =	vshll.u32 v2, $0x2;
	v5 =	vshll.u32 v3, $0x2  }
0x95: {  	v4 =	vor.u32 $0x2, v2;
	_ =	sdelay $0x1  }
0x96: {  	s18 =	simm.s32 $0x9DD0;
	v3 =	vadd.s32 v0, v3  }
0x97: {  	[tilespmem:s18+$0x0] =	vst v3  }
0x98: {  	v61 =	vld.idx.msk [tilespmem:v5+s4+$0x0], $0xffff  }
0x99: {  	v3 =	vld.idx.msk [tilespmem:v4+s4+$0x0], $0xffff;
	_ =	sdelay $0x4  }
0x9a: {  	v3 =	vadd.f32 v3, v61;
	_ =	sdelay $0x1  }
0x9b: {  	v4 =	vmul.f32 $2.000000030e-01, v3;
	_ =	sdelay $0x1  }
0x9c: {  	v3 =	vmax.f32 v3, v4  }
0x9d: {  	v3 =	vmul.f32 $1.442695020e+00, v3;
	_ =	sdelay $0x1  }
0x9e: {  	(erf) = vpow2.f32 v3;
	_ =	sdelay $0x2  }
0x9f: {  	v3 =	vmov s19  }
0xa0: {  	v3 =	vshll.u32 v3, $0x3  }
0xa1: {  	v3 =	vor.u32 v1, v3  }
0xa2: {  	v62 =	vor.u32 $0x1, v5  }
0xa3: {  	v2 =	vor.u32 $0x3, v2;
	_ =	sdelay $0x1  }
0xa4: {  	v63 =	vpop (erf)  }
0xa5: {  	[tilespmem:v3+s25+$0x0] =	vst.idx.msk $0xffff, v63  }
0xa6: {  	v4 =	vld.idx.msk [tilespmem:v62+s4+$0x0], $0xffff  }
0xa7: {  	v2 =	vld.idx.msk [tilespmem:v2+s4+$0x0], $0xffff;
	_ =	sdelay $0x4  }
0xa8: {  	v2 =	vadd.f32 v2, v4;
	_ =	sdelay $0x1  }
0xa9: {  	v4 =	vmul.f32 $2.000000030e-01, v2;
	_ =	sdelay $0x1  }
0xaa: {  	v2 =	vmax.f32 v2, v4  }
0xab: {  	v2 =	vmul.f32 $1.442695020e+00, v2;
	_ =	sdelay $0x1  }
0xac: {  	(erf) = vpow2.f32 v2;
	_ =	sdelay $0x3  }
0xad: {  	s19 =	simm.s32 $0x10;
	v2 =	vor.u32 $0x1, v3  }
.LBB2_4:
0xae: {  	_ =	sdelay $0x2  }
0xaf: {  	s14 =	sadd.s32 $0x10, s14;
	s15 =	sadd.s32 $0x10, s15;
	s18 =	sadd.s32 $0x10, s18  }
0xb0: {  	p0 =	sne.s32 s19, $0x40;
	s20 =	smov.u32 s19;
	s19 =	sadd.s32 $0x10, s19;
	v3 =	vpop (erf)  }
0xb1: {  	[tilespmem:v2+s25+$0x0] =	vst.idx.msk $0xffff, v3  }
0xb2: {  	v2 =	vld [tilespmem:s15+$0x0]  }
0xb3: {  	v3 =	vld [tilespmem:s14+$0x0];
	_ =	sdelay $0x3  }
0xb4: {  	v2 =	vshll.u32 v2, $0x2  }
0xb5: {  	v4 =	vadd.s32 v0, v3;
	v3 =	vshll.u32 v3, $0x2;
	v5 =	vor.u32 $0x2, v2;
	_ =	sdelay $0x3  }
0xb6: {  	[tilespmem:s18+$0x0] =	vst v4  }
0xb7: {  	v4 =	vld.idx.msk [tilespmem:v5+s4+$0x0], $0xffff  }
0xb8: {  	v5 =	vld.idx.msk [tilespmem:v3+s4+$0x0], $0xffff;
	_ =	sdelay $0x5  }
0xb9: {  	v4 =	vadd.f32 v4, v5;
	_ =	sdelay $0x1  }
0xba: {  	v5 =	vmul.f32 $2.000000030e-01, v4;
	_ =	sdelay $0x1  }
0xbb: {  	v4 =	vmax.f32 v4, v5  }
0xbc: {  	v4 =	vmul.f32 $1.442695020e+00, v4;
	_ =	sdelay $0x1  }
0xbd: {  	(erf) = vpow2.f32 v4;
	_ =	sdelay $0x2  }
0xbe: {  	v4 =	vmov s20  }
0xbf: {  	v4 =	vshll.u32 v4, $0x3  }
0xc0: {  	v4 =	vor.u32 v1, v4  }
0xc1: {  	v2 =	vor.u32 $0x3, v2;
	v3 =	vor.u32 $0x1, v3;
	_ =	sdelay $0x2  }
0xc2: {  	v5 =	vpop (erf)  }
0xc3: {  	[tilespmem:v4+s25+$0x0] =	vst.idx.msk $0xffff, v5  }
0xc4: {  	v3 =	vld.idx.msk [tilespmem:v3+s4+$0x0], $0xffff  }
0xc5: {  	v2 =	vld.idx.msk [tilespmem:v2+s4+$0x0], $0xffff;
	_ =	sdelay $0x5  }
0xc6: {  	v2 =	vadd.f32 v2, v3;
	_ =	sdelay $0x1  }
0xc7: {  	v3 =	vmul.f32 $2.000000030e-01, v2;
	_ =	sdelay $0x1  }
0xc8: {  	v2 =	vmax.f32 v2, v3  }
0xc9: {  	v2 =	vmul.f32 $1.442695020e+00, v2;
	_ =	sdelay $0x1  }
.Ltmp3:
0xca: {  	(erf) = vpow2.f32 v2;
	(pc) =	sbr.rel @p0 .LBB2_4-.Ltmp3, $2  }
0xcb: {  	_ =	sdelay $0x2  }
0xcc: {  	v2 =	vor.u32 $0x1, v4  }
0xcd: {  	_ =	sdelay $0x3  }
0xce: {  	v3 =	vpop (erf)  }
0xcf: {  	s14 =	simm.s32 $0x0;
	[tilespmem:v2+s25+$0x0] =	vst.idx.msk $0xffff, v3  }
0xd0: {  	[tilespmem:s31], [sflag:$0x2] =	stream.indirect.gather [hbm4b:s7+s26], $0x40, s30, s26, $0xb8;
	[tilespmem:$0x17AE8] =	vst v63  }
.LBB2_6:
0xd1: {  	_ =	swait.ge [sflag:s0], $0x1400  }
0xd2: {  	[sflag:s0] =	ssyncset.done $0x0  }
0xd3: {  	s15 =	simm.s32 $0xA020;
	s18 =	simm.s32 $0x0;
	[sflag:s0] =	ssyncadd.s32 $0xFFFFEC00  }
.LBB2_7:
0xd4: {  	v2 =	vmov s18  }
0xd5: {  	v2 =	vshll.u32 v2, $0x3  }
0xd6: {  	v2 =	vor.u32 v1, v2;
	_ =	sdelay $0x4  }
0xd7: {  	v3 =	vld.idx.msk [tilespmem:v2+s24+$0x0], $0xffff;
	v2 =	vor.u32 $0x1, v2;
	_ =	sdelay $0x2  }
0xd8: {  	v4 =	vld [tilespmem:s15+$0xFFFFFE00]  }
0xd9: {  	v30 =	vld [tilespmem:s15+$0xFFFFFE10]  }
0xda: {  	v2 =	vld.idx.msk [tilespmem:v2+s24+$0x0], $0xffff  }
0xdb: {  	v5 =	vbroadcast v3, $0x0  }
0xdc: {  	v31 =	vld [tilespmem:s15+$0xFFFFFE20]  }
0xdd: {  	v4 =	vmul.f32 v4, v5  }
0xde: {  	v33 =	vld [tilespmem:s15+$0xFFFFFE30]  }
0xdf: {  	[tilespmem:s15+$0xFFFFFE00] =	vst v4;
	v4 =	vmul.f32 v30, v5;
	v32 =	vbroadcast v2, $0x0  }
0xe0: {  	v34 =	vld [tilespmem:s15+$0xFFFFFE40]  }
0xe1: {  	[tilespmem:s15+$0xFFFFFE10] =	vst v4;
	v4 =	vmul.f32 v31, v32  }
0xe2: {  	v36 =	vld [tilespmem:s15+$0xFFFFFE50]  }
0xe3: {  	v35 =	vbroadcast v3, $0x1;
	[tilespmem:s15+$0xFFFFFE20] =	vst v4;
	v4 =	vmul.f32 v33, v32  }
0xe4: {  	v37 =	vld [tilespmem:s15+$0xFFFFFE60]  }
0xe5: {  	[tilespmem:s15+$0xFFFFFE30] =	vst v4;
	v4 =	vmul.f32 v34, v35  }
0xe6: {  	v39 =	vld [tilespmem:s15+$0xFFFFFE70]  }
0xe7: {  	v38 =	vbroadcast v2, $0x1;
	[tilespmem:s15+$0xFFFFFE40] =	vst v4;
	v4 =	vmul.f32 v36, v35  }
0xe8: {  	v40 =	vld [tilespmem:s15+$0xFFFFFE80]  }
0xe9: {  	[tilespmem:s15+$0xFFFFFE50] =	vst v4;
	v4 =	vmul.f32 v37, v38  }
0xea: {  	v42 =	vld [tilespmem:s15+$0xFFFFFE90]  }
0xeb: {  	v41 =	vbroadcast v3, $0x2;
	[tilespmem:s15+$0xFFFFFE60] =	vst v4;
	v4 =	vmul.f32 v39, v38  }
0xec: {  	v43 =	vld [tilespmem:s15+$0xFFFFFEA0]  }
0xed: {  	[tilespmem:s15+$0xFFFFFE70] =	vst v4;
	v4 =	vmul.f32 v40, v41  }
0xee: {  	v45 =	vld [tilespmem:s15+$0xFFFFFEB0]  }
0xef: {  	v44 =	vbroadcast v2, $0x2;
	[tilespmem:s15+$0xFFFFFE80] =	vst v4;
	v4 =	vmul.f32 v42, v41  }
0xf0: {  	v46 =	vld [tilespmem:s15+$0xFFFFFEC0]  }
0xf1: {  	[tilespmem:s15+$0xFFFFFE90] =	vst v4;
	v4 =	vmul.f32 v43, v44  }
0xf2: {  	v48 =	vld [tilespmem:s15+$0xFFFFFED0]  }
0xf3: {  	v47 =	vbroadcast v3, $0x3;
	[tilespmem:s15+$0xFFFFFEA0] =	vst v4;
	v4 =	vmul.f32 v45, v44  }
0xf4: {  	v49 =	vld [tilespmem:s15+$0xFFFFFEE0]  }
0xf5: {  	[tilespmem:s15+$0xFFFFFEB0] =	vst v4;
	v4 =	vmul.f32 v46, v47  }
0xf6: {  	v51 =	vld [tilespmem:s15+$0xFFFFFEF0]  }
0xf7: {  	v50 =	vbroadcast v2, $0x3;
	[tilespmem:s15+$0xFFFFFEC0] =	vst v4;
	v4 =	vmul.f32 v48, v47  }
0xf8: {  	v52 =	vld [tilespmem:s15+$0xFFFFFF00]  }
0xf9: {  	[tilespmem:s15+$0xFFFFFED0] =	vst v4;
	v4 =	vmul.f32 v49, v50  }
0xfa: {  	v54 =	vld [tilespmem:s15+$0xFFFFFF10]  }
0xfb: {  	v53 =	vbroadcast v3, $0x4;
	[tilespmem:s15+$0xFFFFFEE0] =	vst v4;
	v4 =	vmul.f32 v51, v50  }
0xfc: {  	v55 =	vld [tilespmem:s15+$0xFFFFFF20]  }
0xfd: {  	[tilespmem:s15+$0xFFFFFEF0] =	vst v4;
	v4 =	vmul.f32 v52, v53  }
0xfe: {  	v57 =	vld [tilespmem:s15+$0xFFFFFF30]  }
0xff: {  	v56 =	vbroadcast v2, $0x4;
	[tilespmem:s15+$0xFFFFFF00] =	vst v4;
	v4 =	vmul.f32 v54, v53  }
0x100: {  	v58 =	vld [tilespmem:s15+$0xFFFFFF40]  }
0x101: {  	[tilespmem:s15+$0xFFFFFF10] =	vst v4;
	v4 =	vmul.f32 v55, v56  }
0x102: {  	v60 =	vld [tilespmem:s15+$0xFFFFFF50]  }
0x103: {  	v59 =	vbroadcast v3, $0x5;
	[tilespmem:s15+$0xFFFFFF20] =	vst v4;
	v4 =	vmul.f32 v57, v56  }
0x104: {  	v61 =	vld [tilespmem:s15+$0xFFFFFF60]  }
0x105: {  	[tilespmem:s15+$0xFFFFFF30] =	vst v4;
	v4 =	vmul.f32 v58, v59  }
0x106: {  	v63 =	vld [tilespmem:s15+$0xFFFFFF70]  }
0x107: {  	v62 =	vbroadcast v2, $0x5;
	[tilespmem:s15+$0xFFFFFF40] =	vst v4;
	v4 =	vmul.f32 v60, v59  }
0x108: {  	v8 =	vld [tilespmem:s15+$0xFFFFFF80]  }
0x109: {  	[tilespmem:s15+$0xFFFFFF50] =	vst v4;
	v4 =	vmul.f32 v61, v62  }
0x10a: {  	v10 =	vld [tilespmem:s15+$0xFFFFFF90]  }
0x10b: {  	v9 =	vbroadcast v3, $0x6;
	[tilespmem:s15+$0xFFFFFF60] =	vst v4;
	v4 =	vmul.f32 v63, v62  }
0x10c: {  	v11 =	vld [tilespmem:s15+$0xFFFFFFA0]  }
0x10d: {  	[tilespmem:s15+$0xFFFFFF70] =	vst v4;
	v4 =	vmul.f32 v8, v9  }
0x10e: {  	v13 =	vld [tilespmem:s15+$0xFFFFFFB0]  }
0x10f: {  	v12 =	vbroadcast v2, $0x6;
	[tilespmem:s15+$0xFFFFFF80] =	vst v4;
	v4 =	vmul.f32 v10, v9  }
0x110: {  	v14 =	vld [tilespmem:s15+$0xFFFFFFC0]  }
0x111: {  	[tilespmem:s15+$0xFFFFFF90] =	vst v4;
	v4 =	vmul.f32 v11, v12  }
0x112: {  	v16 =	vld [tilespmem:s15+$0xFFFFFFD0]  }
0x113: {  	v15 =	vbroadcast v3, $0x7;
	[tilespmem:s15+$0xFFFFFFA0] =	vst v4;
	v4 =	vmul.f32 v13, v12  }
0x114: {  	v17 =	vld [tilespmem:s15+$0xFFFFFFE0]  }
0x115: {  	[tilespmem:s15+$0xFFFFFFB0] =	vst v4;
	v4 =	vmul.f32 v14, v15  }
0x116: {  	v19 =	vld [tilespmem:s15+$0xFFFFFFF0]  }
0x117: {  	v18 =	vbroadcast v2, $0x7;
	[tilespmem:s15+$0xFFFFFFC0] =	vst v4;
	v4 =	vmul.f32 v16, v15  }
0x118: {  	v20 =	vld [tilespmem:s15+$0x0]  }
0x119: {  	[tilespmem:s15+$0xFFFFFFD0] =	vst v4;
	v4 =	vmul.f32 v17, v18  }
0x11a: {  	v22 =	vld [tilespmem:s15+$0x10]  }
0x11b: {  	v21 =	vbroadcast v3, $0x8;
	[tilespmem:s15+$0xFFFFFFE0] =	vst v4;
	v4 =	vmul.f32 v19, v18  }
0x11c: {  	v23 =	vld [tilespmem:s15+$0x20]  }
0x11d: {  	[tilespmem:s15+$0xFFFFFFF0] =	vst v4;
	v4 =	vmul.f32 v20, v21  }
0x11e: {  	v25 =	vld [tilespmem:s15+$0x30]  }
0x11f: {  	v24 =	vbroadcast v2, $0x8;
	[tilespmem:s15+$0x0] =	vst v4;
	v4 =	vmul.f32 v22, v21  }
0x120: {  	v26 =	vld [tilespmem:s15+$0x40]  }
0x121: {  	[tilespmem:s15+$0x10] =	vst v4;
	v4 =	vmul.f32 v23, v24  }
0x122: {  	v28 =	vld [tilespmem:s15+$0x50]  }
0x123: {  	v27 =	vbroadcast v3, $0x9;
	[tilespmem:s15+$0x20] =	vst v4;
	v4 =	vmul.f32 v25, v24  }
0x124: {  	v29 =	vld [tilespmem:s15+$0x60]  }
0x125: {  	[tilespmem:s15+$0x30] =	vst v4;
	v4 =	vmul.f32 v26, v27  }
0x126: {  	v31 =	vld [tilespmem:s15+$0x70]  }
0x127: {  	v30 =	vbroadcast v2, $0x9;
	[tilespmem:s15+$0x40] =	vst v4;
	v4 =	vmul.f32 v28, v27  }
0x128: {  	v32 =	vld [tilespmem:s15+$0x80]  }
0x129: {  	[tilespmem:s15+$0x50] =	vst v4;
	v4 =	vmul.f32 v29, v30  }
0x12a: {  	v34 =	vld [tilespmem:s15+$0x90]  }
0x12b: {  	v33 =	vbroadcast v3, $0xA;
	[tilespmem:s15+$0x60] =	vst v4;
	v4 =	vmul.f32 v31, v30  }
0x12c: {  	v35 =	vld [tilespmem:s15+$0xA0]  }
0x12d: {  	[tilespmem:s15+$0x70] =	vst v4;
	v4 =	vmul.f32 v32, v33  }
0x12e: {  	v37 =	vld [tilespmem:s15+$0xB0]  }
0x12f: {  	v36 =	vbroadcast v2, $0xA;
	[tilespmem:s15+$0x80] =	vst v4;
	v4 =	vmul.f32 v34, v33  }
0x130: {  	v38 =	vld [tilespmem:s15+$0xC0]  }
0x131: {  	[tilespmem:s15+$0x90] =	vst v4;
	v4 =	vmul.f32 v35, v36  }
0x132: {  	v40 =	vld [tilespmem:s15+$0xD0]  }
0x133: {  	v39 =	vbroadcast v3, $0xB;
	[tilespmem:s15+$0xA0] =	vst v4;
	v4 =	vmul.f32 v37, v36  }
0x134: {  	v41 =	vld [tilespmem:s15+$0xE0]  }
0x135: {  	[tilespmem:s15+$0xB0] =	vst v4;
	v4 =	vmul.f32 v38, v39  }
0x136: {  	v43 =	vld [tilespmem:s15+$0xF0]  }
0x137: {  	v42 =	vbroadcast v2, $0xB;
	[tilespmem:s15+$0xC0] =	vst v4;
	v4 =	vmul.f32 v40, v39  }
0x138: {  	v44 =	vld [tilespmem:s15+$0x100]  }
0x139: {  	[tilespmem:s15+$0xD0] =	vst v4;
	v4 =	vmul.f32 v41, v42  }
0x13a: {  	v46 =	vld [tilespmem:s15+$0x110]  }
0x13b: {  	v45 =	vbroadcast v3, $0xC;
	[tilespmem:s15+$0xE0] =	vst v4;
	v4 =	vmul.f32 v43, v42  }
0x13c: {  	v47 =	vld [tilespmem:s15+$0x120]  }
0x13d: {  	[tilespmem:s15+$0xF0] =	vst v4;
	v4 =	vmul.f32 v44, v45  }
0x13e: {  	v49 =	vld [tilespmem:s15+$0x130]  }
0x13f: {  	v48 =	vbroadcast v2, $0xC;
	[tilespmem:s15+$0x100] =	vst v4;
	v4 =	vmul.f32 v46, v45  }
0x140: {  	v50 =	vld [tilespmem:s15+$0x140]  }
0x141: {  	[tilespmem:s15+$0x110] =	vst v4;
	v4 =	vmul.f32 v47, v48  }
0x142: {  	v52 =	vld [tilespmem:s15+$0x150]  }
0x143: {  	v51 =	vbroadcast v3, $0xD;
	[tilespmem:s15+$0x120] =	vst v4;
	v4 =	vmul.f32 v49, v48  }
0x144: {  	v53 =	vld [tilespmem:s15+$0x160]  }
0x145: {  	[tilespmem:s15+$0x130] =	vst v4;
	v4 =	vmul.f32 v50, v51  }
0x146: {  	v55 =	vld [tilespmem:s15+$0x170]  }
0x147: {  	v54 =	vbroadcast v2, $0xD;
	[tilespmem:s15+$0x140] =	vst v4;
	v4 =	vmul.f32 v52, v51  }
0x148: {  	v56 =	vld [tilespmem:s15+$0x180]  }
0x149: {  	[tilespmem:s15+$0x150] =	vst v4;
	v4 =	vmul.f32 v53, v54  }
0x14a: {  	v58 =	vld [tilespmem:s15+$0x190]  }
0x14b: {  	v57 =	vbroadcast v3, $0xE;
	[tilespmem:s15+$0x160] =	vst v4;
	v4 =	vmul.f32 v55, v54  }
0x14c: {  	v59 =	vld [tilespmem:s15+$0x1A0]  }
0x14d: {  	[tilespmem:s15+$0x170] =	vst v4;
	v4 =	vmul.f32 v56, v57  }
0x14e: {  	v61 =	vld [tilespmem:s15+$0x1B0]  }
0x14f: {  	v60 =	vbroadcast v2, $0xE;
	v62 =	vld [tilespmem:s15+$0x1C0];
	[tilespmem:s15+$0x180] =	vst v4;
	v4 =	vmul.f32 v58, v57  }
0x150: {  	v63 =	vld [tilespmem:s15+$0x1D0]  }
0x151: {  	[tilespmem:s15+$0x190] =	vst v4;
	v4 =	vmul.f32 v59, v60;
	_ =	sdelay $0x1  }
0x152: {  	v3 =	vbroadcast v3, $0xF;
	[tilespmem:s15+$0x1A0] =	vst v4;
	v4 =	vmul.f32 v61, v60;
	_ =	sdelay $0x1  }
0x153: {  	[tilespmem:s15+$0x1B0] =	vst v4;
	v4 =	vmul.f32 v62, v3;
	v3 =	vmul.f32 v63, v3;
	_ =	sdelay $0x1  }
0x154: {  	[tilespmem:s15+$0x1D0] =	vst v3;
	v3 =	vld [tilespmem:s15+$0x1E0];
	_ =	sdelay $0x2  }
0x155: {  	v2 =	vbroadcast v2, $0xF;
	_ =	sdelay $0x1  }
0x156: {  	v3 =	vmul.f32 v3, v2;
	_ =	sdelay $0x1  }
0x157: {  	[tilespmem:s15+$0x1E0] =	vst v3;
	v3 =	vld [tilespmem:s15+$0x1F0];
	_ =	sdelay $0x1  }
0x158: {  	p0 =	sne.s32 s18, $0x40  }
.Ltmp4:
0x159: {  	_ = 	snop;
	(pc) =	sbr.rel @p0 .LBB2_7-.Ltmp4, $4  }
0x15a: {  	_ = 	snop  }
0x15b: {  	v2 =	vmul.f32 v3, v2  }
0x15c: {  	[tilespmem:s15+$0x1C0] =	vst v4  }
0x15d: {  	s18 =	sadd.s32 $0x10, s18;
	[tilespmem:s15+$0x1F0] =	vst v2;
	s15 =	sadd.s32 $0x400, s15  }
0x15e: {  	[spmem:s1] =	stream.indirect.scatter.add.f32 [tilespmem:s29], [sflag:$0x3], $0x40, s3, s26, $0xb8;
	[tilespmem:$0x17AE8] =	vst v63  }
0x15f: {  	_ =	swait.ge [sflag:s22], $0x1400  }
0x160: {  	p0 =	seq.s32 s14, $0x7C;
	[sflag:s22] =	ssyncset.done $0x0  }
.Ltmp5:
0x161: {  	[sflag:s22] =	ssyncadd.s32 $0xFFFFEC00;
	(pc) =	sbr.rel @p0 .LBB2_12-.Ltmp5, $4  }
0x162: {  	[spmem:s2] =	stream.indirect.scatter.add.f32 [tilespmem:s24], [sflag:$0x3], $0x8, s3, s26, $0xb8;
	[tilespmem:$0x17AE8] =	vst v63  }
0x163: {  	_ =	swait.ge [sflag:s22], $0x280  }
0x164: {  	[sflag:s22] =	ssyncset.done $0x0  }
0x165: {  	[sflag:s22] =	ssyncadd.s32 $0xFFFFFD80  }
0x166: {  	s15 =	smul.u32 $0xA0, s14;
	_ =	sdelay $0x1  }
0x167: {  	s15 =	sadd.s32 s15, s16  }
0x168: {  	s18 =	sshrl.u32 s15, $0x3  }
0x169: {  	s20 =	simm.s32 $0x0;
	s15 =	simm.s32 $0x9C40;
	s19 =	sadd.s32 s5, s18  }
0x16a: {  	[tilespmem:s15], [sflag:$0x3] =	stream.linear.gather [hbm4b:s19+s20], $0x50, $0x38;
	[tilespmem:$0x17AE8] =	vst v63  }
0x16b: {  	_ =	swait.ge [sflag:s22], $0x50  }
0x16c: {  	[sflag:s22] =	ssyncset.done $0x0  }
0x16d: {  	s21 =	sadd.s32 s6, s18;
	s18 =	simm.s32 $0x9CE0;
	[sflag:s22] =	ssyncadd.s32 $0xFFFFFFB0  }
0x16e: {  	[tilespmem:s18], [sflag:$0x3] =	stream.linear.gather [hbm4b:s21+s20], $0x50, $0x38;
	[tilespmem:$0x17AE8] =	vst v63  }
0x16f: {  	_ =	swait.ge [sflag:s22], $0x50  }
0x170: {  	[sflag:s22] =	ssyncset.done $0x0  }
0x171: {  	[sflag:s22] =	ssyncadd.s32 $0xFFFFFFB0  }
0x172: {  	v2 =	vld [tilespmem:s18+$0x0]  }
0x173: {  	v3 =	vld [tilespmem:s15+$0x0];
	_ =	sdelay $0x4  }
0x174: {  	v2 =	vshll.u32 v2, $0x2;
	v5 =	vshll.u32 v3, $0x2  }
0x175: {  	v4 =	vor.u32 $0x2, v2;
	_ =	sdelay $0x1  }
0x176: {  	s19 =	simm.s32 $0x9D80;
	v3 =	vadd.s32 v0, v3  }
0x177: {  	[tilespmem:s19+$0x0] =	vst v3  }
0x178: {  	v61 =	vld.idx.msk [tilespmem:v5+s4+$0x0], $0xffff  }
0x179: {  	v3 =	vld.idx.msk [tilespmem:v4+s4+$0x0], $0xffff;
	_ =	sdelay $0x4  }
0x17a: {  	v3 =	vadd.f32 v3, v61;
	_ =	sdelay $0x1  }
0x17b: {  	v4 =	vmul.f32 $2.000000030e-01, v3;
	_ =	sdelay $0x1  }
0x17c: {  	v3 =	vmax.f32 v3, v4  }
0x17d: {  	v3 =	vmul.f32 $1.442695020e+00, v3;
	_ =	sdelay $0x1  }
0x17e: {  	(erf) = vpow2.f32 v3;
	_ =	sdelay $0x2  }
0x17f: {  	v3 =	vmov s20  }
0x180: {  	v3 =	vshll.u32 v3, $0x3  }
0x181: {  	v3 =	vor.u32 v1, v3  }
0x182: {  	v62 =	vor.u32 $0x1, v5  }
0x183: {  	v2 =	vor.u32 $0x3, v2;
	_ =	sdelay $0x1  }
0x184: {  	v63 =	vpop (erf)  }
0x185: {  	[tilespmem:v3+s24+$0x0] =	vst.idx.msk $0xffff, v63  }
0x186: {  	v4 =	vld.idx.msk [tilespmem:v62+s4+$0x0], $0xffff  }
0x187: {  	v2 =	vld.idx.msk [tilespmem:v2+s4+$0x0], $0xffff;
	_ =	sdelay $0x4  }
0x188: {  	v2 =	vadd.f32 v2, v4;
	_ =	sdelay $0x1  }
0x189: {  	v4 =	vmul.f32 $2.000000030e-01, v2;
	_ =	sdelay $0x1  }
0x18a: {  	v2 =	vmax.f32 v2, v4  }
0x18b: {  	v2 =	vmul.f32 $1.442695020e+00, v2;
	_ =	sdelay $0x1  }
0x18c: {  	(erf) = vpow2.f32 v2;
	_ =	sdelay $0x3  }
0x18d: {  	s20 =	simm.s32 $0x10;
	v2 =	vor.u32 $0x1, v3  }
.LBB2_10:
0x18e: {  	_ =	sdelay $0x2  }
0x18f: {  	s15 =	sadd.s32 $0x10, s15;
	s18 =	sadd.s32 $0x10, s18;
	s19 =	sadd.s32 $0x10, s19  }
0x190: {  	p1 =	sne.s32 s20, $0x40;
	s21 =	smov.u32 s20;
	s20 =	sadd.s32 $0x10, s20;
	v3 =	vpop (erf)  }
0x191: {  	[tilespmem:v2+s24+$0x0] =	vst.idx.msk $0xffff, v3  }
0x192: {  	v2 =	vld [tilespmem:s18+$0x0]  }
0x193: {  	v3 =	vld [tilespmem:s15+$0x0];
	_ =	sdelay $0x3  }
0x194: {  	v2 =	vshll.u32 v2, $0x2  }
0x195: {  	v4 =	vadd.s32 v0, v3;
	v3 =	vshll.u32 v3, $0x2;
	v5 =	vor.u32 $0x2, v2;
	_ =	sdelay $0x3  }
0x196: {  	[tilespmem:s19+$0x0] =	vst v4  }
0x197: {  	v4 =	vld.idx.msk [tilespmem:v5+s4+$0x0], $0xffff  }
0x198: {  	v5 =	vld.idx.msk [tilespmem:v3+s4+$0x0], $0xffff;
	_ =	sdelay $0x5  }
0x199: {  	v4 =	vadd.f32 v4, v5;
	_ =	sdelay $0x1  }
0x19a: {  	v5 =	vmul.f32 $2.000000030e-01, v4;
	_ =	sdelay $0x1  }
0x19b: {  	v4 =	vmax.f32 v4, v5  }
0x19c: {  	v4 =	vmul.f32 $1.442695020e+00, v4;
	_ =	sdelay $0x1  }
0x19d: {  	(erf) = vpow2.f32 v4;
	_ =	sdelay $0x2  }
0x19e: {  	v4 =	vmov s21  }
0x19f: {  	v4 =	vshll.u32 v4, $0x3  }
0x1a0: {  	v4 =	vor.u32 v1, v4  }
0x1a1: {  	v2 =	vor.u32 $0x3, v2;
	v3 =	vor.u32 $0x1, v3;
	_ =	sdelay $0x2  }
0x1a2: {  	v5 =	vpop (erf)  }
0x1a3: {  	[tilespmem:v4+s24+$0x0] =	vst.idx.msk $0xffff, v5  }
0x1a4: {  	v3 =	vld.idx.msk [tilespmem:v3+s4+$0x0], $0xffff  }
0x1a5: {  	v2 =	vld.idx.msk [tilespmem:v2+s4+$0x0], $0xffff;
	_ =	sdelay $0x5  }
0x1a6: {  	v2 =	vadd.f32 v2, v3;
	_ =	sdelay $0x1  }
0x1a7: {  	v3 =	vmul.f32 $2.000000030e-01, v2;
	_ =	sdelay $0x1  }
0x1a8: {  	v2 =	vmax.f32 v2, v3  }
0x1a9: {  	v2 =	vmul.f32 $1.442695020e+00, v2;
	_ =	sdelay $0x1  }
.Ltmp6:
0x1aa: {  	(erf) = vpow2.f32 v2;
	(pc) =	sbr.rel @p1 .LBB2_10-.Ltmp6, $2  }
0x1ab: {  	_ =	sdelay $0x2  }
0x1ac: {  	v2 =	vor.u32 $0x1, v4  }
0x1ad: {  	_ =	sdelay $0x3  }
0x1ae: {  	v3 =	vpop (erf)  }
0x1af: {  	[tilespmem:v2+s24+$0x0] =	vst.idx.msk $0xffff, v3  }
0x1b0: {  	[tilespmem:s29], [sflag:$0x1] =	stream.indirect.gather [hbm4b:s7+s26], $0x40, s28, s26, $0xb8;
	[tilespmem:$0x17AE8] =	vst v63  }
.LBB2_12:
0x1b1: {  	_ =	swait.ge [sflag:s8], $0x1400  }
0x1b2: {  	[sflag:s8] =	ssyncset.done $0x0  }
0x1b3: {  	s15 =	simm.s32 $0x0;
	s18 =	simm.s32 $0xB420;
	[sflag:s8] =	ssyncadd.s32 $0xFFFFEC00  }
.LBB2_13:
0x1b4: {  	v2 =	vmov s15  }
0x1b5: {  	v2 =	vshll.u32 v2, $0x3  }
0x1b6: {  	v2 =	vor.u32 v1, v2;
	_ =	sdelay $0x4  }
0x1b7: {  	v3 =	vld.idx.msk [tilespmem:v2+s25+$0x0], $0xffff;
	v2 =	vor.u32 $0x1, v2;
	_ =	sdelay $0x2  }
0x1b8: {  	v4 =	vld [tilespmem:s18+$0xFFFFFE00]  }
0x1b9: {  	v30 =	vld [tilespmem:s18+$0xFFFFFE10]  }
0x1ba: {  	v2 =	vld.idx.msk [tilespmem:v2+s25+$0x0], $0xffff  }
0x1bb: {  	v5 =	vbroadcast v3, $0x0  }
0x1bc: {  	v31 =	vld [tilespmem:s18+$0xFFFFFE20]  }
0x1bd: {  	v4 =	vmul.f32 v4, v5  }
0x1be: {  	v33 =	vld [tilespmem:s18+$0xFFFFFE30]  }
0x1bf: {  	[tilespmem:s18+$0xFFFFFE00] =	vst v4;
	v4 =	vmul.f32 v30, v5;
	v32 =	vbroadcast v2, $0x0  }
0x1c0: {  	v34 =	vld [tilespmem:s18+$0xFFFFFE40]  }
0x1c1: {  	[tilespmem:s18+$0xFFFFFE10] =	vst v4;
	v4 =	vmul.f32 v31, v32  }
0x1c2: {  	v36 =	vld [tilespmem:s18+$0xFFFFFE50]  }
0x1c3: {  	v35 =	vbroadcast v3, $0x1;
	[tilespmem:s18+$0xFFFFFE20] =	vst v4;
	v4 =	vmul.f32 v33, v32  }
0x1c4: {  	v37 =	vld [tilespmem:s18+$0xFFFFFE60]  }
0x1c5: {  	[tilespmem:s18+$0xFFFFFE30] =	vst v4;
	v4 =	vmul.f32 v34, v35  }
0x1c6: {  	v39 =	vld [tilespmem:s18+$0xFFFFFE70]  }
0x1c7: {  	v38 =	vbroadcast v2, $0x1;
	[tilespmem:s18+$0xFFFFFE40] =	vst v4;
	v4 =	vmul.f32 v36, v35  }
0x1c8: {  	v40 =	vld [tilespmem:s18+$0xFFFFFE80]  }
0x1c9: {  	[tilespmem:s18+$0xFFFFFE50] =	vst v4;
	v4 =	vmul.f32 v37, v38  }
0x1ca: {  	v42 =	vld [tilespmem:s18+$0xFFFFFE90]  }
0x1cb: {  	v41 =	vbroadcast v3, $0x2;
	[tilespmem:s18+$0xFFFFFE60] =	vst v4;
	v4 =	vmul.f32 v39, v38  }
0x1cc: {  	v43 =	vld [tilespmem:s18+$0xFFFFFEA0]  }
0x1cd: {  	[tilespmem:s18+$0xFFFFFE70] =	vst v4;
	v4 =	vmul.f32 v40, v41  }
0x1ce: {  	v45 =	vld [tilespmem:s18+$0xFFFFFEB0]  }
0x1cf: {  	v44 =	vbroadcast v2, $0x2;
	[tilespmem:s18+$0xFFFFFE80] =	vst v4;
	v4 =	vmul.f32 v42, v41  }
0x1d0: {  	v46 =	vld [tilespmem:s18+$0xFFFFFEC0]  }
0x1d1: {  	[tilespmem:s18+$0xFFFFFE90] =	vst v4;
	v4 =	vmul.f32 v43, v44  }
0x1d2: {  	v48 =	vld [tilespmem:s18+$0xFFFFFED0]  }
0x1d3: {  	v47 =	vbroadcast v3, $0x3;
	[tilespmem:s18+$0xFFFFFEA0] =	vst v4;
	v4 =	vmul.f32 v45, v44  }
0x1d4: {  	v49 =	vld [tilespmem:s18+$0xFFFFFEE0]  }
0x1d5: {  	[tilespmem:s18+$0xFFFFFEB0] =	vst v4;
	v4 =	vmul.f32 v46, v47  }
0x1d6: {  	v51 =	vld [tilespmem:s18+$0xFFFFFEF0]  }
0x1d7: {  	v50 =	vbroadcast v2, $0x3;
	[tilespmem:s18+$0xFFFFFEC0] =	vst v4;
	v4 =	vmul.f32 v48, v47  }
0x1d8: {  	v52 =	vld [tilespmem:s18+$0xFFFFFF00]  }
0x1d9: {  	[tilespmem:s18+$0xFFFFFED0] =	vst v4;
	v4 =	vmul.f32 v49, v50  }
0x1da: {  	v54 =	vld [tilespmem:s18+$0xFFFFFF10]  }
0x1db: {  	v53 =	vbroadcast v3, $0x4;
	[tilespmem:s18+$0xFFFFFEE0] =	vst v4;
	v4 =	vmul.f32 v51, v50  }
0x1dc: {  	v55 =	vld [tilespmem:s18+$0xFFFFFF20]  }
0x1dd: {  	[tilespmem:s18+$0xFFFFFEF0] =	vst v4;
	v4 =	vmul.f32 v52, v53  }
0x1de: {  	v57 =	vld [tilespmem:s18+$0xFFFFFF30]  }
0x1df: {  	v56 =	vbroadcast v2, $0x4;
	[tilespmem:s18+$0xFFFFFF00] =	vst v4;
	v4 =	vmul.f32 v54, v53  }
0x1e0: {  	v58 =	vld [tilespmem:s18+$0xFFFFFF40]  }
0x1e1: {  	[tilespmem:s18+$0xFFFFFF10] =	vst v4;
	v4 =	vmul.f32 v55, v56  }
0x1e2: {  	v60 =	vld [tilespmem:s18+$0xFFFFFF50]  }
0x1e3: {  	v59 =	vbroadcast v3, $0x5;
	[tilespmem:s18+$0xFFFFFF20] =	vst v4;
	v4 =	vmul.f32 v57, v56  }
0x1e4: {  	v61 =	vld [tilespmem:s18+$0xFFFFFF60]  }
0x1e5: {  	[tilespmem:s18+$0xFFFFFF30] =	vst v4;
	v4 =	vmul.f32 v58, v59  }
0x1e6: {  	v63 =	vld [tilespmem:s18+$0xFFFFFF70]  }
0x1e7: {  	v62 =	vbroadcast v2, $0x5;
	[tilespmem:s18+$0xFFFFFF40] =	vst v4;
	v4 =	vmul.f32 v60, v59  }
0x1e8: {  	v8 =	vld [tilespmem:s18+$0xFFFFFF80]  }
0x1e9: {  	[tilespmem:s18+$0xFFFFFF50] =	vst v4;
	v4 =	vmul.f32 v61, v62  }
0x1ea: {  	v10 =	vld [tilespmem:s18+$0xFFFFFF90]  }
0x1eb: {  	v9 =	vbroadcast v3, $0x6;
	[tilespmem:s18+$0xFFFFFF60] =	vst v4;
	v4 =	vmul.f32 v63, v62  }
0x1ec: {  	v11 =	vld [tilespmem:s18+$0xFFFFFFA0]  }
0x1ed: {  	[tilespmem:s18+$0xFFFFFF70] =	vst v4;
	v4 =	vmul.f32 v8, v9  }
0x1ee: {  	v13 =	vld [tilespmem:s18+$0xFFFFFFB0]  }
0x1ef: {  	v12 =	vbroadcast v2, $0x6;
	[tilespmem:s18+$0xFFFFFF80] =	vst v4;
	v4 =	vmul.f32 v10, v9  }
0x1f0: {  	v14 =	vld [tilespmem:s18+$0xFFFFFFC0]  }
0x1f1: {  	[tilespmem:s18+$0xFFFFFF90] =	vst v4;
	v4 =	vmul.f32 v11, v12  }
0x1f2: {  	v16 =	vld [tilespmem:s18+$0xFFFFFFD0]  }
0x1f3: {  	v15 =	vbroadcast v3, $0x7;
	[tilespmem:s18+$0xFFFFFFA0] =	vst v4;
	v4 =	vmul.f32 v13, v12  }
0x1f4: {  	v17 =	vld [tilespmem:s18+$0xFFFFFFE0]  }
0x1f5: {  	[tilespmem:s18+$0xFFFFFFB0] =	vst v4;
	v4 =	vmul.f32 v14, v15  }
0x1f6: {  	v19 =	vld [tilespmem:s18+$0xFFFFFFF0]  }
0x1f7: {  	v18 =	vbroadcast v2, $0x7;
	[tilespmem:s18+$0xFFFFFFC0] =	vst v4;
	v4 =	vmul.f32 v16, v15  }
0x1f8: {  	v20 =	vld [tilespmem:s18+$0x0]  }
0x1f9: {  	[tilespmem:s18+$0xFFFFFFD0] =	vst v4;
	v4 =	vmul.f32 v17, v18  }
0x1fa: {  	v22 =	vld [tilespmem:s18+$0x10]  }
0x1fb: {  	v21 =	vbroadcast v3, $0x8;
	[tilespmem:s18+$0xFFFFFFE0] =	vst v4;
	v4 =	vmul.f32 v19, v18  }
0x1fc: {  	v23 =	vld [tilespmem:s18+$0x20]  }
0x1fd: {  	[tilespmem:s18+$0xFFFFFFF0] =	vst v4;
	v4 =	vmul.f32 v20, v21  }
0x1fe: {  	v25 =	vld [tilespmem:s18+$0x30]  }
0x1ff: {  	v24 =	vbroadcast v2, $0x8;
	[tilespmem:s18+$0x0] =	vst v4;
	v4 =	vmul.f32 v22, v21  }
0x200: {  	v26 =	vld [tilespmem:s18+$0x40]  }
0x201: {  	[tilespmem:s18+$0x10] =	vst v4;
	v4 =	vmul.f32 v23, v24  }
0x202: {  	v28 =	vld [tilespmem:s18+$0x50]  }
0x203: {  	v27 =	vbroadcast v3, $0x9;
	[tilespmem:s18+$0x20] =	vst v4;
	v4 =	vmul.f32 v25, v24  }
0x204: {  	v29 =	vld [tilespmem:s18+$0x60]  }
0x205: {  	[tilespmem:s18+$0x30] =	vst v4;
	v4 =	vmul.f32 v26, v27  }
0x206: {  	v31 =	vld [tilespmem:s18+$0x70]  }
0x207: {  	v30 =	vbroadcast v2, $0x9;
	[tilespmem:s18+$0x40] =	vst v4;
	v4 =	vmul.f32 v28, v27  }
0x208: {  	v32 =	vld [tilespmem:s18+$0x80]  }
0x209: {  	[tilespmem:s18+$0x50] =	vst v4;
	v4 =	vmul.f32 v29, v30  }
0x20a: {  	v34 =	vld [tilespmem:s18+$0x90]  }
0x20b: {  	v33 =	vbroadcast v3, $0xA;
	[tilespmem:s18+$0x60] =	vst v4;
	v4 =	vmul.f32 v31, v30  }
0x20c: {  	v35 =	vld [tilespmem:s18+$0xA0]  }
0x20d: {  	[tilespmem:s18+$0x70] =	vst v4;
	v4 =	vmul.f32 v32, v33  }
0x20e: {  	v37 =	vld [tilespmem:s18+$0xB0]  }
0x20f: {  	v36 =	vbroadcast v2, $0xA;
	[tilespmem:s18+$0x80] =	vst v4;
	v4 =	vmul.f32 v34, v33  }
0x210: {  	v38 =	vld [tilespmem:s18+$0xC0]  }
0x211: {  	[tilespmem:s18+$0x90] =	vst v4;
	v4 =	vmul.f32 v35, v36  }
0x212: {  	v40 =	vld [tilespmem:s18+$0xD0]  }
0x213: {  	v39 =	vbroadcast v3, $0xB;
	[tilespmem:s18+$0xA0] =	vst v4;
	v4 =	vmul.f32 v37, v36  }
0x214: {  	v41 =	vld [tilespmem:s18+$0xE0]  }
0x215: {  	[tilespmem:s18+$0xB0] =	vst v4;
	v4 =	vmul.f32 v38, v39  }
0x216: {  	v43 =	vld [tilespmem:s18+$0xF0]  }
0x217: {  	v42 =	vbroadcast v2, $0xB;
	[tilespmem:s18+$0xC0] =	vst v4;
	v4 =	vmul.f32 v40, v39  }
0x218: {  	v44 =	vld [tilespmem:s18+$0x100]  }
0x219: {  	[tilespmem:s18+$0xD0] =	vst v4;
	v4 =	vmul.f32 v41, v42  }
0x21a: {  	v46 =	vld [tilespmem:s18+$0x110]  }
0x21b: {  	v45 =	vbroadcast v3, $0xC;
	[tilespmem:s18+$0xE0] =	vst v4;
	v4 =	vmul.f32 v43, v42  }
0x21c: {  	v47 =	vld [tilespmem:s18+$0x120]  }
0x21d: {  	[tilespmem:s18+$0xF0] =	vst v4;
	v4 =	vmul.f32 v44, v45  }
0x21e: {  	v49 =	vld [tilespmem:s18+$0x130]  }
0x21f: {  	v48 =	vbroadcast v2, $0xC;
	[tilespmem:s18+$0x100] =	vst v4;
	v4 =	vmul.f32 v46, v45  }
0x220: {  	v50 =	vld [tilespmem:s18+$0x140]  }
0x221: {  	[tilespmem:s18+$0x110] =	vst v4;
	v4 =	vmul.f32 v47, v48  }
0x222: {  	v52 =	vld [tilespmem:s18+$0x150]  }
0x223: {  	v51 =	vbroadcast v3, $0xD;
	[tilespmem:s18+$0x120] =	vst v4;
	v4 =	vmul.f32 v49, v48  }
0x224: {  	v53 =	vld [tilespmem:s18+$0x160]  }
0x225: {  	[tilespmem:s18+$0x130] =	vst v4;
	v4 =	vmul.f32 v50, v51  }
0x226: {  	v55 =	vld [tilespmem:s18+$0x170]  }
0x227: {  	v54 =	vbroadcast v2, $0xD;
	[tilespmem:s18+$0x140] =	vst v4;
	v4 =	vmul.f32 v52, v51  }
0x228: {  	v56 =	vld [tilespmem:s18+$0x180]  }
0x229: {  	[tilespmem:s18+$0x150] =	vst v4;
	v4 =	vmul.f32 v53, v54  }
0x22a: {  	v58 =	vld [tilespmem:s18+$0x190]  }
0x22b: {  	v57 =	vbroadcast v3, $0xE;
	[tilespmem:s18+$0x160] =	vst v4;
	v4 =	vmul.f32 v55, v54  }
0x22c: {  	v59 =	vld [tilespmem:s18+$0x1A0]  }
0x22d: {  	[tilespmem:s18+$0x170] =	vst v4;
	v4 =	vmul.f32 v56, v57  }
0x22e: {  	v61 =	vld [tilespmem:s18+$0x1B0]  }
0x22f: {  	v60 =	vbroadcast v2, $0xE;
	v62 =	vld [tilespmem:s18+$0x1C0];
	[tilespmem:s18+$0x180] =	vst v4;
	v4 =	vmul.f32 v58, v57  }
0x230: {  	v63 =	vld [tilespmem:s18+$0x1D0]  }
0x231: {  	[tilespmem:s18+$0x190] =	vst v4;
	v4 =	vmul.f32 v59, v60;
	_ =	sdelay $0x1  }
0x232: {  	v3 =	vbroadcast v3, $0xF;
	[tilespmem:s18+$0x1A0] =	vst v4;
	v4 =	vmul.f32 v61, v60;
	_ =	sdelay $0x1  }
0x233: {  	[tilespmem:s18+$0x1B0] =	vst v4;
	v4 =	vmul.f32 v62, v3;
	v3 =	vmul.f32 v63, v3;
	_ =	sdelay $0x1  }
0x234: {  	[tilespmem:s18+$0x1D0] =	vst v3;
	v3 =	vld [tilespmem:s18+$0x1E0];
	_ =	sdelay $0x2  }
0x235: {  	v2 =	vbroadcast v2, $0xF;
	_ =	sdelay $0x1  }
0x236: {  	v3 =	vmul.f32 v3, v2;
	_ =	sdelay $0x1  }
0x237: {  	[tilespmem:s18+$0x1E0] =	vst v3;
	v3 =	vld [tilespmem:s18+$0x1F0];
	_ =	sdelay $0x1  }
0x238: {  	p1 =	sne.s32 s15, $0x40  }
.Ltmp7:
0x239: {  	_ = 	snop;
	(pc) =	sbr.rel @p1 .LBB2_13-.Ltmp7, $4  }
0x23a: {  	_ = 	snop  }
0x23b: {  	v2 =	vmul.f32 v3, v2  }
0x23c: {  	[tilespmem:s18+$0x1C0] =	vst v4  }
0x23d: {  	s15 =	sadd.s32 $0x10, s15;
	[tilespmem:s18+$0x1F0] =	vst v2;
	s18 =	sadd.s32 $0x400, s18  }
0x23e: {  	[spmem:s1] =	stream.indirect.scatter.add.f32 [tilespmem:s31], [sflag:$0x3], $0x40, s10, s26, $0xb8;
	[tilespmem:$0x17AE8] =	vst v63  }
0x23f: {  	_ =	swait.ge [sflag:s22], $0x1400  }
0x240: {  	[sflag:s22] =	ssyncset.done $0x0  }
.Ltmp8:
0x241: {  	[sflag:s22] =	ssyncadd.s32 $0xFFFFEC00;
	(pc) =	sbr.rel @p0 .LBB2_18-.Ltmp8, $4  }
0x242: {  	[spmem:s2] =	stream.indirect.scatter.add.f32 [tilespmem:s25], [sflag:$0x3], $0x8, s10, s26, $0xb8;
	[tilespmem:$0x17AE8] =	vst v63  }
0x243: {  	_ =	swait.ge [sflag:s22], $0x280  }
0x244: {  	[sflag:s22] =	ssyncset.done $0x0  }
0x245: {  	[sflag:s22] =	ssyncadd.s32 $0xFFFFFD80  }
0x246: {  	s15 =	smul.u32 $0xA0, s14;
	_ =	sdelay $0x1  }
0x247: {  	s15 =	sadd.s32 s15, s17  }
0x248: {  	s18 =	sshrl.u32 s15, $0x3  }
0x249: {  	s20 =	simm.s32 $0x0;
	s15 =	simm.s32 $0x9C90;
	s19 =	sadd.s32 s5, s18  }
0x24a: {  	[tilespmem:s15], [sflag:$0x3] =	stream.linear.gather [hbm4b:s19+s20], $0x50, $0x38;
	[tilespmem:$0x17AE8] =	vst v63  }
0x24b: {  	_ =	swait.ge [sflag:s22], $0x50  }
0x24c: {  	[sflag:s22] =	ssyncset.done $0x0  }
0x24d: {  	s21 =	sadd.s32 s6, s18;
	s18 =	simm.s32 $0x9D30;
	[sflag:s22] =	ssyncadd.s32 $0xFFFFFFB0  }
0x24e: {  	[tilespmem:s18], [sflag:$0x3] =	stream.linear.gather [hbm4b:s21+s20], $0x50, $0x38;
	[tilespmem:$0x17AE8] =	vst v63  }
0x24f: {  	_ =	swait.ge [sflag:s22], $0x50  }
0x250: {  	[sflag:s22] =	ssyncset.done $0x0  }
0x251: {  	[sflag:s22] =	ssyncadd.s32 $0xFFFFFFB0  }
0x252: {  	v2 =	vld [tilespmem:s18+$0x0]  }
0x253: {  	v3 =	vld [tilespmem:s15+$0x0];
	_ =	sdelay $0x4  }
0x254: {  	v2 =	vshll.u32 v2, $0x2;
	v5 =	vshll.u32 v3, $0x2  }
0x255: {  	v4 =	vor.u32 $0x2, v2;
	_ =	sdelay $0x1  }
0x256: {  	s19 =	simm.s32 $0x9DD0;
	v3 =	vadd.s32 v0, v3  }
0x257: {  	[tilespmem:s19+$0x0] =	vst v3  }
0x258: {  	v61 =	vld.idx.msk [tilespmem:v5+s4+$0x0], $0xffff  }
0x259: {  	v3 =	vld.idx.msk [tilespmem:v4+s4+$0x0], $0xffff;
	_ =	sdelay $0x4  }
0x25a: {  	v3 =	vadd.f32 v3, v61;
	_ =	sdelay $0x1  }
0x25b: {  	v4 =	vmul.f32 $2.000000030e-01, v3;
	_ =	sdelay $0x1  }
0x25c: {  	v3 =	vmax.f32 v3, v4  }
0x25d: {  	v3 =	vmul.f32 $1.442695020e+00, v3;
	_ =	sdelay $0x1  }
0x25e: {  	(erf) = vpow2.f32 v3;
	_ =	sdelay $0x2  }
0x25f: {  	v3 =	vmov s20  }
0x260: {  	v3 =	vshll.u32 v3, $0x3  }
0x261: {  	v3 =	vor.u32 v1, v3  }
0x262: {  	v62 =	vor.u32 $0x1, v5  }
0x263: {  	v2 =	vor.u32 $0x3, v2;
	_ =	sdelay $0x1  }
0x264: {  	v63 =	vpop (erf)  }
0x265: {  	[tilespmem:v3+s25+$0x0] =	vst.idx.msk $0xffff, v63  }
0x266: {  	v4 =	vld.idx.msk [tilespmem:v62+s4+$0x0], $0xffff  }
0x267: {  	v2 =	vld.idx.msk [tilespmem:v2+s4+$0x0], $0xffff;
	_ =	sdelay $0x4  }
0x268: {  	v2 =	vadd.f32 v2, v4;
	_ =	sdelay $0x1  }
0x269: {  	v4 =	vmul.f32 $2.000000030e-01, v2;
	_ =	sdelay $0x1  }
0x26a: {  	v2 =	vmax.f32 v2, v4  }
0x26b: {  	v2 =	vmul.f32 $1.442695020e+00, v2;
	_ =	sdelay $0x1  }
0x26c: {  	(erf) = vpow2.f32 v2;
	_ =	sdelay $0x3  }
0x26d: {  	s20 =	simm.s32 $0x10;
	v2 =	vor.u32 $0x1, v3  }
.LBB2_16:
0x26e: {  	_ =	sdelay $0x2  }
0x26f: {  	s15 =	sadd.s32 $0x10, s15;
	s18 =	sadd.s32 $0x10, s18;
	s19 =	sadd.s32 $0x10, s19  }
0x270: {  	p0 =	sne.s32 s20, $0x40;
	s21 =	smov.u32 s20;
	s20 =	sadd.s32 $0x10, s20;
	v3 =	vpop (erf)  }
0x271: {  	[tilespmem:v2+s25+$0x0] =	vst.idx.msk $0xffff, v3  }
0x272: {  	v2 =	vld [tilespmem:s18+$0x0]  }
0x273: {  	v3 =	vld [tilespmem:s15+$0x0];
	_ =	sdelay $0x3  }
0x274: {  	v2 =	vshll.u32 v2, $0x2  }
0x275: {  	v4 =	vadd.s32 v0, v3;
	v3 =	vshll.u32 v3, $0x2;
	v5 =	vor.u32 $0x2, v2;
	_ =	sdelay $0x3  }
0x276: {  	[tilespmem:s19+$0x0] =	vst v4  }
0x277: {  	v4 =	vld.idx.msk [tilespmem:v5+s4+$0x0], $0xffff  }
0x278: {  	v5 =	vld.idx.msk [tilespmem:v3+s4+$0x0], $0xffff;
	_ =	sdelay $0x5  }
0x279: {  	v4 =	vadd.f32 v4, v5;
	_ =	sdelay $0x1  }
0x27a: {  	v5 =	vmul.f32 $2.000000030e-01, v4;
	_ =	sdelay $0x1  }
0x27b: {  	v4 =	vmax.f32 v4, v5  }
0x27c: {  	v4 =	vmul.f32 $1.442695020e+00, v4;
	_ =	sdelay $0x1  }
0x27d: {  	(erf) = vpow2.f32 v4;
	_ =	sdelay $0x2  }
0x27e: {  	v4 =	vmov s21  }
0x27f: {  	v4 =	vshll.u32 v4, $0x3  }
0x280: {  	v4 =	vor.u32 v1, v4  }
0x281: {  	v2 =	vor.u32 $0x3, v2;
	v3 =	vor.u32 $0x1, v3;
	_ =	sdelay $0x2  }
0x282: {  	v5 =	vpop (erf)  }
0x283: {  	[tilespmem:v4+s25+$0x0] =	vst.idx.msk $0xffff, v5  }
0x284: {  	v3 =	vld.idx.msk [tilespmem:v3+s4+$0x0], $0xffff  }
0x285: {  	v2 =	vld.idx.msk [tilespmem:v2+s4+$0x0], $0xffff;
	_ =	sdelay $0x5  }
0x286: {  	v2 =	vadd.f32 v2, v3;
	_ =	sdelay $0x1  }
0x287: {  	v3 =	vmul.f32 $2.000000030e-01, v2;
	_ =	sdelay $0x1  }
0x288: {  	v2 =	vmax.f32 v2, v3  }
0x289: {  	v2 =	vmul.f32 $1.442695020e+00, v2;
	_ =	sdelay $0x1  }
.Ltmp9:
0x28a: {  	(erf) = vpow2.f32 v2;
	(pc) =	sbr.rel @p0 .LBB2_16-.Ltmp9, $2  }
0x28b: {  	_ =	sdelay $0x2  }
0x28c: {  	v2 =	vor.u32 $0x1, v4  }
0x28d: {  	_ =	sdelay $0x1  }
.Ltmp10:
0x28e: {  	_ = 	snop;
	(pc) =	sbr.rel .LBB2_6-.Ltmp10, $4  }
0x28f: {  	_ = 	snop  }
0x290: {  	v3 =	vpop (erf)  }
0x291: {  	s14 =	sadd.s32 $0x1, s14;
	[tilespmem:v2+s25+$0x0] =	vst.idx.msk $0xffff, v3  }
0x292: {  	[tilespmem:s31], [sflag:$0x2] =	stream.indirect.gather [hbm4b:s7+s26], $0x40, s30, s26, $0xb8;
	[tilespmem:$0x17AE8] =	vst v63  }
.LBB2_19:
0x293: {  	_ =	sfence.sel $0x180000  }
0x294: {  	[bflag:$0x0] =	sbarrier.arrive $0xFFFF  }
0x295: {  	_ =	strace $0x90000047  }
0x296: {  	s0 =	stileid.u32;
	[bflag:$0x2] =	sbarrier.arrive $0xFFFF  }
0x297: {  	p0 =	sne.s32 s0, $0x0;
	s0 =	rddreg [dreg:$0x4]  }
0x298: {  	s0 =	sadd.s32 @!p0 $0x100000, s0  }
0x299: {  	[sflag:s0] =	ssyncadd.tile.s32 @!p0 $0x1;
	_ =	shalt  }
.Lfunc_end2:
_tile_overlayer_lowered:
.L_overlay_start_2:
0x29a: {  	(tag) =	ssettag $0x2  }
0x29b: {  	s0 =	rddreg [dreg:$0x0];
	s2 =	stileid.u32  }
0x29c: {  	s1 =	rddreg [dreg:$0x1];
	p0 =	sne.s32 s2, $0x0  }
0x29d: {  	s3 =	rddreg [dreg:$0x2];
	[bflag:$0x3] =	sbarrier.arrive $0xFFFF;
	s2 =	simm.s32 @!p0 $0x1C03  }
0x29e: {  	[timem:s3], [sflag:s2] =	dma.local @!p0 [hbm:s0], s1  }
0x29f: {  	s0 =	simm.s32 @!p0 $0x3  }
0x2a0: {  	_ =	swait.ge @!p0 [sflag:s0], s1  }
0x2a1: {  	s1 =	ssub.s32 @!p0 $0x0, s1;
	[sflag:s0] =	ssyncset.done @!p0 $0x0  }
0x2a2: {  	[sflag:s0] =	ssyncadd.s32 @!p0 s1  }
0x2a3: {  	[bflag:$0x3] =	sbarrier.arrive $0xFFFF  }
0x2a4: {  	_ =	shalt  }

</sc_bundles>
